<compile_context>
chip_gen: v7x
topology: tpu7x:2x2x1
jax: 0.10.2.dev20260603
libtpu: 0.0.44.dev20260713+nightly
codegen_flags: <defaults>
</compile_context>

<pallas_src>
import functools

import jax
import jax.numpy as jnp
from jax import lax
from jax.experimental import pallas as pl
from jax.experimental.pallas import tpu as pltpu
from jax.experimental.pallas import tpu_sc as plsc

B = 8
N = 4096
S = 1024
K = 16
CIN = 128
COUT = 256
EPS = 1e-5
GW = 128
SB2 = 256
SB4 = 128
NTOT = B * S * K


def _fps_body(xyz_ref, eye_ref, nt_ref):
    x = xyz_ref[:, 0, :]
    y = xyz_ref[:, 1, :]
    z = xyz_ref[:, 2, :]
    lanes = jax.lax.broadcasted_iota(jnp.int32, (B, N), 1)
    eye = eye_ref[...]

    def body(i, carry):
        dist, far = carry
        cm = lanes == far
        cx = jnp.sum(jnp.where(cm, x, 0.0), axis=1, keepdims=True)
        cy = jnp.sum(jnp.where(cm, y, 0.0), axis=1, keepdims=True)
        cz = jnp.sum(jnp.where(cm, z, 0.0), axis=1, keepdims=True)
        pck = jnp.concatenate([cx, cy, cz], axis=1)
        t = jax.lax.dot_general(pck, eye, (((0,), (0,)), ((), ())),
                                precision=jax.lax.Precision.HIGHEST,
                                preferred_element_type=jnp.float32)
        t8 = jnp.concatenate([t, jnp.zeros((5, B), jnp.float32)], axis=0)
        nt_ref[pl.ds(8 * i, 8), :] = t8
        dx = x - cx
        dy = y - cy
        dz = z - cz
        d = dx * dx + dy * dy + dz * dz
        dist = jnp.minimum(dist, d)
        m = jnp.max(dist, axis=1, keepdims=True)
        far = jnp.min(jnp.where(dist == m, lanes, N), axis=1, keepdims=True)
        return dist, far

    dist0 = jnp.full((B, N), 1e10, jnp.float32)
    far0 = jnp.zeros((B, 1), jnp.int32)
    jax.lax.fori_loop(0, S, body, (dist0, far0))


def _run_fps(xyz):
    return pl.pallas_call(
        _fps_body,
        out_shape=jax.ShapeDtypeStruct((8 * S, B), jnp.float32),
    )(xyz, jnp.eye(B, dtype=jnp.float32))


def _knn_body(xyz_ref, newt_ref, knn_ref):
    x = xyz_ref[0, 0:1, :]
    y = xyz_ref[0, 1:2, :]
    z = xyz_ref[0, 2:3, :]
    cx = newt_ref[0, :, 0:1]
    cy = newt_ref[0, :, 1:2]
    cz = newt_ref[0, :, 2:3]
    dx = cx - x
    dy = cy - y
    dz = cz - z
    d2 = dx * dx + dy * dy + dz * dz
    lanes = jax.lax.broadcasted_iota(jnp.int32, (SB2, N), 1)
    for k in range(K):
        m = jnp.min(d2, axis=1, keepdims=True)
        idx = jnp.min(jnp.where(d2 == m, lanes, N), axis=1, keepdims=True)
        knn_ref[0, :, k:k + 1] = idx
        d2 = jnp.where(lanes == idx, jnp.float32(jnp.inf), d2)


def _run_knn(xyz, newt):
    return pl.pallas_call(
        _knn_body,
        grid=(B, S // SB2),
        in_specs=[
            pl.BlockSpec((1, 3, N), lambda b, j: (b, 0, 0)),
            pl.BlockSpec((1, SB2, 3), lambda b, j: (b, j, 0)),
        ],
        out_specs=pl.BlockSpec((1, SB2, K), lambda b, j: (b, j, 0)),
        out_shape=jax.ShapeDtypeStruct((B, S, K), jnp.int32),
    )(xyz, newt)


def _feat_body(xyz_ref, pts_ref, newt_ref, w1p_ref, w1x_ref, g_ref, x1_ref):
    xyzb = xyz_ref[0]
    ptsb = pts_ref[0]
    ut = jax.lax.dot_general(ptsb, w1p_ref[...], (((0,), (1,)), ((), ())),
                             preferred_element_type=jnp.float32)
    ut = ut + jax.lax.dot_general(xyzb, w1x_ref[...], (((0,), (1,)), ((), ())),
                                  preferred_element_type=jnp.float32)
    g_ref[...] = ut
    x1_ref[0] = jax.lax.dot_general(
        newt_ref[0], w1x_ref[...], (((1,), (1,)), ((), ())),
        preferred_element_type=jnp.float32)


def _run_feat(xyz, points, newt, w1p, w1x):
    return pl.pallas_call(
        _feat_body,
        grid=(B,),
        in_specs=[
            pl.BlockSpec((1, 3, N), lambda b: (b, 0, 0)),
            pl.BlockSpec((1, CIN, N), lambda b: (b, 0, 0)),
            pl.BlockSpec((1, S, 3), lambda b: (b, 0, 0)),
            pl.BlockSpec((CIN, CIN), lambda b: (0, 0)),
            pl.BlockSpec((CIN, 3), lambda b: (0, 0)),
        ],
        out_specs=(
            pl.BlockSpec((N, GW), lambda b: (b, 0)),
            pl.BlockSpec((1, S, CIN), lambda b: (b, 0, 0)),
        ),
        out_shape=(
            jax.ShapeDtypeStruct((B * N, GW), jnp.float32),
            jax.ShapeDtypeStruct((B, S, CIN), jnp.float32),
        ),
    )(xyz, points, newt, w1p, w1x)


NW = 32
ROWS_W = NTOT // NW
CHUNK = 512


def _sc_gather(g_flat, idx_flat, xyz):
    mesh = plsc.VectorSubcoreMesh(core_axis_name="c", subcore_axis_name="s")

    @functools.partial(
        pl.kernel,
        out_type=(
            jax.ShapeDtypeStruct((NTOT, GW), jnp.float32),
            jax.ShapeDtypeStruct((NTOT,), jnp.float32),
            jax.ShapeDtypeStruct((NTOT,), jnp.float32),
            jax.ShapeDtypeStruct((NTOT,), jnp.float32),
        ),
        mesh=mesh,
        compiler_params=pltpu.CompilerParams(needs_layout_passes=False),
        scratch_types=[
            pltpu.VMEM((ROWS_W,), jnp.int32),
            pltpu.VMEM((CHUNK, GW), jnp.float32),
            pltpu.VMEM((N,), jnp.float32),
            pltpu.VMEM((N,), jnp.float32),
            pltpu.VMEM((N,), jnp.float32),
            pltpu.VMEM((CHUNK,), jnp.float32),
            pltpu.VMEM((CHUNK,), jnp.float32),
            pltpu.VMEM((CHUNK,), jnp.float32),
            pltpu.SemaphoreType.DMA,
        ],
    )
    def k(g_hbm, idx_hbm, xyz_hbm, out_hbm, gx_hbm, gy_hbm, gz_hbm,
          idx_v, rows_v, xb_v, yb_v, zb_v, gxv, gyv, gzv, sem):
        wid = lax.axis_index("s") * 2 + lax.axis_index("c")
        base = wid * ROWS_W
        b = wid // (NW // B)
        pltpu.sync_copy(idx_hbm.at[pl.ds(base, ROWS_W)], idx_v)
        pltpu.sync_copy(xyz_hbm.at[pl.ds(b * 3 * N, N)], xb_v)
        pltpu.sync_copy(xyz_hbm.at[pl.ds((b * 3 + 1) * N, N)], yb_v)
        pltpu.sync_copy(xyz_hbm.at[pl.ds((b * 3 + 2) * N, N)], zb_v)
        boff = b * N
        for ch in range(ROWS_W // CHUNK):
            cbase = ch * CHUNK
            cp = pltpu.async_copy(
                g_hbm.at[idx_v.at[pl.ds(cbase, CHUNK)]], rows_v, sem)

            def jb(j, _):
                i16 = idx_v[pl.ds(cbase + j * 16, 16)] - boff
                gxv[pl.ds(j * 16, 16)] = plsc.load_gather(xb_v, [i16])
                gyv[pl.ds(j * 16, 16)] = plsc.load_gather(yb_v, [i16])
                gzv[pl.ds(j * 16, 16)] = plsc.load_gather(zb_v, [i16])
                return 0

            lax.fori_loop(0, CHUNK // 16, jb, 0)
            pltpu.sync_copy(gxv, gx_hbm.at[pl.ds(base + cbase, CHUNK)])
            pltpu.sync_copy(gyv, gy_hbm.at[pl.ds(base + cbase, CHUNK)])
            pltpu.sync_copy(gzv, gz_hbm.at[pl.ds(base + cbase, CHUNK)])
            cp.wait()
            pltpu.sync_copy(rows_v, out_hbm.at[pl.ds(base + cbase, CHUNK)])

    return k(g_flat, idx_flat, xyz.reshape(B * 3 * N))


def _l1_body(g_ref, x1_ref, gx_ref, gy_ref, gz_ref, newt_ref, b1_ref,
             y1_ref, ox_ref, oy_ref, oz_ref, s1_ref, q1_ref):
    g = g_ref[...].reshape(SB4, K, CIN)
    x1 = x1_ref[0]
    y1 = g - x1[:, None, :] + b1_ref[...]
    y1_ref[...] = y1.reshape(SB4 * K, CIN)
    nt = newt_ref[0]
    ox_ref[0] = gx_ref[0] - nt[:, 0:1]
    oy_ref[0] = gy_ref[0] - nt[:, 1:2]
    oz_ref[0] = gz_ref[0] - nt[:, 2:3]

    @pl.when((pl.program_id(0) == 0) & (pl.program_id(1) == 0))
    def _():
        s1_ref[...] = jnp.zeros((1, CIN), jnp.float32)
        q1_ref[...] = jnp.zeros((1, CIN), jnp.float32)

    t = jnp.sum(y1, axis=1)
    t2 = jnp.sum(y1 * y1, axis=1)
    s1_ref[...] += jnp.sum(t, axis=0, keepdims=True)
    q1_ref[...] += jnp.sum(t2, axis=0, keepdims=True)


def _run_l1(gg, x1t, gx, gy, gz, newt, b1):
    nb = S // SB4
    return pl.pallas_call(
        _l1_body,
        grid=(B, nb),
        in_specs=[
            pl.BlockSpec((SB4 * K, CIN), lambda b, j, nb=nb: (b * nb + j, 0)),
            pl.BlockSpec((1, SB4, CIN), lambda b, j: (b, j, 0)),
            pl.BlockSpec((1, SB4, K), lambda b, j: (b, j, 0)),
            pl.BlockSpec((1, SB4, K), lambda b, j: (b, j, 0)),
            pl.BlockSpec((1, SB4, K), lambda b, j: (b, j, 0)),
            pl.BlockSpec((1, SB4, 3), lambda b, j: (b, j, 0)),
            pl.BlockSpec((1, CIN), lambda b, j: (0, 0)),
        ],
        out_specs=(
            pl.BlockSpec((SB4 * K, CIN), lambda b, j, nb=nb: (b * nb + j, 0)),
            pl.BlockSpec((1, SB4, K), lambda b, j: (b, j, 0)),
            pl.BlockSpec((1, SB4, K), lambda b, j: (b, j, 0)),
            pl.BlockSpec((1, SB4, K), lambda b, j: (b, j, 0)),
            pl.BlockSpec((1, CIN), lambda b, j: (0, 0)),
            pl.BlockSpec((1, CIN), lambda b, j: (0, 0)),
        ),
        out_shape=(
            jax.ShapeDtypeStruct((NTOT, CIN), jnp.float32),
            jax.ShapeDtypeStruct((B, S, K), jnp.float32),
            jax.ShapeDtypeStruct((B, S, K), jnp.float32),
            jax.ShapeDtypeStruct((B, S, K), jnp.float32),
            jax.ShapeDtypeStruct((1, CIN), jnp.float32),
            jax.ShapeDtypeStruct((1, CIN), jnp.float32),
        ),
    )(gg, x1t, gx, gy, gz, newt, b1)


def _bn1_relu(y1_2d, s1_ref, q1_ref, g1_ref, be1_ref):
    n = jnp.float32(NTOT)
    m1 = s1_ref[...] / n
    v1 = q1_ref[...] / n - m1 * m1
    sc1 = jax.lax.rsqrt(v1 + EPS) * g1_ref[...]
    return jnp.maximum((y1_2d - m1) * sc1 + be1_ref[...], 0.0)


def _l2s_body(y1_ref, s1_ref, q1_ref, g1_ref, be1_ref, w2_ref, b2_ref,
              s2_ref, q2_ref):
    y = y1_ref[...]
    yn = _bn1_relu(y, s1_ref, q1_ref, g1_ref, be1_ref)
    y2 = jax.lax.dot_general(yn, w2_ref[...], (((1,), (1,)), ((), ())),
                             preferred_element_type=jnp.float32) + b2_ref[...]

    @pl.when((pl.program_id(0) == 0) & (pl.program_id(1) == 0))
    def _():
        s2_ref[...] = jnp.zeros((1, COUT), jnp.float32)
        q2_ref[...] = jnp.zeros((1, COUT), jnp.float32)

    s2_ref[...] += jnp.sum(y2, axis=0, keepdims=True)
    q2_ref[...] += jnp.sum(y2 * y2, axis=0, keepdims=True)


def _run_l2s(y1, s1, q1, g1, be1, w2, b2):
    nb = S // SB4
    return pl.pallas_call(
        _l2s_body,
        grid=(B, nb),
        in_specs=[
            pl.BlockSpec((SB4 * K, CIN), lambda b, j, nb=nb: (b * nb + j, 0)),
            pl.BlockSpec((1, CIN), lambda b, j: (0, 0)),
            pl.BlockSpec((1, CIN), lambda b, j: (0, 0)),
            pl.BlockSpec((1, CIN), lambda b, j: (0, 0)),
            pl.BlockSpec((1, CIN), lambda b, j: (0, 0)),
            pl.BlockSpec((COUT, CIN), lambda b, j: (0, 0)),
            pl.BlockSpec((1, COUT), lambda b, j: (0, 0)),
        ],
        out_specs=(
            pl.BlockSpec((1, COUT), lambda b, j: (0, 0)),
            pl.BlockSpec((1, COUT), lambda b, j: (0, 0)),
        ),
        out_shape=(
            jax.ShapeDtypeStruct((1, COUT), jnp.float32),
            jax.ShapeDtypeStruct((1, COUT), jnp.float32),
        ),
    )(y1, s1, q1, g1, be1, w2, b2)


def _out_body(y1_ref, s1_ref, q1_ref, g1_ref, be1_ref, w2_ref, b2_ref,
              s2_ref, q2_ref, g2_ref, be2_ref, h_ref, p_ref):
    y = y1_ref[...]
    yn = _bn1_relu(y, s1_ref, q1_ref, g1_ref, be1_ref)
    y2 = jax.lax.dot_general(yn, w2_ref[...], (((1,), (1,)), ((), ())),
                             preferred_element_type=jnp.float32) + b2_ref[...]
    n = jnp.float32(NTOT)
    m2 = s2_ref[...] / n
    v2 = q2_ref[...] / n - m2 * m2
    sc2 = jax.lax.rsqrt(v2 + EPS) * g2_ref[...]
    h = jnp.maximum((y2 - m2) * sc2 + be2_ref[...], 0.0)
    h_ref[...] = h
    p_ref[0] = jnp.max(h.reshape(SB4, K, COUT), axis=1)


def _run_out(y1, s1, q1, g1, be1, w2, b2, s2, q2, g2, be2):
    nb = S // SB4
    return pl.pallas_call(
        _out_body,
        grid=(B, nb),
        in_specs=[
            pl.BlockSpec((SB4 * K, CIN), lambda b, j, nb=nb: (b * nb + j, 0)),
            pl.BlockSpec((1, CIN), lambda b, j: (0, 0)),
            pl.BlockSpec((1, CIN), lambda b, j: (0, 0)),
            pl.BlockSpec((1, CIN), lambda b, j: (0, 0)),
            pl.BlockSpec((1, CIN), lambda b, j: (0, 0)),
            pl.BlockSpec((COUT, CIN), lambda b, j: (0, 0)),
            pl.BlockSpec((1, COUT), lambda b, j: (0, 0)),
            pl.BlockSpec((1, COUT), lambda b, j: (0, 0)),
            pl.BlockSpec((1, COUT), lambda b, j: (0, 0)),
            pl.BlockSpec((1, COUT), lambda b, j: (0, 0)),
            pl.BlockSpec((1, COUT), lambda b, j: (0, 0)),
        ],
        out_specs=(
            pl.BlockSpec((SB4 * K, COUT), lambda b, j, nb=nb: (b * nb + j, 0)),
            pl.BlockSpec((1, SB4, COUT), lambda b, j: (b, j, 0)),
        ),
        out_shape=(
            jax.ShapeDtypeStruct((NTOT, COUT), jnp.float32),
            jax.ShapeDtypeStruct((B, S, COUT), jnp.float32),
        ),
    )(y1, s1, q1, g1, be1, w2, b2, s2, q2, g2, be2)


@jax.jit
def kernel(xyz, points, W1, b1, g1, be1, W2, b2, g2, be2):
    nt = _run_fps(xyz)
    newt = nt.reshape(S, 8, B)[:, :3, :].transpose(2, 0, 1)
    ntt = newt.transpose(0, 2, 1)
    knn = _run_knn(xyz, newt)

    w1x = W1[:, 0:3]
    w1p = W1[:, 3:]
    gg, x1t = _run_feat(xyz, points, newt, w1p, w1x)

    gidx = knn + (jnp.arange(B, dtype=jnp.int32) * N)[:, None, None]
    gathered, gx, gy, gz = _sc_gather(gg, gidx.reshape(NTOT), xyz)
    gx = gx.reshape(B, S, K)
    gy = gy.reshape(B, S, K)
    gz = gz.reshape(B, S, K)

    b1r = b1.reshape(1, CIN)
    y1, gxnx, gxny, gxnz, s1, q1 = _run_l1(gathered, x1t, gx, gy, gz,
                                           newt, b1r)

    g1r = g1.reshape(1, CIN)
    be1r = be1.reshape(1, CIN)
    b2r = b2.reshape(1, COUT)
    s2, q2 = _run_l2s(y1, s1, q1, g1r, be1r, W2, b2r)

    g2r = g2.reshape(1, COUT)
    be2r = be2.reshape(1, COUT)
    h, pooled = _run_out(y1, s1, q1, g1r, be1r, W2, b2r, s2, q2, g2r, be2r)

    new_xyz_o = ntt
    pooled_o = pooled.transpose(0, 2, 1)
    gxn_o = jnp.stack([gxnx, gxny, gxnz], axis=1)
    h_o = h.reshape(B, S, K, COUT).transpose(0, 3, 1, 2)
    return new_xyz_o, pooled_o, gxn_o, h_o

# --- scband reference (transcript-rebuilt; emitter-appended) ---
"""Pipeline reference for scband-tdlayer-2396591751779 (READ-ONLY COPY).

The authoritative reference and input builder live on the scoring server;
editing this copy changes nothing except your own understanding.
"""

import jax, jax.numpy as jnp
import numpy as np

B = 8
N = 4096
NPOINT = 1024
K = 16
IN_DIM = 128
OUT_DIM = 256
EPS = 1e-5


def setup_inputs(seed: int = 0):
    key = jax.random.key(seed)
    ks = jax.random.split(key, 4)
    xyz = jax.random.normal(ks[0], (B, 3, N), dtype=jnp.float32)
    points = jax.random.normal(ks[1], (B, IN_DIM, N), dtype=jnp.float32)
    W1 = jax.random.normal(ks[2], (IN_DIM, IN_DIM + 3), dtype=jnp.float32) * (1.0 / np.sqrt(IN_DIM + 3))
    b1 = jnp.zeros((IN_DIM,), dtype=jnp.float32)
    g1 = jnp.ones((IN_DIM,), dtype=jnp.float32)
    be1 = jnp.zeros((IN_DIM,), dtype=jnp.float32)
    W2 = jax.random.normal(ks[3], (OUT_DIM, IN_DIM), dtype=jnp.float32) * (1.0 / np.sqrt(IN_DIM))
    b2 = jnp.zeros((OUT_DIM,), dtype=jnp.float32)
    g2 = jnp.ones((OUT_DIM,), dtype=jnp.float32)
    be2 = jnp.zeros((OUT_DIM,), dtype=jnp.float32)
    return {"xyz": xyz, "points": points, "W1": W1, "b1": b1, "g1": g1, "be1": be1, "W2": W2, "b2": b2, "g2": g2, "be2": be2}


def farthest_point_sample(xyz_pts, npoint):
    Bb, Nn, _ = xyz_pts.shape
    def body(i, state):
        dist, idxs, farthest = state
        idxs = idxs.at[:, i].set(farthest)
        centroid = jnp.take_along_axis(xyz_pts, farthest[:, None, None], axis=1)
        d = jnp.sum((xyz_pts - centroid) ** 2, axis=-1)
        dist = jnp.minimum(dist, d)
        farthest = jnp.argmax(dist, axis=-1).astype(jnp.int32)
        return (dist, idxs, farthest)
    dist0 = jnp.full((Bb, Nn), 1e10, dtype=jnp.float32)
    idxs0 = jnp.zeros((Bb, npoint), dtype=jnp.int32)
    far0 = jnp.zeros((Bb,), dtype=jnp.int32)
    _, idxs, _ = jax.lax.fori_loop(0, npoint, body, (dist0, idxs0, far0))
    return idxs


def bn_relu(x, gamma, beta):
    # training-mode BatchNorm2d over (B, S, K) per channel
    mean = jnp.mean(x, axis=(0, 2, 3), keepdims=True)
    var = jnp.var(x, axis=(0, 2, 3), keepdims=True)
    xn = (x - mean) / jnp.sqrt(var + EPS)
    return jax.nn.relu(xn * gamma[None, :, None, None] + beta[None, :, None, None])


def reference(xyz, points, W1, b1, g1, be1, W2, b2, g2, be2):
    xyz_pts = jnp.transpose(xyz, (0, 2, 1))  # [B, N, 3]
    # FPS sampling (indices are discrete, non-differentiable)
    fps_idx = farthest_point_sample(jax.lax.stop_gradient(xyz_pts), NPOINT)
    new_xyz = jnp.take_along_axis(xyz_pts, fps_idx[:, :, None], axis=1)  # [B, S, 3]
    # kNN: for each sampled centroid, k nearest among all N points
    d2 = jnp.sum((new_xyz[:, :, None, :] - xyz_pts[:, None, :, :]) ** 2, axis=-1)  # [B, S, N]
    _, knn_idx = jax.lax.top_k(-jax.lax.stop_gradient(d2), K)  # [B, S, K]
    idx_flat = knn_idx.reshape(B, NPOINT * K)
    grouped_xyz = jnp.take_along_axis(xyz_pts, idx_flat[:, :, None], axis=1).reshape(B, NPOINT, K, 3)
    grouped_xyz_norm = jnp.transpose(grouped_xyz - new_xyz[:, :, None, :], (0, 3, 1, 2))  # [B, 3, S, K]
    grouped_points = jnp.take_along_axis(points, idx_flat[:, None, :], axis=2).reshape(B, IN_DIM, NPOINT, K)
    new_points = jnp.concatenate([grouped_xyz_norm, grouped_points], axis=1)  # [B, 3+C, S, K]
    h = bn_relu(jnp.einsum('oc,bcsk->bosk', W1, new_points) + b1[None, :, None, None], g1, be1)
    h = bn_relu(jnp.einsum('oc,bcsk->bosk', W2, h) + b2[None, :, None, None], g2, be2)
    new_points_pooled = jnp.max(h, axis=3)  # [B, OUT_DIM, S]
    return (jnp.transpose(new_xyz, (0, 2, 1)), new_points_pooled, grouped_xyz_norm, h)

if __name__ == "__main__":
    import jax
    _d = setup_inputs()
    print(jax.jit(kernel)(*tuple(_d.values())))

</pallas_src>

<mosaic_0001>
#map = affine_map<(d0, d1) -> (0, 0)>
#map1 = affine_map<(d0, d1) -> (0)>
module attributes {stable_mosaic.version = 14 : i64} {
  func.func @k(%arg0: i32, %arg1: i32, %arg2: memref<32768x128xf32, #tpu.memory_space<hbm>>, %arg3: memref<131072xi32, #tpu.memory_space<hbm>>, %arg4: memref<98304xf32, #tpu.memory_space<hbm>>, %arg5: memref<131072x128xf32, #tpu.memory_space<hbm>>, %arg6: memref<131072xf32, #tpu.memory_space<hbm>>, %arg7: memref<131072xf32, #tpu.memory_space<hbm>>, %arg8: memref<131072xf32, #tpu.memory_space<hbm>>, %arg9: memref<4096xi32, #tpu.memory_space<vmem>>, %arg10: memref<512x128xf32, #tpu.memory_space<vmem>>, %arg11: memref<4096xf32, #tpu.memory_space<vmem>>, %arg12: memref<4096xf32, #tpu.memory_space<vmem>>, %arg13: memref<4096xf32, #tpu.memory_space<vmem>>, %arg14: memref<512xf32, #tpu.memory_space<vmem>>, %arg15: memref<512xf32, #tpu.memory_space<vmem>>, %arg16: memref<512xf32, #tpu.memory_space<vmem>>, %arg17: memref<!tpu.dma_semaphore, #tpu.memory_space<semaphore_mem>>) attributes {dimension_semantics = [#tpu.dimension_semantics<core_parallel>, #tpu.dimension_semantics<subcore_parallel>], iteration_bounds = array<i64: 2, 16>, scalar_prefetch = 0 : i64, scratch_operands = 9 : i64, tpu.core_type = #tpu.core_type<sc_vector_subcore>, window_params = [{transform_indices = #map}, {transform_indices = #map1}, {transform_indices = #map1}, {transform_indices = #map}, {transform_indices = #map1}, {transform_indices = #map1}, {transform_indices = #map1}]} {
    %mul3A = arith.constant 2 : i32
    %mul3A_0 = arith.muli %arg1, %mul3A : i32
    %add3A = arith.addi %mul3A_0, %arg0 : i32
    %mul3A_1 = arith.constant 4096 : i32
    %mul3A_2 = arith.muli %add3A, %mul3A_1 : i32
    %jit3A = arith.constant 4 : i32
    %div3A = arith.divsi %add3A, %jit3A : i32
    %sign3A = arith.constant 0 : i32
    %sign3A_3 = arith.cmpi sgt, %add3A, %sign3A : i32
    %sign3A_4 = arith.extui %sign3A_3 : i1 to i32
    %sign3A_5 = arith.constant 0 : i32
    %sign3A_6 = arith.cmpi slt, %add3A, %sign3A_5 : i32
    %sign3A_7 = arith.extui %sign3A_6 : i1 to i32
    %sign3A_8 = arith.subi %sign3A_4, %sign3A_7 : i32
    %sign3A_9 = arith.constant 0 : i32
    %sign3A_10 = arith.cmpi sgt, %jit3A, %sign3A_9 : i32
    %sign3A_11 = arith.extui %sign3A_10 : i1 to i32
    %sign3A_12 = arith.constant 0 : i32
    %sign3A_13 = arith.cmpi slt, %jit3A, %sign3A_12 : i32
    %sign3A_14 = arith.extui %sign3A_13 : i1 to i32
    %sign3A_15 = arith.subi %sign3A_11, %sign3A_14 : i32
    %ne3A = arith.cmpi ne, %sign3A_8, %sign3A_15 : i32
    %rem3A = arith.remsi %add3A, %jit3A : i32
    %ne3A_16 = arith.constant 0 : i32
    %ne3A_17 = arith.cmpi ne, %rem3A, %ne3A_16 : i32
    %and3A = arith.andi %ne3A, %ne3A_17 : i1
    %sub3A = arith.constant 1 : i32
    %sub3A_18 = arith.subi %div3A, %sub3A : i32
    %select_n3A = arith.select %and3A, %sub3A_18, %div3A : i32
    "tpu.region"() ({
      %run_scoped3A = tpu.sem_alloc : memref<!tpu.dma_semaphore, #tpu.memory_space<semaphore_mem>>
      %dma_start3A_234 = tpu.memref_slice %arg3[%mul3A_2] : memref<131072xi32, #tpu.memory_space<hbm>> -> memref<4096xi32, #tpu.memory_space<hbm>>
      %dma_start3A_235 = tpu.memref_slice %arg3[%mul3A_2] : memref<131072xi32, #tpu.memory_space<hbm>> -> memref<4096xi32, #tpu.memory_space<hbm>>
      tpu.enqueue_dma source(%dma_start3A_235 : memref<4096xi32, #tpu.memory_space<hbm>>) target(%arg9 : memref<4096xi32, #tpu.memory_space<vmem>>) target_semaphore(%run_scoped3A : memref<!tpu.dma_semaphore, #tpu.memory_space<semaphore_mem>>)
      %dma_wait3A_236 = tpu.memref_slice %arg3[%mul3A_2] : memref<131072xi32, #tpu.memory_space<hbm>> -> memref<4096xi32, #tpu.memory_space<hbm>>
      %dma_wait3A_237 = tpu.memref_slice %arg3[%mul3A_2] : memref<131072xi32, #tpu.memory_space<hbm>> -> memref<4096xi32, #tpu.memory_space<hbm>>
      tpu.wait_dma2 semaphore(%run_scoped3A : memref<!tpu.dma_semaphore, #tpu.memory_space<semaphore_mem>>) src(%dma_wait3A_237 : memref<4096xi32, #tpu.memory_space<hbm>>) dst(%arg9 : memref<4096xi32, #tpu.memory_space<vmem>>)
      tpu.yield
    }) : () -> ()
    %mul3A_19 = arith.constant 3 : i32
    %mul3A_20 = arith.muli %select_n3A, %mul3A_19 : i32
    %mul3A_21 = arith.constant 4096 : i32
    %mul3A_22 = arith.muli %mul3A_20, %mul3A_21 : i32
    "tpu.region"() ({
      %run_scoped3A = tpu.sem_alloc : memref<!tpu.dma_semaphore, #tpu.memory_space<semaphore_mem>>
      %dma_start3A_234 = tpu.memref_slice %arg4[%mul3A_22] : memref<98304xf32, #tpu.memory_space<hbm>> -> memref<4096xf32, #tpu.memory_space<hbm>>
      %dma_start3A_235 = tpu.memref_slice %arg4[%mul3A_22] : memref<98304xf32, #tpu.memory_space<hbm>> -> memref<4096xf32, #tpu.memory_space<hbm>>
      tpu.enqueue_dma source(%dma_start3A_235 : memref<4096xf32, #tpu.memory_space<hbm>>) target(%arg11 : memref<4096xf32, #tpu.memory_space<vmem>>) target_semaphore(%run_scoped3A : memref<!tpu.dma_semaphore, #tpu.memory_space<semaphore_mem>>)
      %dma_wait3A_236 = tpu.memref_slice %arg4[%mul3A_22] : memref<98304xf32, #tpu.memory_space<hbm>> -> memref<4096xf32, #tpu.memory_space<hbm>>
      %dma_wait3A_237 = tpu.memref_slice %arg4[%mul3A_22] : memref<98304xf32, #tpu.memory_space<hbm>> -> memref<4096xf32, #tpu.memory_space<hbm>>
      tpu.wait_dma2 semaphore(%run_scoped3A : memref<!tpu.dma_semaphore, #tpu.memory_space<semaphore_mem>>) src(%dma_wait3A_237 : memref<4096xf32, #tpu.memory_space<hbm>>) dst(%arg11 : memref<4096xf32, #tpu.memory_space<vmem>>)
      tpu.yield
    }) : () -> ()
    %mul3A_23 = arith.constant 3 : i32
    %mul3A_24 = arith.muli %select_n3A, %mul3A_23 : i32
    %add3A_25 = arith.constant 1 : i32
    %add3A_26 = arith.addi %mul3A_24, %add3A_25 : i32
    %mul3A_27 = arith.constant 4096 : i32
    %mul3A_28 = arith.muli %add3A_26, %mul3A_27 : i32
    "tpu.region"() ({
      %run_scoped3A = tpu.sem_alloc : memref<!tpu.dma_semaphore, #tpu.memory_space<semaphore_mem>>
      %dma_start3A_234 = tpu.memref_slice %arg4[%mul3A_28] : memref<98304xf32, #tpu.memory_space<hbm>> -> memref<4096xf32, #tpu.memory_space<hbm>>
      %dma_start3A_235 = tpu.memref_slice %arg4[%mul3A_28] : memref<98304xf32, #tpu.memory_space<hbm>> -> memref<4096xf32, #tpu.memory_space<hbm>>
      tpu.enqueue_dma source(%dma_start3A_235 : memref<4096xf32, #tpu.memory_space<hbm>>) target(%arg12 : memref<4096xf32, #tpu.memory_space<vmem>>) target_semaphore(%run_scoped3A : memref<!tpu.dma_semaphore, #tpu.memory_space<semaphore_mem>>)
      %dma_wait3A_236 = tpu.memref_slice %arg4[%mul3A_28] : memref<98304xf32, #tpu.memory_space<hbm>> -> memref<4096xf32, #tpu.memory_space<hbm>>
      %dma_wait3A_237 = tpu.memref_slice %arg4[%mul3A_28] : memref<98304xf32, #tpu.memory_space<hbm>> -> memref<4096xf32, #tpu.memory_space<hbm>>
      tpu.wait_dma2 semaphore(%run_scoped3A : memref<!tpu.dma_semaphore, #tpu.memory_space<semaphore_mem>>) src(%dma_wait3A_237 : memref<4096xf32, #tpu.memory_space<hbm>>) dst(%arg12 : memref<4096xf32, #tpu.memory_space<vmem>>)
      tpu.yield
    }) : () -> ()
    %mul3A_29 = arith.constant 3 : i32
    %mul3A_30 = arith.muli %select_n3A, %mul3A_29 : i32
    %add3A_31 = arith.constant 2 : i32
    %add3A_32 = arith.addi %mul3A_30, %add3A_31 : i32
    %mul3A_33 = arith.constant 4096 : i32
    %mul3A_34 = arith.muli %add3A_32, %mul3A_33 : i32
    "tpu.region"() ({
      %run_scoped3A = tpu.sem_alloc : memref<!tpu.dma_semaphore, #tpu.memory_space<semaphore_mem>>
      %dma_start3A_234 = tpu.memref_slice %arg4[%mul3A_34] : memref<98304xf32, #tpu.memory_space<hbm>> -> memref<4096xf32, #tpu.memory_space<hbm>>
      %dma_start3A_235 = tpu.memref_slice %arg4[%mul3A_34] : memref<98304xf32, #tpu.memory_space<hbm>> -> memref<4096xf32, #tpu.memory_space<hbm>>
      tpu.enqueue_dma source(%dma_start3A_235 : memref<4096xf32, #tpu.memory_space<hbm>>) target(%arg13 : memref<4096xf32, #tpu.memory_space<vmem>>) target_semaphore(%run_scoped3A : memref<!tpu.dma_semaphore, #tpu.memory_space<semaphore_mem>>)
      %dma_wait3A_236 = tpu.memref_slice %arg4[%mul3A_34] : memref<98304xf32, #tpu.memory_space<hbm>> -> memref<4096xf32, #tpu.memory_space<hbm>>
      %dma_wait3A_237 = tpu.memref_slice %arg4[%mul3A_34] : memref<98304xf32, #tpu.memory_space<hbm>> -> memref<4096xf32, #tpu.memory_space<hbm>>
      tpu.wait_dma2 semaphore(%run_scoped3A : memref<!tpu.dma_semaphore, #tpu.memory_space<semaphore_mem>>) src(%dma_wait3A_237 : memref<4096xf32, #tpu.memory_space<hbm>>) dst(%arg13 : memref<4096xf32, #tpu.memory_space<vmem>>)
      tpu.yield
    }) : () -> ()
    %mul3A_35 = arith.constant 4096 : i32
    %mul3A_36 = arith.muli %select_n3A, %mul3A_35 : i32
    %dma_start3A = arith.constant 0 : i32
    %dma_start3A_37 = tpu.memref_slice %arg9[%dma_start3A] : memref<4096xi32, #tpu.memory_space<vmem>> -> memref<512xi32, #tpu.memory_space<vmem>>
    %dma_start3A_38 = arith.constant 0 : i32
    %dma_start3A_39 = arith.constant 0 : i32
    %dma_start3A_40 = tpu.memref_slice %arg2[%dma_start3A_38, %dma_start3A_39] : memref<32768x128xf32, #tpu.memory_space<hbm>> -> memref<32768x128xf32, #tpu.memory_space<hbm>>
    tpu.enqueue_indirect_dma source(%dma_start3A_40 : memref<32768x128xf32, #tpu.memory_space<hbm>>) target(%arg10 : memref<512x128xf32, #tpu.memory_space<vmem>>) offsets(%dma_start3A_37 : memref<512xi32, #tpu.memory_space<vmem>>) semaphore(%arg17 : memref<!tpu.dma_semaphore, #tpu.memory_space<semaphore_mem>>)
    %scan3A = arith.constant 0 : i32
    %scan3A_41 = arith.constant 0 : i32
    %scan3A_42 = arith.constant 32 : i32
    %scan3A_43 = arith.addi %scan3A_41, %scan3A_42 : i32
    %scan3A_44 = arith.constant 1 : i32
    %scan3A_45 = scf.for %scan3A_234 = %scan3A_41 to %scan3A_43 step %scan3A_44 iter_args(%scan3A_235 = %scan3A) -> (i32)  : i32 {
      %mul3A_236 = arith.constant 16 : i32
      %mul3A_237 = arith.muli %scan3A_234, %mul3A_236 : i32
      %add3A_238 = arith.constant 0 : i32
      %add3A_239 = arith.addi %add3A_238, %mul3A_237 : i32
      %get3A = arith.index_cast %add3A_239 : i32 to index
      %get3A_240 = tpu.vector_load %arg9[%get3A] {strides = array<i32>} : memref<4096xi32, #tpu.memory_space<vmem>>, vector<16xi32>,
      %sub3A_241 = vector.broadcast %mul3A_36 : i32 to vector<16xi32>
      %sub3A_242 = arith.subi %get3A_240, %sub3A_241 : vector<16xi32>
      %gather3A = tpu.vector_load_idx %arg11[%sub3A_242] : memref<4096xf32, #tpu.memory_space<vmem>>[vector<16xi32>], vector<16xf32>,
      %mul3A_243 = arith.constant 16 : i32
      %mul3A_244 = arith.muli %scan3A_234, %mul3A_243 : i32
      %swap3A = arith.index_cast %mul3A_244 : i32 to index
      %swap3A_245 = tpu.vector_load %arg14[%swap3A] {strides = array<i32>} : memref<512xf32, #tpu.memory_space<vmem>>, vector<16xf32>,
      tpu.vector_store %arg14[%swap3A], %gather3A {strides = array<i32>} : memref<512xf32, #tpu.memory_space<vmem>>, vector<16xf32>,
      %gather3A_246 = tpu.vector_load_idx %arg12[%sub3A_242] : memref<4096xf32, #tpu.memory_space<vmem>>[vector<16xi32>], vector<16xf32>,
      %mul3A_247 = arith.constant 16 : i32
      %mul3A_248 = arith.muli %scan3A_234, %mul3A_247 : i32
      %swap3A_249 = arith.index_cast %mul3A_248 : i32 to index
      %swap3A_250 = tpu.vector_load %arg15[%swap3A_249] {strides = array<i32>} : memref<512xf32, #tpu.memory_space<vmem>>, vector<16xf32>,
      tpu.vector_store %arg15[%swap3A_249], %gather3A_246 {strides = array<i32>} : memref<512xf32, #tpu.memory_space<vmem>>, vector<16xf32>,
      %gather3A_251 = tpu.vector_load_idx %arg13[%sub3A_242] : memref<4096xf32, #tpu.memory_space<vmem>>[vector<16xi32>], vector<16xf32>,
      %mul3A_252 = arith.constant 16 : i32
      %mul3A_253 = arith.muli %scan3A_234, %mul3A_252 : i32
      %swap3A_254 = arith.index_cast %mul3A_253 : i32 to index
      %swap3A_255 = tpu.vector_load %arg16[%swap3A_254] {strides = array<i32>} : memref<512xf32, #tpu.memory_space<vmem>>, vector<16xf32>,
      tpu.vector_store %arg16[%swap3A_254], %gather3A_251 {strides = array<i32>} : memref<512xf32, #tpu.memory_space<vmem>>, vector<16xf32>,
      %scan3A_256 = arith.constant 0 : i32
      scf.yield %scan3A_256 : i32
    }
    %scan3A_46 = arith.constant 32 : i32
    %add3A_47 = arith.constant 0 : i32
    %add3A_48 = arith.addi %mul3A_2, %add3A_47 : i32
    "tpu.region"() ({
      %run_scoped3A = tpu.sem_alloc : memref<!tpu.dma_semaphore, #tpu.memory_space<semaphore_mem>>
      %dma_start3A_234 = tpu.memref_slice %arg6[%add3A_48] : memref<131072xf32, #tpu.memory_space<hbm>> -> memref<512xf32, #tpu.memory_space<hbm>>
      %dma_start3A_235 = tpu.memref_slice %arg6[%add3A_48] : memref<131072xf32, #tpu.memory_space<hbm>> -> memref<512xf32, #tpu.memory_space<hbm>>
      tpu.enqueue_dma source(%arg14 : memref<512xf32, #tpu.memory_space<vmem>>) target(%dma_start3A_235 : memref<512xf32, #tpu.memory_space<hbm>>) target_semaphore(%run_scoped3A : memref<!tpu.dma_semaphore, #tpu.memory_space<semaphore_mem>>)
      %dma_wait3A_236 = tpu.memref_slice %arg6[%add3A_48] : memref<131072xf32, #tpu.memory_space<hbm>> -> memref<512xf32, #tpu.memory_space<hbm>>
      %dma_wait3A_237 = tpu.memref_slice %arg6[%add3A_48] : memref<131072xf32, #tpu.memory_space<hbm>> -> memref<512xf32, #tpu.memory_space<hbm>>
      tpu.wait_dma2 semaphore(%run_scoped3A : memref<!tpu.dma_semaphore, #tpu.memory_space<semaphore_mem>>) src(%arg14 : memref<512xf32, #tpu.memory_space<vmem>>) dst(%dma_wait3A_237 : memref<512xf32, #tpu.memory_space<hbm>>)
      tpu.yield
    }) : () -> ()
    %add3A_49 = arith.constant 0 : i32
    %add3A_50 = arith.addi %mul3A_2, %add3A_49 : i32
    "tpu.region"() ({
      %run_scoped3A = tpu.sem_alloc : memref<!tpu.dma_semaphore, #tpu.memory_space<semaphore_mem>>
      %dma_start3A_234 = tpu.memref_slice %arg7[%add3A_50] : memref<131072xf32, #tpu.memory_space<hbm>> -> memref<512xf32, #tpu.memory_space<hbm>>
      %dma_start3A_235 = tpu.memref_slice %arg7[%add3A_50] : memref<131072xf32, #tpu.memory_space<hbm>> -> memref<512xf32, #tpu.memory_space<hbm>>
      tpu.enqueue_dma source(%arg15 : memref<512xf32, #tpu.memory_space<vmem>>) target(%dma_start3A_235 : memref<512xf32, #tpu.memory_space<hbm>>) target_semaphore(%run_scoped3A : memref<!tpu.dma_semaphore, #tpu.memory_space<semaphore_mem>>)
      %dma_wait3A_236 = tpu.memref_slice %arg7[%add3A_50] : memref<131072xf32, #tpu.memory_space<hbm>> -> memref<512xf32, #tpu.memory_space<hbm>>
      %dma_wait3A_237 = tpu.memref_slice %arg7[%add3A_50] : memref<131072xf32, #tpu.memory_space<hbm>> -> memref<512xf32, #tpu.memory_space<hbm>>
      tpu.wait_dma2 semaphore(%run_scoped3A : memref<!tpu.dma_semaphore, #tpu.memory_space<semaphore_mem>>) src(%arg15 : memref<512xf32, #tpu.memory_space<vmem>>) dst(%dma_wait3A_237 : memref<512xf32, #tpu.memory_space<hbm>>)
      tpu.yield
    }) : () -> ()
    %add3A_51 = arith.constant 0 : i32
    %add3A_52 = arith.addi %mul3A_2, %add3A_51 : i32
    "tpu.region"() ({
      %run_scoped3A = tpu.sem_alloc : memref<!tpu.dma_semaphore, #tpu.memory_space<semaphore_mem>>
      %dma_start3A_234 = tpu.memref_slice %arg8[%add3A_52] : memref<131072xf32, #tpu.memory_space<hbm>> -> memref<512xf32, #tpu.memory_space<hbm>>
      %dma_start3A_235 = tpu.memref_slice %arg8[%add3A_52] : memref<131072xf32, #tpu.memory_space<hbm>> -> memref<512xf32, #tpu.memory_space<hbm>>
      tpu.enqueue_dma source(%arg16 : memref<512xf32, #tpu.memory_space<vmem>>) target(%dma_start3A_235 : memref<512xf32, #tpu.memory_space<hbm>>) target_semaphore(%run_scoped3A : memref<!tpu.dma_semaphore, #tpu.memory_space<semaphore_mem>>)
      %dma_wait3A_236 = tpu.memref_slice %arg8[%add3A_52] : memref<131072xf32, #tpu.memory_space<hbm>> -> memref<512xf32, #tpu.memory_space<hbm>>
      %dma_wait3A_237 = tpu.memref_slice %arg8[%add3A_52] : memref<131072xf32, #tpu.memory_space<hbm>> -> memref<512xf32, #tpu.memory_space<hbm>>
      tpu.wait_dma2 semaphore(%run_scoped3A : memref<!tpu.dma_semaphore, #tpu.memory_space<semaphore_mem>>) src(%arg16 : memref<512xf32, #tpu.memory_space<vmem>>) dst(%dma_wait3A_237 : memref<512xf32, #tpu.memory_space<hbm>>)
      tpu.yield
    }) : () -> ()
    %dma_wait3A = arith.constant 0 : i32
    %dma_wait3A_53 = tpu.memref_slice %arg9[%dma_wait3A] : memref<4096xi32, #tpu.memory_space<vmem>> -> memref<512xi32, #tpu.memory_space<vmem>>
    %dma_wait3A_54 = arith.constant 0 : i32
    %dma_wait3A_55 = arith.constant 0 : i32
    %dma_wait3A_56 = tpu.memref_slice %arg2[%dma_wait3A_54, %dma_wait3A_55] : memref<32768x128xf32, #tpu.memory_space<hbm>> -> memref<32768x128xf32, #tpu.memory_space<hbm>>
    tpu.wait_indirect_dma semaphore(%arg17 : memref<!tpu.dma_semaphore, #tpu.memory_space<semaphore_mem>>) src(%dma_wait3A_56 : memref<32768x128xf32, #tpu.memory_space<hbm>>) dst(%arg10 : memref<512x128xf32, #tpu.memory_space<vmem>>)
    %add3A_57 = arith.constant 0 : i32
    %add3A_58 = arith.addi %mul3A_2, %add3A_57 : i32
    "tpu.region"() ({
      %run_scoped3A = tpu.sem_alloc : memref<!tpu.dma_semaphore, #tpu.memory_space<semaphore_mem>>
      %dma_start3A_234 = arith.constant 0 : i32
      %dma_start3A_235 = tpu.memref_slice %arg5[%add3A_58, %dma_start3A_234] : memref<131072x128xf32, #tpu.memory_space<hbm>> -> memref<512x128xf32, #tpu.memory_space<hbm>>
      %dma_start3A_236 = arith.constant 0 : i32
      %dma_start3A_237 = tpu.memref_slice %arg5[%add3A_58, %dma_start3A_236] : memref<131072x128xf32, #tpu.memory_space<hbm>> -> memref<512x128xf32, #tpu.memory_space<hbm>>
      tpu.enqueue_dma source(%arg10 : memref<512x128xf32, #tpu.memory_space<vmem>>) target(%dma_start3A_237 : memref<512x128xf32, #tpu.memory_space<hbm>>) target_semaphore(%run_scoped3A : memref<!tpu.dma_semaphore, #tpu.memory_space<semaphore_mem>>)
      %dma_wait3A_238 = arith.constant 0 : i32
      %dma_wait3A_239 = tpu.memref_slice %arg5[%add3A_58, %dma_wait3A_238] : memref<131072x128xf32, #tpu.memory_space<hbm>> -> memref<512x128xf32, #tpu.memory_space<hbm>>
      %dma_wait3A_240 = arith.constant 0 : i32
      %dma_wait3A_241 = tpu.memref_slice %arg5[%add3A_58, %dma_wait3A_240] : memref<131072x128xf32, #tpu.memory_space<hbm>> -> memref<512x128xf32, #tpu.memory_space<hbm>>
      tpu.wait_dma2 semaphore(%run_scoped3A : memref<!tpu.dma_semaphore, #tpu.memory_space<semaphore_mem>>) src(%arg10 : memref<512x128xf32, #tpu.memory_space<vmem>>) dst(%dma_wait3A_241 : memref<512x128xf32, #tpu.memory_space<hbm>>)
      tpu.yield
    }) : () -> ()
    %dma_start3A_59 = arith.constant 512 : i32
    %dma_start3A_60 = tpu.memref_slice %arg9[%dma_start3A_59] : memref<4096xi32, #tpu.memory_space<vmem>> -> memref<512xi32, #tpu.memory_space<vmem>>
    %dma_start3A_61 = arith.constant 0 : i32
    %dma_start3A_62 = arith.constant 0 : i32
    %dma_start3A_63 = tpu.memref_slice %arg2[%dma_start3A_61, %dma_start3A_62] : memref<32768x128xf32, #tpu.memory_space<hbm>> -> memref<32768x128xf32, #tpu.memory_space<hbm>>
    tpu.enqueue_indirect_dma source(%dma_start3A_63 : memref<32768x128xf32, #tpu.memory_space<hbm>>) target(%arg10 : memref<512x128xf32, #tpu.memory_space<vmem>>) offsets(%dma_start3A_60 : memref<512xi32, #tpu.memory_space<vmem>>) semaphore(%arg17 : memref<!tpu.dma_semaphore, #tpu.memory_space<semaphore_mem>>)
    %scan3A_64 = arith.constant 0 : i32
    %scan3A_65 = arith.constant 0 : i32
    %scan3A_66 = arith.constant 32 : i32
    %scan3A_67 = arith.addi %scan3A_65, %scan3A_66 : i32
    %scan3A_68 = arith.constant 1 : i32
    %scan3A_69 = scf.for %scan3A_234 = %scan3A_65 to %scan3A_67 step %scan3A_68 iter_args(%scan3A_235 = %scan3A_64) -> (i32)  : i32 {
      %mul3A_236 = arith.constant 16 : i32
      %mul3A_237 = arith.muli %scan3A_234, %mul3A_236 : i32
      %add3A_238 = arith.constant 512 : i32
      %add3A_239 = arith.addi %add3A_238, %mul3A_237 : i32
      %get3A = arith.index_cast %add3A_239 : i32 to index
      %get3A_240 = tpu.vector_load %arg9[%get3A] {strides = array<i32>} : memref<4096xi32, #tpu.memory_space<vmem>>, vector<16xi32>,
      %sub3A_241 = vector.broadcast %mul3A_36 : i32 to vector<16xi32>
      %sub3A_242 = arith.subi %get3A_240, %sub3A_241 : vector<16xi32>
      %gather3A = tpu.vector_load_idx %arg11[%sub3A_242] : memref<4096xf32, #tpu.memory_space<vmem>>[vector<16xi32>], vector<16xf32>,
      %mul3A_243 = arith.constant 16 : i32
      %mul3A_244 = arith.muli %scan3A_234, %mul3A_243 : i32
      %swap3A = arith.index_cast %mul3A_244 : i32 to index
      %swap3A_245 = tpu.vector_load %arg14[%swap3A] {strides = array<i32>} : memref<512xf32, #tpu.memory_space<vmem>>, vector<16xf32>,
      tpu.vector_store %arg14[%swap3A], %gather3A {strides = array<i32>} : memref<512xf32, #tpu.memory_space<vmem>>, vector<16xf32>,
      %gather3A_246 = tpu.vector_load_idx %arg12[%sub3A_242] : memref<4096xf32, #tpu.memory_space<vmem>>[vector<16xi32>], vector<16xf32>,
      %mul3A_247 = arith.constant 16 : i32
      %mul3A_248 = arith.muli %scan3A_234, %mul3A_247 : i32
      %swap3A_249 = arith.index_cast %mul3A_248 : i32 to index
      %swap3A_250 = tpu.vector_load %arg15[%swap3A_249] {strides = array<i32>} : memref<512xf32, #tpu.memory_space<vmem>>, vector<16xf32>,
      tpu.vector_store %arg15[%swap3A_249], %gather3A_246 {strides = array<i32>} : memref<512xf32, #tpu.memory_space<vmem>>, vector<16xf32>,
      %gather3A_251 = tpu.vector_load_idx %arg13[%sub3A_242] : memref<4096xf32, #tpu.memory_space<vmem>>[vector<16xi32>], vector<16xf32>,
      %mul3A_252 = arith.constant 16 : i32
      %mul3A_253 = arith.muli %scan3A_234, %mul3A_252 : i32
      %swap3A_254 = arith.index_cast %mul3A_253 : i32 to index
      %swap3A_255 = tpu.vector_load %arg16[%swap3A_254] {strides = array<i32>} : memref<512xf32, #tpu.memory_space<vmem>>, vector<16xf32>,
      tpu.vector_store %arg16[%swap3A_254], %gather3A_251 {strides = array<i32>} : memref<512xf32, #tpu.memory_space<vmem>>, vector<16xf32>,
      %scan3A_256 = arith.constant 0 : i32
      scf.yield %scan3A_256 : i32
    }
    %scan3A_70 = arith.constant 32 : i32
    %add3A_71 = arith.constant 512 : i32
    %add3A_72 = arith.addi %mul3A_2, %add3A_71 : i32
    "tpu.region"() ({
      %run_scoped3A = tpu.sem_alloc : memref<!tpu.dma_semaphore, #tpu.memory_space<semaphore_mem>>
      %dma_start3A_234 = tpu.memref_slice %arg6[%add3A_72] : memref<131072xf32, #tpu.memory_space<hbm>> -> memref<512xf32, #tpu.memory_space<hbm>>
      %dma_start3A_235 = tpu.memref_slice %arg6[%add3A_72] : memref<131072xf32, #tpu.memory_space<hbm>> -> memref<512xf32, #tpu.memory_space<hbm>>
      tpu.enqueue_dma source(%arg14 : memref<512xf32, #tpu.memory_space<vmem>>) target(%dma_start3A_235 : memref<512xf32, #tpu.memory_space<hbm>>) target_semaphore(%run_scoped3A : memref<!tpu.dma_semaphore, #tpu.memory_space<semaphore_mem>>)
      %dma_wait3A_236 = tpu.memref_slice %arg6[%add3A_72] : memref<131072xf32, #tpu.memory_space<hbm>> -> memref<512xf32, #tpu.memory_space<hbm>>
      %dma_wait3A_237 = tpu.memref_slice %arg6[%add3A_72] : memref<131072xf32, #tpu.memory_space<hbm>> -> memref<512xf32, #tpu.memory_space<hbm>>
      tpu.wait_dma2 semaphore(%run_scoped3A : memref<!tpu.dma_semaphore, #tpu.memory_space<semaphore_mem>>) src(%arg14 : memref<512xf32, #tpu.memory_space<vmem>>) dst(%dma_wait3A_237 : memref<512xf32, #tpu.memory_space<hbm>>)
      tpu.yield
    }) : () -> ()
    %add3A_73 = arith.constant 512 : i32
    %add3A_74 = arith.addi %mul3A_2, %add3A_73 : i32
    "tpu.region"() ({
      %run_scoped3A = tpu.sem_alloc : memref<!tpu.dma_semaphore, #tpu.memory_space<semaphore_mem>>
      %dma_start3A_234 = tpu.memref_slice %arg7[%add3A_74] : memref<131072xf32, #tpu.memory_space<hbm>> -> memref<512xf32, #tpu.memory_space<hbm>>
      %dma_start3A_235 = tpu.memref_slice %arg7[%add3A_74] : memref<131072xf32, #tpu.memory_space<hbm>> -> memref<512xf32, #tpu.memory_space<hbm>>
      tpu.enqueue_dma source(%arg15 : memref<512xf32, #tpu.memory_space<vmem>>) target(%dma_start3A_235 : memref<512xf32, #tpu.memory_space<hbm>>) target_semaphore(%run_scoped3A : memref<!tpu.dma_semaphore, #tpu.memory_space<semaphore_mem>>)
      %dma_wait3A_236 = tpu.memref_slice %arg7[%add3A_74] : memref<131072xf32, #tpu.memory_space<hbm>> -> memref<512xf32, #tpu.memory_space<hbm>>
      %dma_wait3A_237 = tpu.memref_slice %arg7[%add3A_74] : memref<131072xf32, #tpu.memory_space<hbm>> -> memref<512xf32, #tpu.memory_space<hbm>>
      tpu.wait_dma2 semaphore(%run_scoped3A : memref<!tpu.dma_semaphore, #tpu.memory_space<semaphore_mem>>) src(%arg15 : memref<512xf32, #tpu.memory_space<vmem>>) dst(%dma_wait3A_237 : memref<512xf32, #tpu.memory_space<hbm>>)
      tpu.yield
    }) : () -> ()
    %add3A_75 = arith.constant 512 : i32
    %add3A_76 = arith.addi %mul3A_2, %add3A_75 : i32
    "tpu.region"() ({
      %run_scoped3A = tpu.sem_alloc : memref<!tpu.dma_semaphore, #tpu.memory_space<semaphore_mem>>
      %dma_start3A_234 = tpu.memref_slice %arg8[%add3A_76] : memref<131072xf32, #tpu.memory_space<hbm>> -> memref<512xf32, #tpu.memory_space<hbm>>
      %dma_start3A_235 = tpu.memref_slice %arg8[%add3A_76] : memref<131072xf32, #tpu.memory_space<hbm>> -> memref<512xf32, #tpu.memory_space<hbm>>
      tpu.enqueue_dma source(%arg16 : memref<512xf32, #tpu.memory_space<vmem>>) target(%dma_start3A_235 : memref<512xf32, #tpu.memory_space<hbm>>) target_semaphore(%run_scoped3A : memref<!tpu.dma_semaphore, #tpu.memory_space<semaphore_mem>>)
      %dma_wait3A_236 = tpu.memref_slice %arg8[%add3A_76] : memref<131072xf32, #tpu.memory_space<hbm>> -> memref<512xf32, #tpu.memory_space<hbm>>
      %dma_wait3A_237 = tpu.memref_slice %arg8[%add3A_76] : memref<131072xf32, #tpu.memory_space<hbm>> -> memref<512xf32, #tpu.memory_space<hbm>>
      tpu.wait_dma2 semaphore(%run_scoped3A : memref<!tpu.dma_semaphore, #tpu.memory_space<semaphore_mem>>) src(%arg16 : memref<512xf32, #tpu.memory_space<vmem>>) dst(%dma_wait3A_237 : memref<512xf32, #tpu.memory_space<hbm>>)
      tpu.yield
    }) : () -> ()
    %dma_wait3A_77 = arith.constant 512 : i32
    %dma_wait3A_78 = tpu.memref_slice %arg9[%dma_wait3A_77] : memref<4096xi32, #tpu.memory_space<vmem>> -> memref<512xi32, #tpu.memory_space<vmem>>
    %dma_wait3A_79 = arith.constant 0 : i32
    %dma_wait3A_80 = arith.constant 0 : i32
    %dma_wait3A_81 = tpu.memref_slice %arg2[%dma_wait3A_79, %dma_wait3A_80] : memref<32768x128xf32, #tpu.memory_space<hbm>> -> memref<32768x128xf32, #tpu.memory_space<hbm>>
    tpu.wait_indirect_dma semaphore(%arg17 : memref<!tpu.dma_semaphore, #tpu.memory_space<semaphore_mem>>) src(%dma_wait3A_81 : memref<32768x128xf32, #tpu.memory_space<hbm>>) dst(%arg10 : memref<512x128xf32, #tpu.memory_space<vmem>>)
    %add3A_82 = arith.constant 512 : i32
    %add3A_83 = arith.addi %mul3A_2, %add3A_82 : i32
    "tpu.region"() ({
      %run_scoped3A = tpu.sem_alloc : memref<!tpu.dma_semaphore, #tpu.memory_space<semaphore_mem>>
      %dma_start3A_234 = arith.constant 0 : i32
      %dma_start3A_235 = tpu.memref_slice %arg5[%add3A_83, %dma_start3A_234] : memref<131072x128xf32, #tpu.memory_space<hbm>> -> memref<512x128xf32, #tpu.memory_space<hbm>>
      %dma_start3A_236 = arith.constant 0 : i32
      %dma_start3A_237 = tpu.memref_slice %arg5[%add3A_83, %dma_start3A_236] : memref<131072x128xf32, #tpu.memory_space<hbm>> -> memref<512x128xf32, #tpu.memory_space<hbm>>
      tpu.enqueue_dma source(%arg10 : memref<512x128xf32, #tpu.memory_space<vmem>>) target(%dma_start3A_237 : memref<512x128xf32, #tpu.memory_space<hbm>>) target_semaphore(%run_scoped3A : memref<!tpu.dma_semaphore, #tpu.memory_space<semaphore_mem>>)
      %dma_wait3A_238 = arith.constant 0 : i32
      %dma_wait3A_239 = tpu.memref_slice %arg5[%add3A_83, %dma_wait3A_238] : memref<131072x128xf32, #tpu.memory_space<hbm>> -> memref<512x128xf32, #tpu.memory_space<hbm>>
      %dma_wait3A_240 = arith.constant 0 : i32
      %dma_wait3A_241 = tpu.memref_slice %arg5[%add3A_83, %dma_wait3A_240] : memref<131072x128xf32, #tpu.memory_space<hbm>> -> memref<512x128xf32, #tpu.memory_space<hbm>>
      tpu.wait_dma2 semaphore(%run_scoped3A : memref<!tpu.dma_semaphore, #tpu.memory_space<semaphore_mem>>) src(%arg10 : memref<512x128xf32, #tpu.memory_space<vmem>>) dst(%dma_wait3A_241 : memref<512x128xf32, #tpu.memory_space<hbm>>)
      tpu.yield
    }) : () -> ()
    %dma_start3A_84 = arith.constant 1024 : i32
    %dma_start3A_85 = tpu.memref_slice %arg9[%dma_start3A_84] : memref<4096xi32, #tpu.memory_space<vmem>> -> memref<512xi32, #tpu.memory_space<vmem>>
    %dma_start3A_86 = arith.constant 0 : i32
    %dma_start3A_87 = arith.constant 0 : i32
    %dma_start3A_88 = tpu.memref_slice %arg2[%dma_start3A_86, %dma_start3A_87] : memref<32768x128xf32, #tpu.memory_space<hbm>> -> memref<32768x128xf32, #tpu.memory_space<hbm>>
    tpu.enqueue_indirect_dma source(%dma_start3A_88 : memref<32768x128xf32, #tpu.memory_space<hbm>>) target(%arg10 : memref<512x128xf32, #tpu.memory_space<vmem>>) offsets(%dma_start3A_85 : memref<512xi32, #tpu.memory_space<vmem>>) semaphore(%arg17 : memref<!tpu.dma_semaphore, #tpu.memory_space<semaphore_mem>>)
    %scan3A_89 = arith.constant 0 : i32
    %scan3A_90 = arith.constant 0 : i32
    %scan3A_91 = arith.constant 32 : i32
    %scan3A_92 = arith.addi %scan3A_90, %scan3A_91 : i32
    %scan3A_93 = arith.constant 1 : i32
    %scan3A_94 = scf.for %scan3A_234 = %scan3A_90 to %scan3A_92 step %scan3A_93 iter_args(%scan3A_235 = %scan3A_89) -> (i32)  : i32 {
      %mul3A_236 = arith.constant 16 : i32
      %mul3A_237 = arith.muli %scan3A_234, %mul3A_236 : i32
      %add3A_238 = arith.constant 1024 : i32
      %add3A_239 = arith.addi %add3A_238, %mul3A_237 : i32
      %get3A = arith.index_cast %add3A_239 : i32 to index
      %get3A_240 = tpu.vector_load %arg9[%get3A] {strides = array<i32>} : memref<4096xi32, #tpu.memory_space<vmem>>, vector<16xi32>,
      %sub3A_241 = vector.broadcast %mul3A_36 : i32 to vector<16xi32>
      %sub3A_242 = arith.subi %get3A_240, %sub3A_241 : vector<16xi32>
      %gather3A = tpu.vector_load_idx %arg11[%sub3A_242] : memref<4096xf32, #tpu.memory_space<vmem>>[vector<16xi32>], vector<16xf32>,
      %mul3A_243 = arith.constant 16 : i32
      %mul3A_244 = arith.muli %scan3A_234, %mul3A_243 : i32
      %swap3A = arith.index_cast %mul3A_244 : i32 to index
      %swap3A_245 = tpu.vector_load %arg14[%swap3A] {strides = array<i32>} : memref<512xf32, #tpu.memory_space<vmem>>, vector<16xf32>,
      tpu.vector_store %arg14[%swap3A], %gather3A {strides = array<i32>} : memref<512xf32, #tpu.memory_space<vmem>>, vector<16xf32>,
      %gather3A_246 = tpu.vector_load_idx %arg12[%sub3A_242] : memref<4096xf32, #tpu.memory_space<vmem>>[vector<16xi32>], vector<16xf32>,
      %mul3A_247 = arith.constant 16 : i32
      %mul3A_248 = arith.muli %scan3A_234, %mul3A_247 : i32
      %swap3A_249 = arith.index_cast %mul3A_248 : i32 to index
      %swap3A_250 = tpu.vector_load %arg15[%swap3A_249] {strides = array<i32>} : memref<512xf32, #tpu.memory_space<vmem>>, vector<16xf32>,
      tpu.vector_store %arg15[%swap3A_249], %gather3A_246 {strides = array<i32>} : memref<512xf32, #tpu.memory_space<vmem>>, vector<16xf32>,
      %gather3A_251 = tpu.vector_load_idx %arg13[%sub3A_242] : memref<4096xf32, #tpu.memory_space<vmem>>[vector<16xi32>], vector<16xf32>,
      %mul3A_252 = arith.constant 16 : i32
      %mul3A_253 = arith.muli %scan3A_234, %mul3A_252 : i32
      %swap3A_254 = arith.index_cast %mul3A_253 : i32 to index
      %swap3A_255 = tpu.vector_load %arg16[%swap3A_254] {strides = array<i32>} : memref<512xf32, #tpu.memory_space<vmem>>, vector<16xf32>,
      tpu.vector_store %arg16[%swap3A_254], %gather3A_251 {strides = array<i32>} : memref<512xf32, #tpu.memory_space<vmem>>, vector<16xf32>,
      %scan3A_256 = arith.constant 0 : i32
      scf.yield %scan3A_256 : i32
    }
    %scan3A_95 = arith.constant 32 : i32
    %add3A_96 = arith.constant 1024 : i32
    %add3A_97 = arith.addi %mul3A_2, %add3A_96 : i32
    "tpu.region"() ({
      %run_scoped3A = tpu.sem_alloc : memref<!tpu.dma_semaphore, #tpu.memory_space<semaphore_mem>>
      %dma_start3A_234 = tpu.memref_slice %arg6[%add3A_97] : memref<131072xf32, #tpu.memory_space<hbm>> -> memref<512xf32, #tpu.memory_space<hbm>>
      %dma_start3A_235 = tpu.memref_slice %arg6[%add3A_97] : memref<131072xf32, #tpu.memory_space<hbm>> -> memref<512xf32, #tpu.memory_space<hbm>>
      tpu.enqueue_dma source(%arg14 : memref<512xf32, #tpu.memory_space<vmem>>) target(%dma_start3A_235 : memref<512xf32, #tpu.memory_space<hbm>>) target_semaphore(%run_scoped3A : memref<!tpu.dma_semaphore, #tpu.memory_space<semaphore_mem>>)
      %dma_wait3A_236 = tpu.memref_slice %arg6[%add3A_97] : memref<131072xf32, #tpu.memory_space<hbm>> -> memref<512xf32, #tpu.memory_space<hbm>>
      %dma_wait3A_237 = tpu.memref_slice %arg6[%add3A_97] : memref<131072xf32, #tpu.memory_space<hbm>> -> memref<512xf32, #tpu.memory_space<hbm>>
      tpu.wait_dma2 semaphore(%run_scoped3A : memref<!tpu.dma_semaphore, #tpu.memory_space<semaphore_mem>>) src(%arg14 : memref<512xf32, #tpu.memory_space<vmem>>) dst(%dma_wait3A_237 : memref<512xf32, #tpu.memory_space<hbm>>)
      tpu.yield
    }) : () -> ()
    %add3A_98 = arith.constant 1024 : i32
    %add3A_99 = arith.addi %mul3A_2, %add3A_98 : i32
    "tpu.region"() ({
      %run_scoped3A = tpu.sem_alloc : memref<!tpu.dma_semaphore, #tpu.memory_space<semaphore_mem>>
      %dma_start3A_234 = tpu.memref_slice %arg7[%add3A_99] : memref<131072xf32, #tpu.memory_space<hbm>> -> memref<512xf32, #tpu.memory_space<hbm>>
      %dma_start3A_235 = tpu.memref_slice %arg7[%add3A_99] : memref<131072xf32, #tpu.memory_space<hbm>> -> memref<512xf32, #tpu.memory_space<hbm>>
      tpu.enqueue_dma source(%arg15 : memref<512xf32, #tpu.memory_space<vmem>>) target(%dma_start3A_235 : memref<512xf32, #tpu.memory_space<hbm>>) target_semaphore(%run_scoped3A : memref<!tpu.dma_semaphore, #tpu.memory_space<semaphore_mem>>)
      %dma_wait3A_236 = tpu.memref_slice %arg7[%add3A_99] : memref<131072xf32, #tpu.memory_space<hbm>> -> memref<512xf32, #tpu.memory_space<hbm>>
      %dma_wait3A_237 = tpu.memref_slice %arg7[%add3A_99] : memref<131072xf32, #tpu.memory_space<hbm>> -> memref<512xf32, #tpu.memory_space<hbm>>
      tpu.wait_dma2 semaphore(%run_scoped3A : memref<!tpu.dma_semaphore, #tpu.memory_space<semaphore_mem>>) src(%arg15 : memref<512xf32, #tpu.memory_space<vmem>>) dst(%dma_wait3A_237 : memref<512xf32, #tpu.memory_space<hbm>>)
      tpu.yield
    }) : () -> ()
    %add3A_100 = arith.constant 1024 : i32
    %add3A_101 = arith.addi %mul3A_2, %add3A_100 : i32
    "tpu.region"() ({
      %run_scoped3A = tpu.sem_alloc : memref<!tpu.dma_semaphore, #tpu.memory_space<semaphore_mem>>
      %dma_start3A_234 = tpu.memref_slice %arg8[%add3A_101] : memref<131072xf32, #tpu.memory_space<hbm>> -> memref<512xf32, #tpu.memory_space<hbm>>
      %dma_start3A_235 = tpu.memref_slice %arg8[%add3A_101] : memref<131072xf32, #tpu.memory_space<hbm>> -> memref<512xf32, #tpu.memory_space<hbm>>
      tpu.enqueue_dma source(%arg16 : memref<512xf32, #tpu.memory_space<vmem>>) target(%dma_start3A_235 : memref<512xf32, #tpu.memory_space<hbm>>) target_semaphore(%run_scoped3A : memref<!tpu.dma_semaphore, #tpu.memory_space<semaphore_mem>>)
      %dma_wait3A_236 = tpu.memref_slice %arg8[%add3A_101] : memref<131072xf32, #tpu.memory_space<hbm>> -> memref<512xf32, #tpu.memory_space<hbm>>
      %dma_wait3A_237 = tpu.memref_slice %arg8[%add3A_101] : memref<131072xf32, #tpu.memory_space<hbm>> -> memref<512xf32, #tpu.memory_space<hbm>>
      tpu.wait_dma2 semaphore(%run_scoped3A : memref<!tpu.dma_semaphore, #tpu.memory_space<semaphore_mem>>) src(%arg16 : memref<512xf32, #tpu.memory_space<vmem>>) dst(%dma_wait3A_237 : memref<512xf32, #tpu.memory_space<hbm>>)
      tpu.yield
    }) : () -> ()
    %dma_wait3A_102 = arith.constant 1024 : i32
    %dma_wait3A_103 = tpu.memref_slice %arg9[%dma_wait3A_102] : memref<4096xi32, #tpu.memory_space<vmem>> -> memref<512xi32, #tpu.memory_space<vmem>>
    %dma_wait3A_104 = arith.constant 0 : i32
    %dma_wait3A_105 = arith.constant 0 : i32
    %dma_wait3A_106 = tpu.memref_slice %arg2[%dma_wait3A_104, %dma_wait3A_105] : memref<32768x128xf32, #tpu.memory_space<hbm>> -> memref<32768x128xf32, #tpu.memory_space<hbm>>
    tpu.wait_indirect_dma semaphore(%arg17 : memref<!tpu.dma_semaphore, #tpu.memory_space<semaphore_mem>>) src(%dma_wait3A_106 : memref<32768x128xf32, #tpu.memory_space<hbm>>) dst(%arg10 : memref<512x128xf32, #tpu.memory_space<vmem>>)
    %add3A_107 = arith.constant 1024 : i32
    %add3A_108 = arith.addi %mul3A_2, %add3A_107 : i32
    "tpu.region"() ({
      %run_scoped3A = tpu.sem_alloc : memref<!tpu.dma_semaphore, #tpu.memory_space<semaphore_mem>>
      %dma_start3A_234 = arith.constant 0 : i32
      %dma_start3A_235 = tpu.memref_slice %arg5[%add3A_108, %dma_start3A_234] : memref<131072x128xf32, #tpu.memory_space<hbm>> -> memref<512x128xf32, #tpu.memory_space<hbm>>
      %dma_start3A_236 = arith.constant 0 : i32
      %dma_start3A_237 = tpu.memref_slice %arg5[%add3A_108, %dma_start3A_236] : memref<131072x128xf32, #tpu.memory_space<hbm>> -> memref<512x128xf32, #tpu.memory_space<hbm>>
      tpu.enqueue_dma source(%arg10 : memref<512x128xf32, #tpu.memory_space<vmem>>) target(%dma_start3A_237 : memref<512x128xf32, #tpu.memory_space<hbm>>) target_semaphore(%run_scoped3A : memref<!tpu.dma_semaphore, #tpu.memory_space<semaphore_mem>>)
      %dma_wait3A_238 = arith.constant 0 : i32
      %dma_wait3A_239 = tpu.memref_slice %arg5[%add3A_108, %dma_wait3A_238] : memref<131072x128xf32, #tpu.memory_space<hbm>> -> memref<512x128xf32, #tpu.memory_space<hbm>>
      %dma_wait3A_240 = arith.constant 0 : i32
      %dma_wait3A_241 = tpu.memref_slice %arg5[%add3A_108, %dma_wait3A_240] : memref<131072x128xf32, #tpu.memory_space<hbm>> -> memref<512x128xf32, #tpu.memory_space<hbm>>
      tpu.wait_dma2 semaphore(%run_scoped3A : memref<!tpu.dma_semaphore, #tpu.memory_space<semaphore_mem>>) src(%arg10 : memref<512x128xf32, #tpu.memory_space<vmem>>) dst(%dma_wait3A_241 : memref<512x128xf32, #tpu.memory_space<hbm>>)
      tpu.yield
    }) : () -> ()
    %dma_start3A_109 = arith.constant 1536 : i32
    %dma_start3A_110 = tpu.memref_slice %arg9[%dma_start3A_109] : memref<4096xi32, #tpu.memory_space<vmem>> -> memref<512xi32, #tpu.memory_space<vmem>>
    %dma_start3A_111 = arith.constant 0 : i32
    %dma_start3A_112 = arith.constant 0 : i32
    %dma_start3A_113 = tpu.memref_slice %arg2[%dma_start3A_111, %dma_start3A_112] : memref<32768x128xf32, #tpu.memory_space<hbm>> -> memref<32768x128xf32, #tpu.memory_space<hbm>>
    tpu.enqueue_indirect_dma source(%dma_start3A_113 : memref<32768x128xf32, #tpu.memory_space<hbm>>) target(%arg10 : memref<512x128xf32, #tpu.memory_space<vmem>>) offsets(%dma_start3A_110 : memref<512xi32, #tpu.memory_space<vmem>>) semaphore(%arg17 : memref<!tpu.dma_semaphore, #tpu.memory_space<semaphore_mem>>)
    %scan3A_114 = arith.constant 0 : i32
    %scan3A_115 = arith.constant 0 : i32
    %scan3A_116 = arith.constant 32 : i32
    %scan3A_117 = arith.addi %scan3A_115, %scan3A_116 : i32
    %scan3A_118 = arith.constant 1 : i32
    %scan3A_119 = scf.for %scan3A_234 = %scan3A_115 to %scan3A_117 step %scan3A_118 iter_args(%scan3A_235 = %scan3A_114) -> (i32)  : i32 {
      %mul3A_236 = arith.constant 16 : i32
      %mul3A_237 = arith.muli %scan3A_234, %mul3A_236 : i32
      %add3A_238 = arith.constant 1536 : i32
      %add3A_239 = arith.addi %add3A_238, %mul3A_237 : i32
      %get3A = arith.index_cast %add3A_239 : i32 to index
      %get3A_240 = tpu.vector_load %arg9[%get3A] {strides = array<i32>} : memref<4096xi32, #tpu.memory_space<vmem>>, vector<16xi32>,
      %sub3A_241 = vector.broadcast %mul3A_36 : i32 to vector<16xi32>
      %sub3A_242 = arith.subi %get3A_240, %sub3A_241 : vector<16xi32>
      %gather3A = tpu.vector_load_idx %arg11[%sub3A_242] : memref<4096xf32, #tpu.memory_space<vmem>>[vector<16xi32>], vector<16xf32>,
      %mul3A_243 = arith.constant 16 : i32
      %mul3A_244 = arith.muli %scan3A_234, %mul3A_243 : i32
      %swap3A = arith.index_cast %mul3A_244 : i32 to index
      %swap3A_245 = tpu.vector_load %arg14[%swap3A] {strides = array<i32>} : memref<512xf32, #tpu.memory_space<vmem>>, vector<16xf32>,
      tpu.vector_store %arg14[%swap3A], %gather3A {strides = array<i32>} : memref<512xf32, #tpu.memory_space<vmem>>, vector<16xf32>,
      %gather3A_246 = tpu.vector_load_idx %arg12[%sub3A_242] : memref<4096xf32, #tpu.memory_space<vmem>>[vector<16xi32>], vector<16xf32>,
      %mul3A_247 = arith.constant 16 : i32
      %mul3A_248 = arith.muli %scan3A_234, %mul3A_247 : i32
      %swap3A_249 = arith.index_cast %mul3A_248 : i32 to index
      %swap3A_250 = tpu.vector_load %arg15[%swap3A_249] {strides = array<i32>} : memref<512xf32, #tpu.memory_space<vmem>>, vector<16xf32>,
      tpu.vector_store %arg15[%swap3A_249], %gather3A_246 {strides = array<i32>} : memref<512xf32, #tpu.memory_space<vmem>>, vector<16xf32>,
      %gather3A_251 = tpu.vector_load_idx %arg13[%sub3A_242] : memref<4096xf32, #tpu.memory_space<vmem>>[vector<16xi32>], vector<16xf32>,
      %mul3A_252 = arith.constant 16 : i32
      %mul3A_253 = arith.muli %scan3A_234, %mul3A_252 : i32
      %swap3A_254 = arith.index_cast %mul3A_253 : i32 to index
      %swap3A_255 = tpu.vector_load %arg16[%swap3A_254] {strides = array<i32>} : memref<512xf32, #tpu.memory_space<vmem>>, vector<16xf32>,
      tpu.vector_store %arg16[%swap3A_254], %gather3A_251 {strides = array<i32>} : memref<512xf32, #tpu.memory_space<vmem>>, vector<16xf32>,
      %scan3A_256 = arith.constant 0 : i32
      scf.yield %scan3A_256 : i32
    }
    %scan3A_120 = arith.constant 32 : i32
    %add3A_121 = arith.constant 1536 : i32
    %add3A_122 = arith.addi %mul3A_2, %add3A_121 : i32
    "tpu.region"() ({
      %run_scoped3A = tpu.sem_alloc : memref<!tpu.dma_semaphore, #tpu.memory_space<semaphore_mem>>
      %dma_start3A_234 = tpu.memref_slice %arg6[%add3A_122] : memref<131072xf32, #tpu.memory_space<hbm>> -> memref<512xf32, #tpu.memory_space<hbm>>
      %dma_start3A_235 = tpu.memref_slice %arg6[%add3A_122] : memref<131072xf32, #tpu.memory_space<hbm>> -> memref<512xf32, #tpu.memory_space<hbm>>
      tpu.enqueue_dma source(%arg14 : memref<512xf32, #tpu.memory_space<vmem>>) target(%dma_start3A_235 : memref<512xf32, #tpu.memory_space<hbm>>) target_semaphore(%run_scoped3A : memref<!tpu.dma_semaphore, #tpu.memory_space<semaphore_mem>>)
      %dma_wait3A_236 = tpu.memref_slice %arg6[%add3A_122] : memref<131072xf32, #tpu.memory_space<hbm>> -> memref<512xf32, #tpu.memory_space<hbm>>
      %dma_wait3A_237 = tpu.memref_slice %arg6[%add3A_122] : memref<131072xf32, #tpu.memory_space<hbm>> -> memref<512xf32, #tpu.memory_space<hbm>>
      tpu.wait_dma2 semaphore(%run_scoped3A : memref<!tpu.dma_semaphore, #tpu.memory_space<semaphore_mem>>) src(%arg14 : memref<512xf32, #tpu.memory_space<vmem>>) dst(%dma_wait3A_237 : memref<512xf32, #tpu.memory_space<hbm>>)
      tpu.yield
    }) : () -> ()
    %add3A_123 = arith.constant 1536 : i32
    %add3A_124 = arith.addi %mul3A_2, %add3A_123 : i32
    "tpu.region"() ({
      %run_scoped3A = tpu.sem_alloc : memref<!tpu.dma_semaphore, #tpu.memory_space<semaphore_mem>>
      %dma_start3A_234 = tpu.memref_slice %arg7[%add3A_124] : memref<131072xf32, #tpu.memory_space<hbm>> -> memref<512xf32, #tpu.memory_space<hbm>>
      %dma_start3A_235 = tpu.memref_slice %arg7[%add3A_124] : memref<131072xf32, #tpu.memory_space<hbm>> -> memref<512xf32, #tpu.memory_space<hbm>>
      tpu.enqueue_dma source(%arg15 : memref<512xf32, #tpu.memory_space<vmem>>) target(%dma_start3A_235 : memref<512xf32, #tpu.memory_space<hbm>>) target_semaphore(%run_scoped3A : memref<!tpu.dma_semaphore, #tpu.memory_space<semaphore_mem>>)
      %dma_wait3A_236 = tpu.memref_slice %arg7[%add3A_124] : memref<131072xf32, #tpu.memory_space<hbm>> -> memref<512xf32, #tpu.memory_space<hbm>>
      %dma_wait3A_237 = tpu.memref_slice %arg7[%add3A_124] : memref<131072xf32, #tpu.memory_space<hbm>> -> memref<512xf32, #tpu.memory_space<hbm>>
      tpu.wait_dma2 semaphore(%run_scoped3A : memref<!tpu.dma_semaphore, #tpu.memory_space<semaphore_mem>>) src(%arg15 : memref<512xf32, #tpu.memory_space<vmem>>) dst(%dma_wait3A_237 : memref<512xf32, #tpu.memory_space<hbm>>)
      tpu.yield
    }) : () -> ()
    %add3A_125 = arith.constant 1536 : i32
    %add3A_126 = arith.addi %mul3A_2, %add3A_125 : i32
    "tpu.region"() ({
      %run_scoped3A = tpu.sem_alloc : memref<!tpu.dma_semaphore, #tpu.memory_space<semaphore_mem>>
      %dma_start3A_234 = tpu.memref_slice %arg8[%add3A_126] : memref<131072xf32, #tpu.memory_space<hbm>> -> memref<512xf32, #tpu.memory_space<hbm>>
      %dma_start3A_235 = tpu.memref_slice %arg8[%add3A_126] : memref<131072xf32, #tpu.memory_space<hbm>> -> memref<512xf32, #tpu.memory_space<hbm>>
      tpu.enqueue_dma source(%arg16 : memref<512xf32, #tpu.memory_space<vmem>>) target(%dma_start3A_235 : memref<512xf32, #tpu.memory_space<hbm>>) target_semaphore(%run_scoped3A : memref<!tpu.dma_semaphore, #tpu.memory_space<semaphore_mem>>)
      %dma_wait3A_236 = tpu.memref_slice %arg8[%add3A_126] : memref<131072xf32, #tpu.memory_space<hbm>> -> memref<512xf32, #tpu.memory_space<hbm>>
      %dma_wait3A_237 = tpu.memref_slice %arg8[%add3A_126] : memref<131072xf32, #tpu.memory_space<hbm>> -> memref<512xf32, #tpu.memory_space<hbm>>
      tpu.wait_dma2 semaphore(%run_scoped3A : memref<!tpu.dma_semaphore, #tpu.memory_space<semaphore_mem>>) src(%arg16 : memref<512xf32, #tpu.memory_space<vmem>>) dst(%dma_wait3A_237 : memref<512xf32, #tpu.memory_space<hbm>>)
      tpu.yield
    }) : () -> ()
    %dma_wait3A_127 = arith.constant 1536 : i32
    %dma_wait3A_128 = tpu.memref_slice %arg9[%dma_wait3A_127] : memref<4096xi32, #tpu.memory_space<vmem>> -> memref<512xi32, #tpu.memory_space<vmem>>
    %dma_wait3A_129 = arith.constant 0 : i32
    %dma_wait3A_130 = arith.constant 0 : i32
    %dma_wait3A_131 = tpu.memref_slice %arg2[%dma_wait3A_129, %dma_wait3A_130] : memref<32768x128xf32, #tpu.memory_space<hbm>> -> memref<32768x128xf32, #tpu.memory_space<hbm>>
    tpu.wait_indirect_dma semaphore(%arg17 : memref<!tpu.dma_semaphore, #tpu.memory_space<semaphore_mem>>) src(%dma_wait3A_131 : memref<32768x128xf32, #tpu.memory_space<hbm>>) dst(%arg10 : memref<512x128xf32, #tpu.memory_space<vmem>>)
    %add3A_132 = arith.constant 1536 : i32
    %add3A_133 = arith.addi %mul3A_2, %add3A_132 : i32
    "tpu.region"() ({
      %run_scoped3A = tpu.sem_alloc : memref<!tpu.dma_semaphore, #tpu.memory_space<semaphore_mem>>
      %dma_start3A_234 = arith.constant 0 : i32
      %dma_start3A_235 = tpu.memref_slice %arg5[%add3A_133, %dma_start3A_234] : memref<131072x128xf32, #tpu.memory_space<hbm>> -> memref<512x128xf32, #tpu.memory_space<hbm>>
      %dma_start3A_236 = arith.constant 0 : i32
      %dma_start3A_237 = tpu.memref_slice %arg5[%add3A_133, %dma_start3A_236] : memref<131072x128xf32, #tpu.memory_space<hbm>> -> memref<512x128xf32, #tpu.memory_space<hbm>>
      tpu.enqueue_dma source(%arg10 : memref<512x128xf32, #tpu.memory_space<vmem>>) target(%dma_start3A_237 : memref<512x128xf32, #tpu.memory_space<hbm>>) target_semaphore(%run_scoped3A : memref<!tpu.dma_semaphore, #tpu.memory_space<semaphore_mem>>)
      %dma_wait3A_238 = arith.constant 0 : i32
      %dma_wait3A_239 = tpu.memref_slice %arg5[%add3A_133, %dma_wait3A_238] : memref<131072x128xf32, #tpu.memory_space<hbm>> -> memref<512x128xf32, #tpu.memory_space<hbm>>
      %dma_wait3A_240 = arith.constant 0 : i32
      %dma_wait3A_241 = tpu.memref_slice %arg5[%add3A_133, %dma_wait3A_240] : memref<131072x128xf32, #tpu.memory_space<hbm>> -> memref<512x128xf32, #tpu.memory_space<hbm>>
      tpu.wait_dma2 semaphore(%run_scoped3A : memref<!tpu.dma_semaphore, #tpu.memory_space<semaphore_mem>>) src(%arg10 : memref<512x128xf32, #tpu.memory_space<vmem>>) dst(%dma_wait3A_241 : memref<512x128xf32, #tpu.memory_space<hbm>>)
      tpu.yield
    }) : () -> ()
    %dma_start3A_134 = arith.constant 2048 : i32
    %dma_start3A_135 = tpu.memref_slice %arg9[%dma_start3A_134] : memref<4096xi32, #tpu.memory_space<vmem>> -> memref<512xi32, #tpu.memory_space<vmem>>
    %dma_start3A_136 = arith.constant 0 : i32
    %dma_start3A_137 = arith.constant 0 : i32
    %dma_start3A_138 = tpu.memref_slice %arg2[%dma_start3A_136, %dma_start3A_137] : memref<32768x128xf32, #tpu.memory_space<hbm>> -> memref<32768x128xf32, #tpu.memory_space<hbm>>
    tpu.enqueue_indirect_dma source(%dma_start3A_138 : memref<32768x128xf32, #tpu.memory_space<hbm>>) target(%arg10 : memref<512x128xf32, #tpu.memory_space<vmem>>) offsets(%dma_start3A_135 : memref<512xi32, #tpu.memory_space<vmem>>) semaphore(%arg17 : memref<!tpu.dma_semaphore, #tpu.memory_space<semaphore_mem>>)
    %scan3A_139 = arith.constant 0 : i32
    %scan3A_140 = arith.constant 0 : i32
    %scan3A_141 = arith.constant 32 : i32
    %scan3A_142 = arith.addi %scan3A_140, %scan3A_141 : i32
    %scan3A_143 = arith.constant 1 : i32
    %scan3A_144 = scf.for %scan3A_234 = %scan3A_140 to %scan3A_142 step %scan3A_143 iter_args(%scan3A_235 = %scan3A_139) -> (i32)  : i32 {
      %mul3A_236 = arith.constant 16 : i32
      %mul3A_237 = arith.muli %scan3A_234, %mul3A_236 : i32
      %add3A_238 = arith.constant 2048 : i32
      %add3A_239 = arith.addi %add3A_238, %mul3A_237 : i32
      %get3A = arith.index_cast %add3A_239 : i32 to index
      %get3A_240 = tpu.vector_load %arg9[%get3A] {strides = array<i32>} : memref<4096xi32, #tpu.memory_space<vmem>>, vector<16xi32>,
      %sub3A_241 = vector.broadcast %mul3A_36 : i32 to vector<16xi32>
      %sub3A_242 = arith.subi %get3A_240, %sub3A_241 : vector<16xi32>
      %gather3A = tpu.vector_load_idx %arg11[%sub3A_242] : memref<4096xf32, #tpu.memory_space<vmem>>[vector<16xi32>], vector<16xf32>,
      %mul3A_243 = arith.constant 16 : i32
      %mul3A_244 = arith.muli %scan3A_234, %mul3A_243 : i32
      %swap3A = arith.index_cast %mul3A_244 : i32 to index
      %swap3A_245 = tpu.vector_load %arg14[%swap3A] {strides = array<i32>} : memref<512xf32, #tpu.memory_space<vmem>>, vector<16xf32>,
      tpu.vector_store %arg14[%swap3A], %gather3A {strides = array<i32>} : memref<512xf32, #tpu.memory_space<vmem>>, vector<16xf32>,
      %gather3A_246 = tpu.vector_load_idx %arg12[%sub3A_242] : memref<4096xf32, #tpu.memory_space<vmem>>[vector<16xi32>], vector<16xf32>,
      %mul3A_247 = arith.constant 16 : i32
      %mul3A_248 = arith.muli %scan3A_234, %mul3A_247 : i32
      %swap3A_249 = arith.index_cast %mul3A_248 : i32 to index
      %swap3A_250 = tpu.vector_load %arg15[%swap3A_249] {strides = array<i32>} : memref<512xf32, #tpu.memory_space<vmem>>, vector<16xf32>,
      tpu.vector_store %arg15[%swap3A_249], %gather3A_246 {strides = array<i32>} : memref<512xf32, #tpu.memory_space<vmem>>, vector<16xf32>,
      %gather3A_251 = tpu.vector_load_idx %arg13[%sub3A_242] : memref<4096xf32, #tpu.memory_space<vmem>>[vector<16xi32>], vector<16xf32>,
      %mul3A_252 = arith.constant 16 : i32
      %mul3A_253 = arith.muli %scan3A_234, %mul3A_252 : i32
      %swap3A_254 = arith.index_cast %mul3A_253 : i32 to index
      %swap3A_255 = tpu.vector_load %arg16[%swap3A_254] {strides = array<i32>} : memref<512xf32, #tpu.memory_space<vmem>>, vector<16xf32>,
      tpu.vector_store %arg16[%swap3A_254], %gather3A_251 {strides = array<i32>} : memref<512xf32, #tpu.memory_space<vmem>>, vector<16xf32>,
      %scan3A_256 = arith.constant 0 : i32
      scf.yield %scan3A_256 : i32
    }
    %scan3A_145 = arith.constant 32 : i32
    %add3A_146 = arith.constant 2048 : i32
    %add3A_147 = arith.addi %mul3A_2, %add3A_146 : i32
    "tpu.region"() ({
      %run_scoped3A = tpu.sem_alloc : memref<!tpu.dma_semaphore, #tpu.memory_space<semaphore_mem>>
      %dma_start3A_234 = tpu.memref_slice %arg6[%add3A_147] : memref<131072xf32, #tpu.memory_space<hbm>> -> memref<512xf32, #tpu.memory_space<hbm>>
      %dma_start3A_235 = tpu.memref_slice %arg6[%add3A_147] : memref<131072xf32, #tpu.memory_space<hbm>> -> memref<512xf32, #tpu.memory_space<hbm>>
      tpu.enqueue_dma source(%arg14 : memref<512xf32, #tpu.memory_space<vmem>>) target(%dma_start3A_235 : memref<512xf32, #tpu.memory_space<hbm>>) target_semaphore(%run_scoped3A : memref<!tpu.dma_semaphore, #tpu.memory_space<semaphore_mem>>)
      %dma_wait3A_236 = tpu.memref_slice %arg6[%add3A_147] : memref<131072xf32, #tpu.memory_space<hbm>> -> memref<512xf32, #tpu.memory_space<hbm>>
      %dma_wait3A_237 = tpu.memref_slice %arg6[%add3A_147] : memref<131072xf32, #tpu.memory_space<hbm>> -> memref<512xf32, #tpu.memory_space<hbm>>
      tpu.wait_dma2 semaphore(%run_scoped3A : memref<!tpu.dma_semaphore, #tpu.memory_space<semaphore_mem>>) src(%arg14 : memref<512xf32, #tpu.memory_space<vmem>>) dst(%dma_wait3A_237 : memref<512xf32, #tpu.memory_space<hbm>>)
      tpu.yield
    }) : () -> ()
    %add3A_148 = arith.constant 2048 : i32
    %add3A_149 = arith.addi %mul3A_2, %add3A_148 : i32
    "tpu.region"() ({
      %run_scoped3A = tpu.sem_alloc : memref<!tpu.dma_semaphore, #tpu.memory_space<semaphore_mem>>
      %dma_start3A_234 = tpu.memref_slice %arg7[%add3A_149] : memref<131072xf32, #tpu.memory_space<hbm>> -> memref<512xf32, #tpu.memory_space<hbm>>
      %dma_start3A_235 = tpu.memref_slice %arg7[%add3A_149] : memref<131072xf32, #tpu.memory_space<hbm>> -> memref<512xf32, #tpu.memory_space<hbm>>
      tpu.enqueue_dma source(%arg15 : memref<512xf32, #tpu.memory_space<vmem>>) target(%dma_start3A_235 : memref<512xf32, #tpu.memory_space<hbm>>) target_semaphore(%run_scoped3A : memref<!tpu.dma_semaphore, #tpu.memory_space<semaphore_mem>>)
      %dma_wait3A_236 = tpu.memref_slice %arg7[%add3A_149] : memref<131072xf32, #tpu.memory_space<hbm>> -> memref<512xf32, #tpu.memory_space<hbm>>
      %dma_wait3A_237 = tpu.memref_slice %arg7[%add3A_149] : memref<131072xf32, #tpu.memory_space<hbm>> -> memref<512xf32, #tpu.memory_space<hbm>>
      tpu.wait_dma2 semaphore(%run_scoped3A : memref<!tpu.dma_semaphore, #tpu.memory_space<semaphore_mem>>) src(%arg15 : memref<512xf32, #tpu.memory_space<vmem>>) dst(%dma_wait3A_237 : memref<512xf32, #tpu.memory_space<hbm>>)
      tpu.yield
    }) : () -> ()
    %add3A_150 = arith.constant 2048 : i32
    %add3A_151 = arith.addi %mul3A_2, %add3A_150 : i32
    "tpu.region"() ({
      %run_scoped3A = tpu.sem_alloc : memref<!tpu.dma_semaphore, #tpu.memory_space<semaphore_mem>>
      %dma_start3A_234 = tpu.memref_slice %arg8[%add3A_151] : memref<131072xf32, #tpu.memory_space<hbm>> -> memref<512xf32, #tpu.memory_space<hbm>>
      %dma_start3A_235 = tpu.memref_slice %arg8[%add3A_151] : memref<131072xf32, #tpu.memory_space<hbm>> -> memref<512xf32, #tpu.memory_space<hbm>>
      tpu.enqueue_dma source(%arg16 : memref<512xf32, #tpu.memory_space<vmem>>) target(%dma_start3A_235 : memref<512xf32, #tpu.memory_space<hbm>>) target_semaphore(%run_scoped3A : memref<!tpu.dma_semaphore, #tpu.memory_space<semaphore_mem>>)
      %dma_wait3A_236 = tpu.memref_slice %arg8[%add3A_151] : memref<131072xf32, #tpu.memory_space<hbm>> -> memref<512xf32, #tpu.memory_space<hbm>>
      %dma_wait3A_237 = tpu.memref_slice %arg8[%add3A_151] : memref<131072xf32, #tpu.memory_space<hbm>> -> memref<512xf32, #tpu.memory_space<hbm>>
      tpu.wait_dma2 semaphore(%run_scoped3A : memref<!tpu.dma_semaphore, #tpu.memory_space<semaphore_mem>>) src(%arg16 : memref<512xf32, #tpu.memory_space<vmem>>) dst(%dma_wait3A_237 : memref<512xf32, #tpu.memory_space<hbm>>)
      tpu.yield
    }) : () -> ()
    %dma_wait3A_152 = arith.constant 2048 : i32
    %dma_wait3A_153 = tpu.memref_slice %arg9[%dma_wait3A_152] : memref<4096xi32, #tpu.memory_space<vmem>> -> memref<512xi32, #tpu.memory_space<vmem>>
    %dma_wait3A_154 = arith.constant 0 : i32
    %dma_wait3A_155 = arith.constant 0 : i32
    %dma_wait3A_156 = tpu.memref_slice %arg2[%dma_wait3A_154, %dma_wait3A_155] : memref<32768x128xf32, #tpu.memory_space<hbm>> -> memref<32768x128xf32, #tpu.memory_space<hbm>>
    tpu.wait_indirect_dma semaphore(%arg17 : memref<!tpu.dma_semaphore, #tpu.memory_space<semaphore_mem>>) src(%dma_wait3A_156 : memref<32768x128xf32, #tpu.memory_space<hbm>>) dst(%arg10 : memref<512x128xf32, #tpu.memory_space<vmem>>)
    %add3A_157 = arith.constant 2048 : i32
    %add3A_158 = arith.addi %mul3A_2, %add3A_157 : i32
    "tpu.region"() ({
      %run_scoped3A = tpu.sem_alloc : memref<!tpu.dma_semaphore, #tpu.memory_space<semaphore_mem>>
      %dma_start3A_234 = arith.constant 0 : i32
      %dma_start3A_235 = tpu.memref_slice %arg5[%add3A_158, %dma_start3A_234] : memref<131072x128xf32, #tpu.memory_space<hbm>> -> memref<512x128xf32, #tpu.memory_space<hbm>>
      %dma_start3A_236 = arith.constant 0 : i32
      %dma_start3A_237 = tpu.memref_slice %arg5[%add3A_158, %dma_start3A_236] : memref<131072x128xf32, #tpu.memory_space<hbm>> -> memref<512x128xf32, #tpu.memory_space<hbm>>
      tpu.enqueue_dma source(%arg10 : memref<512x128xf32, #tpu.memory_space<vmem>>) target(%dma_start3A_237 : memref<512x128xf32, #tpu.memory_space<hbm>>) target_semaphore(%run_scoped3A : memref<!tpu.dma_semaphore, #tpu.memory_space<semaphore_mem>>)
      %dma_wait3A_238 = arith.constant 0 : i32
      %dma_wait3A_239 = tpu.memref_slice %arg5[%add3A_158, %dma_wait3A_238] : memref<131072x128xf32, #tpu.memory_space<hbm>> -> memref<512x128xf32, #tpu.memory_space<hbm>>
      %dma_wait3A_240 = arith.constant 0 : i32
      %dma_wait3A_241 = tpu.memref_slice %arg5[%add3A_158, %dma_wait3A_240] : memref<131072x128xf32, #tpu.memory_space<hbm>> -> memref<512x128xf32, #tpu.memory_space<hbm>>
      tpu.wait_dma2 semaphore(%run_scoped3A : memref<!tpu.dma_semaphore, #tpu.memory_space<semaphore_mem>>) src(%arg10 : memref<512x128xf32, #tpu.memory_space<vmem>>) dst(%dma_wait3A_241 : memref<512x128xf32, #tpu.memory_space<hbm>>)
      tpu.yield
    }) : () -> ()
    %dma_start3A_159 = arith.constant 2560 : i32
    %dma_start3A_160 = tpu.memref_slice %arg9[%dma_start3A_159] : memref<4096xi32, #tpu.memory_space<vmem>> -> memref<512xi32, #tpu.memory_space<vmem>>
    %dma_start3A_161 = arith.constant 0 : i32
    %dma_start3A_162 = arith.constant 0 : i32
    %dma_start3A_163 = tpu.memref_slice %arg2[%dma_start3A_161, %dma_start3A_162] : memref<32768x128xf32, #tpu.memory_space<hbm>> -> memref<32768x128xf32, #tpu.memory_space<hbm>>
    tpu.enqueue_indirect_dma source(%dma_start3A_163 : memref<32768x128xf32, #tpu.memory_space<hbm>>) target(%arg10 : memref<512x128xf32, #tpu.memory_space<vmem>>) offsets(%dma_start3A_160 : memref<512xi32, #tpu.memory_space<vmem>>) semaphore(%arg17 : memref<!tpu.dma_semaphore, #tpu.memory_space<semaphore_mem>>)
    %scan3A_164 = arith.constant 0 : i32
    %scan3A_165 = arith.constant 0 : i32
    %scan3A_166 = arith.constant 32 : i32
    %scan3A_167 = arith.addi %scan3A_165, %scan3A_166 : i32
    %scan3A_168 = arith.constant 1 : i32
    %scan3A_169 = scf.for %scan3A_234 = %scan3A_165 to %scan3A_167 step %scan3A_168 iter_args(%scan3A_235 = %scan3A_164) -> (i32)  : i32 {
      %mul3A_236 = arith.constant 16 : i32
      %mul3A_237 = arith.muli %scan3A_234, %mul3A_236 : i32
      %add3A_238 = arith.constant 2560 : i32
      %add3A_239 = arith.addi %add3A_238, %mul3A_237 : i32
      %get3A = arith.index_cast %add3A_239 : i32 to index
      %get3A_240 = tpu.vector_load %arg9[%get3A] {strides = array<i32>} : memref<4096xi32, #tpu.memory_space<vmem>>, vector<16xi32>,
      %sub3A_241 = vector.broadcast %mul3A_36 : i32 to vector<16xi32>
      %sub3A_242 = arith.subi %get3A_240, %sub3A_241 : vector<16xi32>
      %gather3A = tpu.vector_load_idx %arg11[%sub3A_242] : memref<4096xf32, #tpu.memory_space<vmem>>[vector<16xi32>], vector<16xf32>,
      %mul3A_243 = arith.constant 16 : i32
      %mul3A_244 = arith.muli %scan3A_234, %mul3A_243 : i32
      %swap3A = arith.index_cast %mul3A_244 : i32 to index
      %swap3A_245 = tpu.vector_load %arg14[%swap3A] {strides = array<i32>} : memref<512xf32, #tpu.memory_space<vmem>>, vector<16xf32>,
      tpu.vector_store %arg14[%swap3A], %gather3A {strides = array<i32>} : memref<512xf32, #tpu.memory_space<vmem>>, vector<16xf32>,
      %gather3A_246 = tpu.vector_load_idx %arg12[%sub3A_242] : memref<4096xf32, #tpu.memory_space<vmem>>[vector<16xi32>], vector<16xf32>,
      %mul3A_247 = arith.constant 16 : i32
      %mul3A_248 = arith.muli %scan3A_234, %mul3A_247 : i32
      %swap3A_249 = arith.index_cast %mul3A_248 : i32 to index
      %swap3A_250 = tpu.vector_load %arg15[%swap3A_249] {strides = array<i32>} : memref<512xf32, #tpu.memory_space<vmem>>, vector<16xf32>,
      tpu.vector_store %arg15[%swap3A_249], %gather3A_246 {strides = array<i32>} : memref<512xf32, #tpu.memory_space<vmem>>, vector<16xf32>,
      %gather3A_251 = tpu.vector_load_idx %arg13[%sub3A_242] : memref<4096xf32, #tpu.memory_space<vmem>>[vector<16xi32>], vector<16xf32>,
      %mul3A_252 = arith.constant 16 : i32
      %mul3A_253 = arith.muli %scan3A_234, %mul3A_252 : i32
      %swap3A_254 = arith.index_cast %mul3A_253 : i32 to index
      %swap3A_255 = tpu.vector_load %arg16[%swap3A_254] {strides = array<i32>} : memref<512xf32, #tpu.memory_space<vmem>>, vector<16xf32>,
      tpu.vector_store %arg16[%swap3A_254], %gather3A_251 {strides = array<i32>} : memref<512xf32, #tpu.memory_space<vmem>>, vector<16xf32>,
      %scan3A_256 = arith.constant 0 : i32
      scf.yield %scan3A_256 : i32
    }
    %scan3A_170 = arith.constant 32 : i32
    %add3A_171 = arith.constant 2560 : i32
    %add3A_172 = arith.addi %mul3A_2, %add3A_171 : i32
    "tpu.region"() ({
      %run_scoped3A = tpu.sem_alloc : memref<!tpu.dma_semaphore, #tpu.memory_space<semaphore_mem>>
      %dma_start3A_234 = tpu.memref_slice %arg6[%add3A_172] : memref<131072xf32, #tpu.memory_space<hbm>> -> memref<512xf32, #tpu.memory_space<hbm>>
      %dma_start3A_235 = tpu.memref_slice %arg6[%add3A_172] : memref<131072xf32, #tpu.memory_space<hbm>> -> memref<512xf32, #tpu.memory_space<hbm>>
      tpu.enqueue_dma source(%arg14 : memref<512xf32, #tpu.memory_space<vmem>>) target(%dma_start3A_235 : memref<512xf32, #tpu.memory_space<hbm>>) target_semaphore(%run_scoped3A : memref<!tpu.dma_semaphore, #tpu.memory_space<semaphore_mem>>)
      %dma_wait3A_236 = tpu.memref_slice %arg6[%add3A_172] : memref<131072xf32, #tpu.memory_space<hbm>> -> memref<512xf32, #tpu.memory_space<hbm>>
      %dma_wait3A_237 = tpu.memref_slice %arg6[%add3A_172] : memref<131072xf32, #tpu.memory_space<hbm>> -> memref<512xf32, #tpu.memory_space<hbm>>
      tpu.wait_dma2 semaphore(%run_scoped3A : memref<!tpu.dma_semaphore, #tpu.memory_space<semaphore_mem>>) src(%arg14 : memref<512xf32, #tpu.memory_space<vmem>>) dst(%dma_wait3A_237 : memref<512xf32, #tpu.memory_space<hbm>>)
      tpu.yield
    }) : () -> ()
    %add3A_173 = arith.constant 2560 : i32
    %add3A_174 = arith.addi %mul3A_2, %add3A_173 : i32
    "tpu.region"() ({
      %run_scoped3A = tpu.sem_alloc : memref<!tpu.dma_semaphore, #tpu.memory_space<semaphore_mem>>
      %dma_start3A_234 = tpu.memref_slice %arg7[%add3A_174] : memref<131072xf32, #tpu.memory_space<hbm>> -> memref<512xf32, #tpu.memory_space<hbm>>
      %dma_start3A_235 = tpu.memref_slice %arg7[%add3A_174] : memref<131072xf32, #tpu.memory_space<hbm>> -> memref<512xf32, #tpu.memory_space<hbm>>
      tpu.enqueue_dma source(%arg15 : memref<512xf32, #tpu.memory_space<vmem>>) target(%dma_start3A_235 : memref<512xf32, #tpu.memory_space<hbm>>) target_semaphore(%run_scoped3A : memref<!tpu.dma_semaphore, #tpu.memory_space<semaphore_mem>>)
      %dma_wait3A_236 = tpu.memref_slice %arg7[%add3A_174] : memref<131072xf32, #tpu.memory_space<hbm>> -> memref<512xf32, #tpu.memory_space<hbm>>
      %dma_wait3A_237 = tpu.memref_slice %arg7[%add3A_174] : memref<131072xf32, #tpu.memory_space<hbm>> -> memref<512xf32, #tpu.memory_space<hbm>>
      tpu.wait_dma2 semaphore(%run_scoped3A : memref<!tpu.dma_semaphore, #tpu.memory_space<semaphore_mem>>) src(%arg15 : memref<512xf32, #tpu.memory_space<vmem>>) dst(%dma_wait3A_237 : memref<512xf32, #tpu.memory_space<hbm>>)
      tpu.yield
    }) : () -> ()
    %add3A_175 = arith.constant 2560 : i32
    %add3A_176 = arith.addi %mul3A_2, %add3A_175 : i32
    "tpu.region"() ({
      %run_scoped3A = tpu.sem_alloc : memref<!tpu.dma_semaphore, #tpu.memory_space<semaphore_mem>>
      %dma_start3A_234 = tpu.memref_slice %arg8[%add3A_176] : memref<131072xf32, #tpu.memory_space<hbm>> -> memref<512xf32, #tpu.memory_space<hbm>>
      %dma_start3A_235 = tpu.memref_slice %arg8[%add3A_176] : memref<131072xf32, #tpu.memory_space<hbm>> -> memref<512xf32, #tpu.memory_space<hbm>>
      tpu.enqueue_dma source(%arg16 : memref<512xf32, #tpu.memory_space<vmem>>) target(%dma_start3A_235 : memref<512xf32, #tpu.memory_space<hbm>>) target_semaphore(%run_scoped3A : memref<!tpu.dma_semaphore, #tpu.memory_space<semaphore_mem>>)
      %dma_wait3A_236 = tpu.memref_slice %arg8[%add3A_176] : memref<131072xf32, #tpu.memory_space<hbm>> -> memref<512xf32, #tpu.memory_space<hbm>>
      %dma_wait3A_237 = tpu.memref_slice %arg8[%add3A_176] : memref<131072xf32, #tpu.memory_space<hbm>> -> memref<512xf32, #tpu.memory_space<hbm>>
      tpu.wait_dma2 semaphore(%run_scoped3A : memref<!tpu.dma_semaphore, #tpu.memory_space<semaphore_mem>>) src(%arg16 : memref<512xf32, #tpu.memory_space<vmem>>) dst(%dma_wait3A_237 : memref<512xf32, #tpu.memory_space<hbm>>)
      tpu.yield
    }) : () -> ()
    %dma_wait3A_177 = arith.constant 2560 : i32
    %dma_wait3A_178 = tpu.memref_slice %arg9[%dma_wait3A_177] : memref<4096xi32, #tpu.memory_space<vmem>> -> memref<512xi32, #tpu.memory_space<vmem>>
    %dma_wait3A_179 = arith.constant 0 : i32
    %dma_wait3A_180 = arith.constant 0 : i32
    %dma_wait3A_181 = tpu.memref_slice %arg2[%dma_wait3A_179, %dma_wait3A_180] : memref<32768x128xf32, #tpu.memory_space<hbm>> -> memref<32768x128xf32, #tpu.memory_space<hbm>>
    tpu.wait_indirect_dma semaphore(%arg17 : memref<!tpu.dma_semaphore, #tpu.memory_space<semaphore_mem>>) src(%dma_wait3A_181 : memref<32768x128xf32, #tpu.memory_space<hbm>>) dst(%arg10 : memref<512x128xf32, #tpu.memory_space<vmem>>)
    %add3A_182 = arith.constant 2560 : i32
    %add3A_183 = arith.addi %mul3A_2, %add3A_182 : i32
    "tpu.region"() ({
      %run_scoped3A = tpu.sem_alloc : memref<!tpu.dma_semaphore, #tpu.memory_space<semaphore_mem>>
      %dma_start3A_234 = arith.constant 0 : i32
      %dma_start3A_235 = tpu.memref_slice %arg5[%add3A_183, %dma_start3A_234] : memref<131072x128xf32, #tpu.memory_space<hbm>> -> memref<512x128xf32, #tpu.memory_space<hbm>>
      %dma_start3A_236 = arith.constant 0 : i32
      %dma_start3A_237 = tpu.memref_slice %arg5[%add3A_183, %dma_start3A_236] : memref<131072x128xf32, #tpu.memory_space<hbm>> -> memref<512x128xf32, #tpu.memory_space<hbm>>
      tpu.enqueue_dma source(%arg10 : memref<512x128xf32, #tpu.memory_space<vmem>>) target(%dma_start3A_237 : memref<512x128xf32, #tpu.memory_space<hbm>>) target_semaphore(%run_scoped3A : memref<!tpu.dma_semaphore, #tpu.memory_space<semaphore_mem>>)
      %dma_wait3A_238 = arith.constant 0 : i32
      %dma_wait3A_239 = tpu.memref_slice %arg5[%add3A_183, %dma_wait3A_238] : memref<131072x128xf32, #tpu.memory_space<hbm>> -> memref<512x128xf32, #tpu.memory_space<hbm>>
      %dma_wait3A_240 = arith.constant 0 : i32
      %dma_wait3A_241 = tpu.memref_slice %arg5[%add3A_183, %dma_wait3A_240] : memref<131072x128xf32, #tpu.memory_space<hbm>> -> memref<512x128xf32, #tpu.memory_space<hbm>>
      tpu.wait_dma2 semaphore(%run_scoped3A : memref<!tpu.dma_semaphore, #tpu.memory_space<semaphore_mem>>) src(%arg10 : memref<512x128xf32, #tpu.memory_space<vmem>>) dst(%dma_wait3A_241 : memref<512x128xf32, #tpu.memory_space<hbm>>)
      tpu.yield
    }) : () -> ()
    %dma_start3A_184 = arith.constant 3072 : i32
    %dma_start3A_185 = tpu.memref_slice %arg9[%dma_start3A_184] : memref<4096xi32, #tpu.memory_space<vmem>> -> memref<512xi32, #tpu.memory_space<vmem>>
    %dma_start3A_186 = arith.constant 0 : i32
    %dma_start3A_187 = arith.constant 0 : i32
    %dma_start3A_188 = tpu.memref_slice %arg2[%dma_start3A_186, %dma_start3A_187] : memref<32768x128xf32, #tpu.memory_space<hbm>> -> memref<32768x128xf32, #tpu.memory_space<hbm>>
    tpu.enqueue_indirect_dma source(%dma_start3A_188 : memref<32768x128xf32, #tpu.memory_space<hbm>>) target(%arg10 : memref<512x128xf32, #tpu.memory_space<vmem>>) offsets(%dma_start3A_185 : memref<512xi32, #tpu.memory_space<vmem>>) semaphore(%arg17 : memref<!tpu.dma_semaphore, #tpu.memory_space<semaphore_mem>>)
    %scan3A_189 = arith.constant 0 : i32
    %scan3A_190 = arith.constant 0 : i32
    %scan3A_191 = arith.constant 32 : i32
    %scan3A_192 = arith.addi %scan3A_190, %scan3A_191 : i32
    %scan3A_193 = arith.constant 1 : i32
    %scan3A_194 = scf.for %scan3A_234 = %scan3A_190 to %scan3A_192 step %scan3A_193 iter_args(%scan3A_235 = %scan3A_189) -> (i32)  : i32 {
      %mul3A_236 = arith.constant 16 : i32
      %mul3A_237 = arith.muli %scan3A_234, %mul3A_236 : i32
      %add3A_238 = arith.constant 3072 : i32
      %add3A_239 = arith.addi %add3A_238, %mul3A_237 : i32
      %get3A = arith.index_cast %add3A_239 : i32 to index
      %get3A_240 = tpu.vector_load %arg9[%get3A] {strides = array<i32>} : memref<4096xi32, #tpu.memory_space<vmem>>, vector<16xi32>,
      %sub3A_241 = vector.broadcast %mul3A_36 : i32 to vector<16xi32>
      %sub3A_242 = arith.subi %get3A_240, %sub3A_241 : vector<16xi32>
      %gather3A = tpu.vector_load_idx %arg11[%sub3A_242] : memref<4096xf32, #tpu.memory_space<vmem>>[vector<16xi32>], vector<16xf32>,
      %mul3A_243 = arith.constant 16 : i32
      %mul3A_244 = arith.muli %scan3A_234, %mul3A_243 : i32
      %swap3A = arith.index_cast %mul3A_244 : i32 to index
      %swap3A_245 = tpu.vector_load %arg14[%swap3A] {strides = array<i32>} : memref<512xf32, #tpu.memory_space<vmem>>, vector<16xf32>,
      tpu.vector_store %arg14[%swap3A], %gather3A {strides = array<i32>} : memref<512xf32, #tpu.memory_space<vmem>>, vector<16xf32>,
      %gather3A_246 = tpu.vector_load_idx %arg12[%sub3A_242] : memref<4096xf32, #tpu.memory_space<vmem>>[vector<16xi32>], vector<16xf32>,
      %mul3A_247 = arith.constant 16 : i32
      %mul3A_248 = arith.muli %scan3A_234, %mul3A_247 : i32
      %swap3A_249 = arith.index_cast %mul3A_248 : i32 to index
      %swap3A_250 = tpu.vector_load %arg15[%swap3A_249] {strides = array<i32>} : memref<512xf32, #tpu.memory_space<vmem>>, vector<16xf32>,
      tpu.vector_store %arg15[%swap3A_249], %gather3A_246 {strides = array<i32>} : memref<512xf32, #tpu.memory_space<vmem>>, vector<16xf32>,
      %gather3A_251 = tpu.vector_load_idx %arg13[%sub3A_242] : memref<4096xf32, #tpu.memory_space<vmem>>[vector<16xi32>], vector<16xf32>,
      %mul3A_252 = arith.constant 16 : i32
      %mul3A_253 = arith.muli %scan3A_234, %mul3A_252 : i32
      %swap3A_254 = arith.index_cast %mul3A_253 : i32 to index
      %swap3A_255 = tpu.vector_load %arg16[%swap3A_254] {strides = array<i32>} : memref<512xf32, #tpu.memory_space<vmem>>, vector<16xf32>,
      tpu.vector_store %arg16[%swap3A_254], %gather3A_251 {strides = array<i32>} : memref<512xf32, #tpu.memory_space<vmem>>, vector<16xf32>,
      %scan3A_256 = arith.constant 0 : i32
      scf.yield %scan3A_256 : i32
    }
    %scan3A_195 = arith.constant 32 : i32
    %add3A_196 = arith.constant 3072 : i32
    %add3A_197 = arith.addi %mul3A_2, %add3A_196 : i32
    "tpu.region"() ({
      %run_scoped3A = tpu.sem_alloc : memref<!tpu.dma_semaphore, #tpu.memory_space<semaphore_mem>>
      %dma_start3A_234 = tpu.memref_slice %arg6[%add3A_197] : memref<131072xf32, #tpu.memory_space<hbm>> -> memref<512xf32, #tpu.memory_space<hbm>>
      %dma_start3A_235 = tpu.memref_slice %arg6[%add3A_197] : memref<131072xf32, #tpu.memory_space<hbm>> -> memref<512xf32, #tpu.memory_space<hbm>>
      tpu.enqueue_dma source(%arg14 : memref<512xf32, #tpu.memory_space<vmem>>) target(%dma_start3A_235 : memref<512xf32, #tpu.memory_space<hbm>>) target_semaphore(%run_scoped3A : memref<!tpu.dma_semaphore, #tpu.memory_space<semaphore_mem>>)
      %dma_wait3A_236 = tpu.memref_slice %arg6[%add3A_197] : memref<131072xf32, #tpu.memory_space<hbm>> -> memref<512xf32, #tpu.memory_space<hbm>>
      %dma_wait3A_237 = tpu.memref_slice %arg6[%add3A_197] : memref<131072xf32, #tpu.memory_space<hbm>> -> memref<512xf32, #tpu.memory_space<hbm>>
      tpu.wait_dma2 semaphore(%run_scoped3A : memref<!tpu.dma_semaphore, #tpu.memory_space<semaphore_mem>>) src(%arg14 : memref<512xf32, #tpu.memory_space<vmem>>) dst(%dma_wait3A_237 : memref<512xf32, #tpu.memory_space<hbm>>)
      tpu.yield
    }) : () -> ()
    %add3A_198 = arith.constant 3072 : i32
    %add3A_199 = arith.addi %mul3A_2, %add3A_198 : i32
    "tpu.region"() ({
      %run_scoped3A = tpu.sem_alloc : memref<!tpu.dma_semaphore, #tpu.memory_space<semaphore_mem>>
      %dma_start3A_234 = tpu.memref_slice %arg7[%add3A_199] : memref<131072xf32, #tpu.memory_space<hbm>> -> memref<512xf32, #tpu.memory_space<hbm>>
      %dma_start3A_235 = tpu.memref_slice %arg7[%add3A_199] : memref<131072xf32, #tpu.memory_space<hbm>> -> memref<512xf32, #tpu.memory_space<hbm>>
      tpu.enqueue_dma source(%arg15 : memref<512xf32, #tpu.memory_space<vmem>>) target(%dma_start3A_235 : memref<512xf32, #tpu.memory_space<hbm>>) target_semaphore(%run_scoped3A : memref<!tpu.dma_semaphore, #tpu.memory_space<semaphore_mem>>)
      %dma_wait3A_236 = tpu.memref_slice %arg7[%add3A_199] : memref<131072xf32, #tpu.memory_space<hbm>> -> memref<512xf32, #tpu.memory_space<hbm>>
      %dma_wait3A_237 = tpu.memref_slice %arg7[%add3A_199] : memref<131072xf32, #tpu.memory_space<hbm>> -> memref<512xf32, #tpu.memory_space<hbm>>
      tpu.wait_dma2 semaphore(%run_scoped3A : memref<!tpu.dma_semaphore, #tpu.memory_space<semaphore_mem>>) src(%arg15 : memref<512xf32, #tpu.memory_space<vmem>>) dst(%dma_wait3A_237 : memref<512xf32, #tpu.memory_space<hbm>>)
      tpu.yield
    }) : () -> ()
    %add3A_200 = arith.constant 3072 : i32
    %add3A_201 = arith.addi %mul3A_2, %add3A_200 : i32
    "tpu.region"() ({
      %run_scoped3A = tpu.sem_alloc : memref<!tpu.dma_semaphore, #tpu.memory_space<semaphore_mem>>
      %dma_start3A_234 = tpu.memref_slice %arg8[%add3A_201] : memref<131072xf32, #tpu.memory_space<hbm>> -> memref<512xf32, #tpu.memory_space<hbm>>
      %dma_start3A_235 = tpu.memref_slice %arg8[%add3A_201] : memref<131072xf32, #tpu.memory_space<hbm>> -> memref<512xf32, #tpu.memory_space<hbm>>
      tpu.enqueue_dma source(%arg16 : memref<512xf32, #tpu.memory_space<vmem>>) target(%dma_start3A_235 : memref<512xf32, #tpu.memory_space<hbm>>) target_semaphore(%run_scoped3A : memref<!tpu.dma_semaphore, #tpu.memory_space<semaphore_mem>>)
      %dma_wait3A_236 = tpu.memref_slice %arg8[%add3A_201] : memref<131072xf32, #tpu.memory_space<hbm>> -> memref<512xf32, #tpu.memory_space<hbm>>
      %dma_wait3A_237 = tpu.memref_slice %arg8[%add3A_201] : memref<131072xf32, #tpu.memory_space<hbm>> -> memref<512xf32, #tpu.memory_space<hbm>>
      tpu.wait_dma2 semaphore(%run_scoped3A : memref<!tpu.dma_semaphore, #tpu.memory_space<semaphore_mem>>) src(%arg16 : memref<512xf32, #tpu.memory_space<vmem>>) dst(%dma_wait3A_237 : memref<512xf32, #tpu.memory_space<hbm>>)
      tpu.yield
    }) : () -> ()
    %dma_wait3A_202 = arith.constant 3072 : i32
    %dma_wait3A_203 = tpu.memref_slice %arg9[%dma_wait3A_202] : memref<4096xi32, #tpu.memory_space<vmem>> -> memref<512xi32, #tpu.memory_space<vmem>>
    %dma_wait3A_204 = arith.constant 0 : i32
    %dma_wait3A_205 = arith.constant 0 : i32
    %dma_wait3A_206 = tpu.memref_slice %arg2[%dma_wait3A_204, %dma_wait3A_205] : memref<32768x128xf32, #tpu.memory_space<hbm>> -> memref<32768x128xf32, #tpu.memory_space<hbm>>
    tpu.wait_indirect_dma semaphore(%arg17 : memref<!tpu.dma_semaphore, #tpu.memory_space<semaphore_mem>>) src(%dma_wait3A_206 : memref<32768x128xf32, #tpu.memory_space<hbm>>) dst(%arg10 : memref<512x128xf32, #tpu.memory_space<vmem>>)
    %add3A_207 = arith.constant 3072 : i32
    %add3A_208 = arith.addi %mul3A_2, %add3A_207 : i32
    "tpu.region"() ({
      %run_scoped3A = tpu.sem_alloc : memref<!tpu.dma_semaphore, #tpu.memory_space<semaphore_mem>>
      %dma_start3A_234 = arith.constant 0 : i32
      %dma_start3A_235 = tpu.memref_slice %arg5[%add3A_208, %dma_start3A_234] : memref<131072x128xf32, #tpu.memory_space<hbm>> -> memref<512x128xf32, #tpu.memory_space<hbm>>
      %dma_start3A_236 = arith.constant 0 : i32
      %dma_start3A_237 = tpu.memref_slice %arg5[%add3A_208, %dma_start3A_236] : memref<131072x128xf32, #tpu.memory_space<hbm>> -> memref<512x128xf32, #tpu.memory_space<hbm>>
      tpu.enqueue_dma source(%arg10 : memref<512x128xf32, #tpu.memory_space<vmem>>) target(%dma_start3A_237 : memref<512x128xf32, #tpu.memory_space<hbm>>) target_semaphore(%run_scoped3A : memref<!tpu.dma_semaphore, #tpu.memory_space<semaphore_mem>>)
      %dma_wait3A_238 = arith.constant 0 : i32
      %dma_wait3A_239 = tpu.memref_slice %arg5[%add3A_208, %dma_wait3A_238] : memref<131072x128xf32, #tpu.memory_space<hbm>> -> memref<512x128xf32, #tpu.memory_space<hbm>>
      %dma_wait3A_240 = arith.constant 0 : i32
      %dma_wait3A_241 = tpu.memref_slice %arg5[%add3A_208, %dma_wait3A_240] : memref<131072x128xf32, #tpu.memory_space<hbm>> -> memref<512x128xf32, #tpu.memory_space<hbm>>
      tpu.wait_dma2 semaphore(%run_scoped3A : memref<!tpu.dma_semaphore, #tpu.memory_space<semaphore_mem>>) src(%arg10 : memref<512x128xf32, #tpu.memory_space<vmem>>) dst(%dma_wait3A_241 : memref<512x128xf32, #tpu.memory_space<hbm>>)
      tpu.yield
    }) : () -> ()
    %dma_start3A_209 = arith.constant 3584 : i32
    %dma_start3A_210 = tpu.memref_slice %arg9[%dma_start3A_209] : memref<4096xi32, #tpu.memory_space<vmem>> -> memref<512xi32, #tpu.memory_space<vmem>>
    %dma_start3A_211 = arith.constant 0 : i32
    %dma_start3A_212 = arith.constant 0 : i32
    %dma_start3A_213 = tpu.memref_slice %arg2[%dma_start3A_211, %dma_start3A_212] : memref<32768x128xf32, #tpu.memory_space<hbm>> -> memref<32768x128xf32, #tpu.memory_space<hbm>>
    tpu.enqueue_indirect_dma source(%dma_start3A_213 : memref<32768x128xf32, #tpu.memory_space<hbm>>) target(%arg10 : memref<512x128xf32, #tpu.memory_space<vmem>>) offsets(%dma_start3A_210 : memref<512xi32, #tpu.memory_space<vmem>>) semaphore(%arg17 : memref<!tpu.dma_semaphore, #tpu.memory_space<semaphore_mem>>)
    %scan3A_214 = arith.constant 0 : i32
    %scan3A_215 = arith.constant 0 : i32
    %scan3A_216 = arith.constant 32 : i32
    %scan3A_217 = arith.addi %scan3A_215, %scan3A_216 : i32
    %scan3A_218 = arith.constant 1 : i32
    %scan3A_219 = scf.for %scan3A_234 = %scan3A_215 to %scan3A_217 step %scan3A_218 iter_args(%scan3A_235 = %scan3A_214) -> (i32)  : i32 {
      %mul3A_236 = arith.constant 16 : i32
      %mul3A_237 = arith.muli %scan3A_234, %mul3A_236 : i32
      %add3A_238 = arith.constant 3584 : i32
      %add3A_239 = arith.addi %add3A_238, %mul3A_237 : i32
      %get3A = arith.index_cast %add3A_239 : i32 to index
      %get3A_240 = tpu.vector_load %arg9[%get3A] {strides = array<i32>} : memref<4096xi32, #tpu.memory_space<vmem>>, vector<16xi32>,
      %sub3A_241 = vector.broadcast %mul3A_36 : i32 to vector<16xi32>
      %sub3A_242 = arith.subi %get3A_240, %sub3A_241 : vector<16xi32>
      %gather3A = tpu.vector_load_idx %arg11[%sub3A_242] : memref<4096xf32, #tpu.memory_space<vmem>>[vector<16xi32>], vector<16xf32>,
      %mul3A_243 = arith.constant 16 : i32
      %mul3A_244 = arith.muli %scan3A_234, %mul3A_243 : i32
      %swap3A = arith.index_cast %mul3A_244 : i32 to index
      %swap3A_245 = tpu.vector_load %arg14[%swap3A] {strides = array<i32>} : memref<512xf32, #tpu.memory_space<vmem>>, vector<16xf32>,
      tpu.vector_store %arg14[%swap3A], %gather3A {strides = array<i32>} : memref<512xf32, #tpu.memory_space<vmem>>, vector<16xf32>,
      %gather3A_246 = tpu.vector_load_idx %arg12[%sub3A_242] : memref<4096xf32, #tpu.memory_space<vmem>>[vector<16xi32>], vector<16xf32>,
      %mul3A_247 = arith.constant 16 : i32
      %mul3A_248 = arith.muli %scan3A_234, %mul3A_247 : i32
      %swap3A_249 = arith.index_cast %mul3A_248 : i32 to index
      %swap3A_250 = tpu.vector_load %arg15[%swap3A_249] {strides = array<i32>} : memref<512xf32, #tpu.memory_space<vmem>>, vector<16xf32>,
      tpu.vector_store %arg15[%swap3A_249], %gather3A_246 {strides = array<i32>} : memref<512xf32, #tpu.memory_space<vmem>>, vector<16xf32>,
      %gather3A_251 = tpu.vector_load_idx %arg13[%sub3A_242] : memref<4096xf32, #tpu.memory_space<vmem>>[vector<16xi32>], vector<16xf32>,
      %mul3A_252 = arith.constant 16 : i32
      %mul3A_253 = arith.muli %scan3A_234, %mul3A_252 : i32
      %swap3A_254 = arith.index_cast %mul3A_253 : i32 to index
      %swap3A_255 = tpu.vector_load %arg16[%swap3A_254] {strides = array<i32>} : memref<512xf32, #tpu.memory_space<vmem>>, vector<16xf32>,
      tpu.vector_store %arg16[%swap3A_254], %gather3A_251 {strides = array<i32>} : memref<512xf32, #tpu.memory_space<vmem>>, vector<16xf32>,
      %scan3A_256 = arith.constant 0 : i32
      scf.yield %scan3A_256 : i32
    }
    %scan3A_220 = arith.constant 32 : i32
    %add3A_221 = arith.constant 3584 : i32
    %add3A_222 = arith.addi %mul3A_2, %add3A_221 : i32
    "tpu.region"() ({
      %run_scoped3A = tpu.sem_alloc : memref<!tpu.dma_semaphore, #tpu.memory_space<semaphore_mem>>
      %dma_start3A_234 = tpu.memref_slice %arg6[%add3A_222] : memref<131072xf32, #tpu.memory_space<hbm>> -> memref<512xf32, #tpu.memory_space<hbm>>
      %dma_start3A_235 = tpu.memref_slice %arg6[%add3A_222] : memref<131072xf32, #tpu.memory_space<hbm>> -> memref<512xf32, #tpu.memory_space<hbm>>
      tpu.enqueue_dma source(%arg14 : memref<512xf32, #tpu.memory_space<vmem>>) target(%dma_start3A_235 : memref<512xf32, #tpu.memory_space<hbm>>) target_semaphore(%run_scoped3A : memref<!tpu.dma_semaphore, #tpu.memory_space<semaphore_mem>>)
      %dma_wait3A_236 = tpu.memref_slice %arg6[%add3A_222] : memref<131072xf32, #tpu.memory_space<hbm>> -> memref<512xf32, #tpu.memory_space<hbm>>
      %dma_wait3A_237 = tpu.memref_slice %arg6[%add3A_222] : memref<131072xf32, #tpu.memory_space<hbm>> -> memref<512xf32, #tpu.memory_space<hbm>>
      tpu.wait_dma2 semaphore(%run_scoped3A : memref<!tpu.dma_semaphore, #tpu.memory_space<semaphore_mem>>) src(%arg14 : memref<512xf32, #tpu.memory_space<vmem>>) dst(%dma_wait3A_237 : memref<512xf32, #tpu.memory_space<hbm>>)
      tpu.yield
    }) : () -> ()
    %add3A_223 = arith.constant 3584 : i32
    %add3A_224 = arith.addi %mul3A_2, %add3A_223 : i32
    "tpu.region"() ({
      %run_scoped3A = tpu.sem_alloc : memref<!tpu.dma_semaphore, #tpu.memory_space<semaphore_mem>>
      %dma_start3A_234 = tpu.memref_slice %arg7[%add3A_224] : memref<131072xf32, #tpu.memory_space<hbm>> -> memref<512xf32, #tpu.memory_space<hbm>>
      %dma_start3A_235 = tpu.memref_slice %arg7[%add3A_224] : memref<131072xf32, #tpu.memory_space<hbm>> -> memref<512xf32, #tpu.memory_space<hbm>>
      tpu.enqueue_dma source(%arg15 : memref<512xf32, #tpu.memory_space<vmem>>) target(%dma_start3A_235 : memref<512xf32, #tpu.memory_space<hbm>>) target_semaphore(%run_scoped3A : memref<!tpu.dma_semaphore, #tpu.memory_space<semaphore_mem>>)
      %dma_wait3A_236 = tpu.memref_slice %arg7[%add3A_224] : memref<131072xf32, #tpu.memory_space<hbm>> -> memref<512xf32, #tpu.memory_space<hbm>>
      %dma_wait3A_237 = tpu.memref_slice %arg7[%add3A_224] : memref<131072xf32, #tpu.memory_space<hbm>> -> memref<512xf32, #tpu.memory_space<hbm>>
      tpu.wait_dma2 semaphore(%run_scoped3A : memref<!tpu.dma_semaphore, #tpu.memory_space<semaphore_mem>>) src(%arg15 : memref<512xf32, #tpu.memory_space<vmem>>) dst(%dma_wait3A_237 : memref<512xf32, #tpu.memory_space<hbm>>)
      tpu.yield
    }) : () -> ()
    %add3A_225 = arith.constant 3584 : i32
    %add3A_226 = arith.addi %mul3A_2, %add3A_225 : i32
    "tpu.region"() ({
      %run_scoped3A = tpu.sem_alloc : memref<!tpu.dma_semaphore, #tpu.memory_space<semaphore_mem>>
      %dma_start3A_234 = tpu.memref_slice %arg8[%add3A_226] : memref<131072xf32, #tpu.memory_space<hbm>> -> memref<512xf32, #tpu.memory_space<hbm>>
      %dma_start3A_235 = tpu.memref_slice %arg8[%add3A_226] : memref<131072xf32, #tpu.memory_space<hbm>> -> memref<512xf32, #tpu.memory_space<hbm>>
      tpu.enqueue_dma source(%arg16 : memref<512xf32, #tpu.memory_space<vmem>>) target(%dma_start3A_235 : memref<512xf32, #tpu.memory_space<hbm>>) target_semaphore(%run_scoped3A : memref<!tpu.dma_semaphore, #tpu.memory_space<semaphore_mem>>)
      %dma_wait3A_236 = tpu.memref_slice %arg8[%add3A_226] : memref<131072xf32, #tpu.memory_space<hbm>> -> memref<512xf32, #tpu.memory_space<hbm>>
      %dma_wait3A_237 = tpu.memref_slice %arg8[%add3A_226] : memref<131072xf32, #tpu.memory_space<hbm>> -> memref<512xf32, #tpu.memory_space<hbm>>
      tpu.wait_dma2 semaphore(%run_scoped3A : memref<!tpu.dma_semaphore, #tpu.memory_space<semaphore_mem>>) src(%arg16 : memref<512xf32, #tpu.memory_space<vmem>>) dst(%dma_wait3A_237 : memref<512xf32, #tpu.memory_space<hbm>>)
      tpu.yield
    }) : () -> ()
    %dma_wait3A_227 = arith.constant 3584 : i32
    %dma_wait3A_228 = tpu.memref_slice %arg9[%dma_wait3A_227] : memref<4096xi32, #tpu.memory_space<vmem>> -> memref<512xi32, #tpu.memory_space<vmem>>
    %dma_wait3A_229 = arith.constant 0 : i32
    %dma_wait3A_230 = arith.constant 0 : i32
    %dma_wait3A_231 = tpu.memref_slice %arg2[%dma_wait3A_229, %dma_wait3A_230] : memref<32768x128xf32, #tpu.memory_space<hbm>> -> memref<32768x128xf32, #tpu.memory_space<hbm>>
    tpu.wait_indirect_dma semaphore(%arg17 : memref<!tpu.dma_semaphore, #tpu.memory_space<semaphore_mem>>) src(%dma_wait3A_231 : memref<32768x128xf32, #tpu.memory_space<hbm>>) dst(%arg10 : memref<512x128xf32, #tpu.memory_space<vmem>>)
    %add3A_232 = arith.constant 3584 : i32
    %add3A_233 = arith.addi %mul3A_2, %add3A_232 : i32
    "tpu.region"() ({
      %run_scoped3A = tpu.sem_alloc : memref<!tpu.dma_semaphore, #tpu.memory_space<semaphore_mem>>
      %dma_start3A_234 = arith.constant 0 : i32
      %dma_start3A_235 = tpu.memref_slice %arg5[%add3A_233, %dma_start3A_234] : memref<131072x128xf32, #tpu.memory_space<hbm>> -> memref<512x128xf32, #tpu.memory_space<hbm>>
      %dma_start3A_236 = arith.constant 0 : i32
      %dma_start3A_237 = tpu.memref_slice %arg5[%add3A_233, %dma_start3A_236] : memref<131072x128xf32, #tpu.memory_space<hbm>> -> memref<512x128xf32, #tpu.memory_space<hbm>>
      tpu.enqueue_dma source(%arg10 : memref<512x128xf32, #tpu.memory_space<vmem>>) target(%dma_start3A_237 : memref<512x128xf32, #tpu.memory_space<hbm>>) target_semaphore(%run_scoped3A : memref<!tpu.dma_semaphore, #tpu.memory_space<semaphore_mem>>)
      %dma_wait3A_238 = arith.constant 0 : i32
      %dma_wait3A_239 = tpu.memref_slice %arg5[%add3A_233, %dma_wait3A_238] : memref<131072x128xf32, #tpu.memory_space<hbm>> -> memref<512x128xf32, #tpu.memory_space<hbm>>
      %dma_wait3A_240 = arith.constant 0 : i32
      %dma_wait3A_241 = tpu.memref_slice %arg5[%add3A_233, %dma_wait3A_240] : memref<131072x128xf32, #tpu.memory_space<hbm>> -> memref<512x128xf32, #tpu.memory_space<hbm>>
      tpu.wait_dma2 semaphore(%run_scoped3A : memref<!tpu.dma_semaphore, #tpu.memory_space<semaphore_mem>>) src(%arg10 : memref<512x128xf32, #tpu.memory_space<vmem>>) dst(%dma_wait3A_241 : memref<512x128xf32, #tpu.memory_space<hbm>>)
      tpu.yield
    }) : () -> ()
    return
  }
}

module attributes {stable_mosaic.version = 14 : i64} {
  func.func @_fps_body(%arg0: memref<8x3x4096xf32, #tpu.memory_space<vmem>>, %arg1: memref<8x8xf32, #tpu.memory_space<vmem>>, %arg2: memref<8192x8xf32, #tpu.memory_space<vmem>>) attributes {dimension_semantics = [], scalar_prefetch = 0 : i64, scratch_operands = 0 : i64, tpu.core_type = #tpu.core_type<tc>} {
    %get3A = arith.constant 0 : index
    %get3A_0 = arith.constant 0 : index
    %get3A_1 = arith.constant 0 : index
    %get3A_2 = vector.load %arg0[%get3A, %get3A_0, %get3A_1] : memref<8x3x4096xf32, #tpu.memory_space<vmem>>, vector<8x1x4096xf32>
    %get3A_3 = vector.shape_cast %get3A_2 : vector<8x1x4096xf32> to vector<8x4096xf32>
    %get3A_4 = arith.constant 0 : index
    %get3A_5 = arith.constant 1 : index
    %get3A_6 = arith.constant 0 : index
    %get3A_7 = vector.load %arg0[%get3A_4, %get3A_5, %get3A_6] : memref<8x3x4096xf32, #tpu.memory_space<vmem>>, vector<8x1x4096xf32>
    %get3A_8 = vector.shape_cast %get3A_7 : vector<8x1x4096xf32> to vector<8x4096xf32>
    %get3A_9 = arith.constant 0 : index
    %get3A_10 = arith.constant 2 : index
    %get3A_11 = arith.constant 0 : index
    %get3A_12 = vector.load %arg0[%get3A_9, %get3A_10, %get3A_11] : memref<8x3x4096xf32, #tpu.memory_space<vmem>>, vector<8x1x4096xf32>
    %get3A_13 = vector.shape_cast %get3A_12 : vector<8x1x4096xf32> to vector<8x4096xf32>
    %iota3A = tpu.iota {dimensions = array<i32: 1>} : vector<8x4096xi32>
    %get3A_14 = arith.constant 0 : index
    %get3A_15 = arith.constant 0 : index
    %get3A_16 = vector.load %arg1[%get3A_14, %get3A_15] : memref<8x8xf32, #tpu.memory_space<vmem>>, vector<8x8xf32>
    %broadcast_in_dim3A = arith.constant 1.000000e+10 : f32
    %broadcast_in_dim3A_17 = vector.broadcast %broadcast_in_dim3A : f32 to vector<8x4096xf32>
    %broadcast_in_dim3A_18 = arith.constant 0 : i32
    %broadcast_in_dim3A_19 = vector.broadcast %broadcast_in_dim3A_18 : i32 to vector<8x1xi32>
    %scan3A = arith.constant 0 : i32
    %scan3A_20 = arith.constant 1024 : i32
    %scan3A_21 = arith.addi %scan3A, %scan3A_20 : i32
    %scan3A_22 = arith.constant 1 : i32
    %scan3A_23:2 = scf.for %scan3A_25 = %scan3A to %scan3A_21 step %scan3A_22 iter_args(%scan3A_26 = %broadcast_in_dim3A_17, %scan3A_27 = %broadcast_in_dim3A_19) -> (vector<8x4096xf32>, vector<8x1xi32>)  : i32 {
      %eq3A = vector.broadcast %scan3A_27 : vector<8x1xi32> to vector<8x4096xi32>
      %eq3A_28 = arith.cmpi eq, %iota3A, %eq3A : vector<8x4096xi32>
      %jit3A = arith.constant 0.000000e+00 : f32
      %broadcast_in_dim3A_29 = vector.broadcast %jit3A : f32 to vector<8x4096xf32>
      %select_n3A = arith.select %eq3A_28, %get3A_3, %broadcast_in_dim3A_29 : vector<8x4096xi1>, vector<8x4096xf32>
      %reduce_sum3A = arith.constant dense<0.000000e+00> : vector<8xf32>
      %reduce_sum3A_30 = vector.multi_reduction <add>, %select_n3A, %reduce_sum3A [1] : vector<8x4096xf32> to vector<8xf32>
      %broadcast_in_dim3A_31 = vector.shape_cast %reduce_sum3A_30 : vector<8xf32> to vector<8x1xf32>
      %jit3A_32 = arith.constant 0.000000e+00 : f32
      %broadcast_in_dim3A_33 = vector.broadcast %jit3A_32 : f32 to vector<8x4096xf32>
      %select_n3A_34 = arith.select %eq3A_28, %get3A_8, %broadcast_in_dim3A_33 : vector<8x4096xi1>, vector<8x4096xf32>
      %reduce_sum3A_35 = arith.constant dense<0.000000e+00> : vector<8xf32>
      %reduce_sum3A_36 = vector.multi_reduction <add>, %select_n3A_34, %reduce_sum3A_35 [1] : vector<8x4096xf32> to vector<8xf32>
      %broadcast_in_dim3A_37 = vector.shape_cast %reduce_sum3A_36 : vector<8xf32> to vector<8x1xf32>
      %jit3A_38 = arith.constant 0.000000e+00 : f32
      %broadcast_in_dim3A_39 = vector.broadcast %jit3A_38 : f32 to vector<8x4096xf32>
      %select_n3A_40 = arith.select %eq3A_28, %get3A_13, %broadcast_in_dim3A_39 : vector<8x4096xi1>, vector<8x4096xf32>
      %reduce_sum3A_41 = arith.constant dense<0.000000e+00> : vector<8xf32>
      %reduce_sum3A_42 = vector.multi_reduction <add>, %select_n3A_40, %reduce_sum3A_41 [1] : vector<8x4096xf32> to vector<8xf32>
      %broadcast_in_dim3A_43 = vector.shape_cast %reduce_sum3A_42 : vector<8xf32> to vector<8x1xf32>
      %concatenate3A = tpu.concatenate %broadcast_in_dim3A_31, %broadcast_in_dim3A_37, %broadcast_in_dim3A_43 in 1 : vector<8x1xf32>, vector<8x1xf32>, vector<8x1xf32> -> vector<8x3xf32>
      %dot_general3A = arith.constant dense<0.000000e+00> : vector<3x8xf32>
      %dot_general3A_44 = tpu.matmul %concatenate3A, %get3A_16, %dot_general3A {dimension_numbers = #tpu.dot_dimension_numbers<[0], [0], [1], [1], [0, 1, 1, 1], [], []>, precision = #tpu.contract_precision<fp32>, transpose_lhs_hint = false} : vector<8x3xf32>, vector<8x8xf32>, vector<3x8xf32> -> vector<3x8xf32>
      %broadcast_in_dim3A_45 = arith.constant 0.000000e+00 : f32
      %broadcast_in_dim3A_46 = vector.broadcast %broadcast_in_dim3A_45 : f32 to vector<5x8xf32>
      %concatenate3A_47 = tpu.concatenate %dot_general3A_44, %broadcast_in_dim3A_46 in 0 : vector<3x8xf32>, vector<5x8xf32> -> vector<8x8xf32>
      %mul3A = arith.constant 8 : i32
      %mul3A_48 = arith.muli %mul3A, %scan3A_25 : i32
      %swap3A = arith.index_cast %mul3A_48 : i32 to index
      %swap3A_49 = arith.constant 0 : index
      %swap3A_50 = vector.load %arg2[%swap3A, %swap3A_49] : memref<8192x8xf32, #tpu.memory_space<vmem>>, vector<8x8xf32>
      tpu.vector_store %arg2[%swap3A, %swap3A_49], %concatenate3A_47 {strides = array<i32>} : memref<8192x8xf32, #tpu.memory_space<vmem>>, vector<8x8xf32>,
      %sub3A = vector.broadcast %broadcast_in_dim3A_31 : vector<8x1xf32> to vector<8x4096xf32>
      %sub3A_51 = arith.subf %get3A_3, %sub3A : vector<8x4096xf32>
      %sub3A_52 = vector.broadcast %broadcast_in_dim3A_37 : vector<8x1xf32> to vector<8x4096xf32>
      %sub3A_53 = arith.subf %get3A_8, %sub3A_52 : vector<8x4096xf32>
      %sub3A_54 = vector.broadcast %broadcast_in_dim3A_43 : vector<8x1xf32> to vector<8x4096xf32>
      %sub3A_55 = arith.subf %get3A_13, %sub3A_54 : vector<8x4096xf32>
      %mul3A_56 = arith.mulf %sub3A_51, %sub3A_51 : vector<8x4096xf32>
      %mul3A_57 = arith.mulf %sub3A_53, %sub3A_53 : vector<8x4096xf32>
      %add3A = arith.addf %mul3A_56, %mul3A_57 : vector<8x4096xf32>
      %mul3A_58 = arith.mulf %sub3A_55, %sub3A_55 : vector<8x4096xf32>
      %add3A_59 = arith.addf %add3A, %mul3A_58 : vector<8x4096xf32>
      %min3A = arith.minimumf %scan3A_26, %add3A_59 : vector<8x4096xf32>
      %reduce_max3A = arith.constant dense<0xFF800000> : vector<8xf32>
      %reduce_max3A_60 = vector.multi_reduction <maximumf>, %min3A, %reduce_max3A [1] : vector<8x4096xf32> to vector<8xf32>
      %broadcast_in_dim3A_61 = vector.shape_cast %reduce_max3A_60 : vector<8xf32> to vector<8x1xf32>
      %eq3A_62 = vector.broadcast %broadcast_in_dim3A_61 : vector<8x1xf32> to vector<8x4096xf32>
      %eq3A_63 = arith.cmpf oeq, %min3A, %eq3A_62 : vector<8x4096xf32>
      %jit3A_64 = arith.constant 4096 : i32
      %broadcast_in_dim3A_65 = vector.broadcast %jit3A_64 : i32 to vector<8x4096xi32>
      %select_n3A_66 = arith.select %eq3A_63, %iota3A, %broadcast_in_dim3A_65 : vector<8x4096xi1>, vector<8x4096xi32>
      %reduce_min3A = arith.constant dense<2147483647> : vector<8xi32>
      %reduce_min3A_67 = vector.multi_reduction <minsi>, %select_n3A_66, %reduce_min3A [1] : vector<8x4096xi32> to vector<8xi32>
      %broadcast_in_dim3A_68 = vector.shape_cast %reduce_min3A_67 : vector<8xi32> to vector<8x1xi32>
      scf.yield %min3A, %broadcast_in_dim3A_68 : vector<8x4096xf32>, vector<8x1xi32>
    }
    %scan3A_24 = arith.constant 1024 : i32
    return
  }
}

module attributes {stable_mosaic.version = 14 : i64} {
  func.func @_knn_body(%arg0: i32, %arg1: i32, %arg2: memref<1x3x4096xf32, #tpu.memory_space<vmem>>, %arg3: memref<1x256x3xf32, #tpu.memory_space<vmem>>, %arg4: memref<1x256x16xi32, #tpu.memory_space<vmem>>) attributes {dimension_semantics = [#tpu.dimension_semantics<arbitrary>, #tpu.dimension_semantics<arbitrary>], iteration_bounds = array<i64: 8, 4>, scalar_prefetch = 0 : i64, scratch_operands = 0 : i64, tpu.core_type = #tpu.core_type<tc>, window_params = [{transform_indices = @transform_0, window_bounds = array<i64: 1, 3, 4096>}, {transform_indices = @transform_1, window_bounds = array<i64: 1, 256, 3>}, {transform_indices = @transform_2, window_bounds = array<i64: 1, 256, 16>}]} {
    %get3A = arith.constant 0 : index
    %get3A_0 = arith.constant 0 : index
    %get3A_1 = arith.constant 0 : index
    %get3A_2 = vector.load %arg2[%get3A, %get3A_0, %get3A_1] : memref<1x3x4096xf32, #tpu.memory_space<vmem>>, vector<1x1x4096xf32>
    %get3A_3 = vector.shape_cast %get3A_2 : vector<1x1x4096xf32> to vector<1x4096xf32>
    %get3A_4 = arith.constant 0 : index
    %get3A_5 = arith.constant 1 : index
    %get3A_6 = arith.constant 0 : index
    %get3A_7 = vector.load %arg2[%get3A_4, %get3A_5, %get3A_6] : memref<1x3x4096xf32, #tpu.memory_space<vmem>>, vector<1x1x4096xf32>
    %get3A_8 = vector.shape_cast %get3A_7 : vector<1x1x4096xf32> to vector<1x4096xf32>
    %get3A_9 = arith.constant 0 : index
    %get3A_10 = arith.constant 2 : index
    %get3A_11 = arith.constant 0 : index
    %get3A_12 = vector.load %arg2[%get3A_9, %get3A_10, %get3A_11] : memref<1x3x4096xf32, #tpu.memory_space<vmem>>, vector<1x1x4096xf32>
    %get3A_13 = vector.shape_cast %get3A_12 : vector<1x1x4096xf32> to vector<1x4096xf32>
    %get3A_14 = arith.constant 0 : index
    %get3A_15 = arith.constant 0 : index
    %get3A_16 = arith.constant 0 : index
    %get3A_17 = vector.load %arg3[%get3A_14, %get3A_15, %get3A_16] : memref<1x256x3xf32, #tpu.memory_space<vmem>>, vector<1x256x1xf32>
    %get3A_18 = vector.shape_cast %get3A_17 : vector<1x256x1xf32> to vector<256x1xf32>
    %get3A_19 = arith.constant 0 : index
    %get3A_20 = arith.constant 0 : index
    %get3A_21 = arith.constant 1 : index
    %get3A_22 = vector.load %arg3[%get3A_19, %get3A_20, %get3A_21] : memref<1x256x3xf32, #tpu.memory_space<vmem>>, vector<1x256x1xf32>
    %get3A_23 = vector.shape_cast %get3A_22 : vector<1x256x1xf32> to vector<256x1xf32>
    %get3A_24 = arith.constant 0 : index
    %get3A_25 = arith.constant 0 : index
    %get3A_26 = arith.constant 2 : index
    %get3A_27 = vector.load %arg3[%get3A_24, %get3A_25, %get3A_26] : memref<1x256x3xf32, #tpu.memory_space<vmem>>, vector<1x256x1xf32>
    %get3A_28 = vector.shape_cast %get3A_27 : vector<1x256x1xf32> to vector<256x1xf32>
    %sub3A = vector.broadcast %get3A_18 : vector<256x1xf32> to vector<256x4096xf32>
    %sub3A_29 = vector.broadcast %get3A_3 : vector<1x4096xf32> to vector<256x4096xf32>
    %sub3A_30 = arith.subf %sub3A, %sub3A_29 : vector<256x4096xf32>
    %sub3A_31 = vector.broadcast %get3A_23 : vector<256x1xf32> to vector<256x4096xf32>
    %sub3A_32 = vector.broadcast %get3A_8 : vector<1x4096xf32> to vector<256x4096xf32>
    %sub3A_33 = arith.subf %sub3A_31, %sub3A_32 : vector<256x4096xf32>
    %sub3A_34 = vector.broadcast %get3A_28 : vector<256x1xf32> to vector<256x4096xf32>
    %sub3A_35 = vector.broadcast %get3A_13 : vector<1x4096xf32> to vector<256x4096xf32>
    %sub3A_36 = arith.subf %sub3A_34, %sub3A_35 : vector<256x4096xf32>
    %mul3A = arith.mulf %sub3A_30, %sub3A_30 : vector<256x4096xf32>
    %mul3A_37 = arith.mulf %sub3A_33, %sub3A_33 : vector<256x4096xf32>
    %add3A = arith.addf %mul3A, %mul3A_37 : vector<256x4096xf32>
    %mul3A_38 = arith.mulf %sub3A_36, %sub3A_36 : vector<256x4096xf32>
    %add3A_39 = arith.addf %add3A, %mul3A_38 : vector<256x4096xf32>
    %iota3A = tpu.iota {dimensions = array<i32: 1>} : vector<256x4096xi32>
    %reduce_min3A = arith.constant dense<0x7F800000> : vector<256xf32>
    %reduce_min3A_40 = vector.multi_reduction <minimumf>, %add3A_39, %reduce_min3A [1] : vector<256x4096xf32> to vector<256xf32>
    %broadcast_in_dim3A = vector.shape_cast %reduce_min3A_40 : vector<256xf32> to vector<256x1xf32>
    %eq3A = vector.broadcast %broadcast_in_dim3A : vector<256x1xf32> to vector<256x4096xf32>
    %eq3A_41 = arith.cmpf oeq, %add3A_39, %eq3A : vector<256x4096xf32>
    %jit3A = arith.constant 4096 : i32
    %broadcast_in_dim3A_42 = vector.broadcast %jit3A : i32 to vector<256x4096xi32>
    %select_n3A = arith.select %eq3A_41, %iota3A, %broadcast_in_dim3A_42 : vector<256x4096xi1>, vector<256x4096xi32>
    %reduce_min3A_43 = arith.constant dense<2147483647> : vector<256xi32>
    %reduce_min3A_44 = vector.multi_reduction <minsi>, %select_n3A, %reduce_min3A_43 [1] : vector<256x4096xi32> to vector<256xi32>
    %broadcast_in_dim3A_45 = vector.shape_cast %reduce_min3A_44 : vector<256xi32> to vector<256x1xi32>
    %swap3A = arith.constant 0 : index
    %swap3A_46 = arith.constant 0 : index
    %swap3A_47 = arith.constant 0 : index
    %swap3A_48 = vector.load %arg4[%swap3A, %swap3A_46, %swap3A_47] : memref<1x256x16xi32, #tpu.memory_space<vmem>>, vector<1x256x1xi32>
    %swap3A_49 = vector.shape_cast %swap3A_48 : vector<1x256x1xi32> to vector<256x1xi32>
    %swap3A_50 = vector.shape_cast %broadcast_in_dim3A_45 : vector<256x1xi32> to vector<1x256x1xi32>
    tpu.vector_store %arg4[%swap3A, %swap3A_46, %swap3A_47], %swap3A_50 {strides = array<i32>} : memref<1x256x16xi32, #tpu.memory_space<vmem>>, vector<1x256x1xi32>,
    %eq3A_51 = vector.broadcast %broadcast_in_dim3A_45 : vector<256x1xi32> to vector<256x4096xi32>
    %eq3A_52 = arith.cmpi eq, %iota3A, %eq3A_51 : vector<256x4096xi32>
    %jit3A_53 = arith.constant 0x7F800000 : f32
    %broadcast_in_dim3A_54 = vector.broadcast %jit3A_53 : f32 to vector<256x4096xf32>
    %select_n3A_55 = arith.select %eq3A_52, %broadcast_in_dim3A_54, %add3A_39 : vector<256x4096xi1>, vector<256x4096xf32>
    %reduce_min3A_56 = arith.constant dense<0x7F800000> : vector<256xf32>
    %reduce_min3A_57 = vector.multi_reduction <minimumf>, %select_n3A_55, %reduce_min3A_56 [1] : vector<256x4096xf32> to vector<256xf32>
    %broadcast_in_dim3A_58 = vector.shape_cast %reduce_min3A_57 : vector<256xf32> to vector<256x1xf32>
    %eq3A_59 = vector.broadcast %broadcast_in_dim3A_58 : vector<256x1xf32> to vector<256x4096xf32>
    %eq3A_60 = arith.cmpf oeq, %select_n3A_55, %eq3A_59 : vector<256x4096xf32>
    %jit3A_61 = arith.constant 4096 : i32
    %broadcast_in_dim3A_62 = vector.broadcast %jit3A_61 : i32 to vector<256x4096xi32>
    %select_n3A_63 = arith.select %eq3A_60, %iota3A, %broadcast_in_dim3A_62 : vector<256x4096xi1>, vector<256x4096xi32>
    %reduce_min3A_64 = arith.constant dense<2147483647> : vector<256xi32>
    %reduce_min3A_65 = vector.multi_reduction <minsi>, %select_n3A_63, %reduce_min3A_64 [1] : vector<256x4096xi32> to vector<256xi32>
    %broadcast_in_dim3A_66 = vector.shape_cast %reduce_min3A_65 : vector<256xi32> to vector<256x1xi32>
    %swap3A_67 = arith.constant 0 : index
    %swap3A_68 = arith.constant 0 : index
    %swap3A_69 = arith.constant 1 : index
    %swap3A_70 = vector.load %arg4[%swap3A_67, %swap3A_68, %swap3A_69] : memref<1x256x16xi32, #tpu.memory_space<vmem>>, vector<1x256x1xi32>
    %swap3A_71 = vector.shape_cast %swap3A_70 : vector<1x256x1xi32> to vector<256x1xi32>
    %swap3A_72 = vector.shape_cast %broadcast_in_dim3A_66 : vector<256x1xi32> to vector<1x256x1xi32>
    tpu.vector_store %arg4[%swap3A_67, %swap3A_68, %swap3A_69], %swap3A_72 {strides = array<i32>} : memref<1x256x16xi32, #tpu.memory_space<vmem>>, vector<1x256x1xi32>,
    %eq3A_73 = vector.broadcast %broadcast_in_dim3A_66 : vector<256x1xi32> to vector<256x4096xi32>
    %eq3A_74 = arith.cmpi eq, %iota3A, %eq3A_73 : vector<256x4096xi32>
    %jit3A_75 = arith.constant 0x7F800000 : f32
    %broadcast_in_dim3A_76 = vector.broadcast %jit3A_75 : f32 to vector<256x4096xf32>
    %select_n3A_77 = arith.select %eq3A_74, %broadcast_in_dim3A_76, %select_n3A_55 : vector<256x4096xi1>, vector<256x4096xf32>
    %reduce_min3A_78 = arith.constant dense<0x7F800000> : vector<256xf32>
    %reduce_min3A_79 = vector.multi_reduction <minimumf>, %select_n3A_77, %reduce_min3A_78 [1] : vector<256x4096xf32> to vector<256xf32>
    %broadcast_in_dim3A_80 = vector.shape_cast %reduce_min3A_79 : vector<256xf32> to vector<256x1xf32>
    %eq3A_81 = vector.broadcast %broadcast_in_dim3A_80 : vector<256x1xf32> to vector<256x4096xf32>
    %eq3A_82 = arith.cmpf oeq, %select_n3A_77, %eq3A_81 : vector<256x4096xf32>
    %jit3A_83 = arith.constant 4096 : i32
    %broadcast_in_dim3A_84 = vector.broadcast %jit3A_83 : i32 to vector<256x4096xi32>
    %select_n3A_85 = arith.select %eq3A_82, %iota3A, %broadcast_in_dim3A_84 : vector<256x4096xi1>, vector<256x4096xi32>
    %reduce_min3A_86 = arith.constant dense<2147483647> : vector<256xi32>
    %reduce_min3A_87 = vector.multi_reduction <minsi>, %select_n3A_85, %reduce_min3A_86 [1] : vector<256x4096xi32> to vector<256xi32>
    %broadcast_in_dim3A_88 = vector.shape_cast %reduce_min3A_87 : vector<256xi32> to vector<256x1xi32>
    %swap3A_89 = arith.constant 0 : index
    %swap3A_90 = arith.constant 0 : index
    %swap3A_91 = arith.constant 2 : index
    %swap3A_92 = vector.load %arg4[%swap3A_89, %swap3A_90, %swap3A_91] : memref<1x256x16xi32, #tpu.memory_space<vmem>>, vector<1x256x1xi32>
    %swap3A_93 = vector.shape_cast %swap3A_92 : vector<1x256x1xi32> to vector<256x1xi32>
    %swap3A_94 = vector.shape_cast %broadcast_in_dim3A_88 : vector<256x1xi32> to vector<1x256x1xi32>
    tpu.vector_store %arg4[%swap3A_89, %swap3A_90, %swap3A_91], %swap3A_94 {strides = array<i32>} : memref<1x256x16xi32, #tpu.memory_space<vmem>>, vector<1x256x1xi32>,
    %eq3A_95 = vector.broadcast %broadcast_in_dim3A_88 : vector<256x1xi32> to vector<256x4096xi32>
    %eq3A_96 = arith.cmpi eq, %iota3A, %eq3A_95 : vector<256x4096xi32>
    %jit3A_97 = arith.constant 0x7F800000 : f32
    %broadcast_in_dim3A_98 = vector.broadcast %jit3A_97 : f32 to vector<256x4096xf32>
    %select_n3A_99 = arith.select %eq3A_96, %broadcast_in_dim3A_98, %select_n3A_77 : vector<256x4096xi1>, vector<256x4096xf32>
    %reduce_min3A_100 = arith.constant dense<0x7F800000> : vector<256xf32>
    %reduce_min3A_101 = vector.multi_reduction <minimumf>, %select_n3A_99, %reduce_min3A_100 [1] : vector<256x4096xf32> to vector<256xf32>
    %broadcast_in_dim3A_102 = vector.shape_cast %reduce_min3A_101 : vector<256xf32> to vector<256x1xf32>
    %eq3A_103 = vector.broadcast %broadcast_in_dim3A_102 : vector<256x1xf32> to vector<256x4096xf32>
    %eq3A_104 = arith.cmpf oeq, %select_n3A_99, %eq3A_103 : vector<256x4096xf32>
    %jit3A_105 = arith.constant 4096 : i32
    %broadcast_in_dim3A_106 = vector.broadcast %jit3A_105 : i32 to vector<256x4096xi32>
    %select_n3A_107 = arith.select %eq3A_104, %iota3A, %broadcast_in_dim3A_106 : vector<256x4096xi1>, vector<256x4096xi32>
    %reduce_min3A_108 = arith.constant dense<2147483647> : vector<256xi32>
    %reduce_min3A_109 = vector.multi_reduction <minsi>, %select_n3A_107, %reduce_min3A_108 [1] : vector<256x4096xi32> to vector<256xi32>
    %broadcast_in_dim3A_110 = vector.shape_cast %reduce_min3A_109 : vector<256xi32> to vector<256x1xi32>
    %swap3A_111 = arith.constant 0 : index
    %swap3A_112 = arith.constant 0 : index
    %swap3A_113 = arith.constant 3 : index
    %swap3A_114 = vector.load %arg4[%swap3A_111, %swap3A_112, %swap3A_113] : memref<1x256x16xi32, #tpu.memory_space<vmem>>, vector<1x256x1xi32>
    %swap3A_115 = vector.shape_cast %swap3A_114 : vector<1x256x1xi32> to vector<256x1xi32>
    %swap3A_116 = vector.shape_cast %broadcast_in_dim3A_110 : vector<256x1xi32> to vector<1x256x1xi32>
    tpu.vector_store %arg4[%swap3A_111, %swap3A_112, %swap3A_113], %swap3A_116 {strides = array<i32>} : memref<1x256x16xi32, #tpu.memory_space<vmem>>, vector<1x256x1xi32>,
    %eq3A_117 = vector.broadcast %broadcast_in_dim3A_110 : vector<256x1xi32> to vector<256x4096xi32>
    %eq3A_118 = arith.cmpi eq, %iota3A, %eq3A_117 : vector<256x4096xi32>
    %jit3A_119 = arith.constant 0x7F800000 : f32
    %broadcast_in_dim3A_120 = vector.broadcast %jit3A_119 : f32 to vector<256x4096xf32>
    %select_n3A_121 = arith.select %eq3A_118, %broadcast_in_dim3A_120, %select_n3A_99 : vector<256x4096xi1>, vector<256x4096xf32>
    %reduce_min3A_122 = arith.constant dense<0x7F800000> : vector<256xf32>
    %reduce_min3A_123 = vector.multi_reduction <minimumf>, %select_n3A_121, %reduce_min3A_122 [1] : vector<256x4096xf32> to vector<256xf32>
    %broadcast_in_dim3A_124 = vector.shape_cast %reduce_min3A_123 : vector<256xf32> to vector<256x1xf32>
    %eq3A_125 = vector.broadcast %broadcast_in_dim3A_124 : vector<256x1xf32> to vector<256x4096xf32>
    %eq3A_126 = arith.cmpf oeq, %select_n3A_121, %eq3A_125 : vector<256x4096xf32>
    %jit3A_127 = arith.constant 4096 : i32
    %broadcast_in_dim3A_128 = vector.broadcast %jit3A_127 : i32 to vector<256x4096xi32>
    %select_n3A_129 = arith.select %eq3A_126, %iota3A, %broadcast_in_dim3A_128 : vector<256x4096xi1>, vector<256x4096xi32>
    %reduce_min3A_130 = arith.constant dense<2147483647> : vector<256xi32>
    %reduce_min3A_131 = vector.multi_reduction <minsi>, %select_n3A_129, %reduce_min3A_130 [1] : vector<256x4096xi32> to vector<256xi32>
    %broadcast_in_dim3A_132 = vector.shape_cast %reduce_min3A_131 : vector<256xi32> to vector<256x1xi32>
    %swap3A_133 = arith.constant 0 : index
    %swap3A_134 = arith.constant 0 : index
    %swap3A_135 = arith.constant 4 : index
    %swap3A_136 = vector.load %arg4[%swap3A_133, %swap3A_134, %swap3A_135] : memref<1x256x16xi32, #tpu.memory_space<vmem>>, vector<1x256x1xi32>
    %swap3A_137 = vector.shape_cast %swap3A_136 : vector<1x256x1xi32> to vector<256x1xi32>
    %swap3A_138 = vector.shape_cast %broadcast_in_dim3A_132 : vector<256x1xi32> to vector<1x256x1xi32>
    tpu.vector_store %arg4[%swap3A_133, %swap3A_134, %swap3A_135], %swap3A_138 {strides = array<i32>} : memref<1x256x16xi32, #tpu.memory_space<vmem>>, vector<1x256x1xi32>,
    %eq3A_139 = vector.broadcast %broadcast_in_dim3A_132 : vector<256x1xi32> to vector<256x4096xi32>
    %eq3A_140 = arith.cmpi eq, %iota3A, %eq3A_139 : vector<256x4096xi32>
    %jit3A_141 = arith.constant 0x7F800000 : f32
    %broadcast_in_dim3A_142 = vector.broadcast %jit3A_141 : f32 to vector<256x4096xf32>
    %select_n3A_143 = arith.select %eq3A_140, %broadcast_in_dim3A_142, %select_n3A_121 : vector<256x4096xi1>, vector<256x4096xf32>
    %reduce_min3A_144 = arith.constant dense<0x7F800000> : vector<256xf32>
    %reduce_min3A_145 = vector.multi_reduction <minimumf>, %select_n3A_143, %reduce_min3A_144 [1] : vector<256x4096xf32> to vector<256xf32>
    %broadcast_in_dim3A_146 = vector.shape_cast %reduce_min3A_145 : vector<256xf32> to vector<256x1xf32>
    %eq3A_147 = vector.broadcast %broadcast_in_dim3A_146 : vector<256x1xf32> to vector<256x4096xf32>
    %eq3A_148 = arith.cmpf oeq, %select_n3A_143, %eq3A_147 : vector<256x4096xf32>
    %jit3A_149 = arith.constant 4096 : i32
    %broadcast_in_dim3A_150 = vector.broadcast %jit3A_149 : i32 to vector<256x4096xi32>
    %select_n3A_151 = arith.select %eq3A_148, %iota3A, %broadcast_in_dim3A_150 : vector<256x4096xi1>, vector<256x4096xi32>
    %reduce_min3A_152 = arith.constant dense<2147483647> : vector<256xi32>
    %reduce_min3A_153 = vector.multi_reduction <minsi>, %select_n3A_151, %reduce_min3A_152 [1] : vector<256x4096xi32> to vector<256xi32>
    %broadcast_in_dim3A_154 = vector.shape_cast %reduce_min3A_153 : vector<256xi32> to vector<256x1xi32>
    %swap3A_155 = arith.constant 0 : index
    %swap3A_156 = arith.constant 0 : index
    %swap3A_157 = arith.constant 5 : index
    %swap3A_158 = vector.load %arg4[%swap3A_155, %swap3A_156, %swap3A_157] : memref<1x256x16xi32, #tpu.memory_space<vmem>>, vector<1x256x1xi32>
    %swap3A_159 = vector.shape_cast %swap3A_158 : vector<1x256x1xi32> to vector<256x1xi32>
    %swap3A_160 = vector.shape_cast %broadcast_in_dim3A_154 : vector<256x1xi32> to vector<1x256x1xi32>
    tpu.vector_store %arg4[%swap3A_155, %swap3A_156, %swap3A_157], %swap3A_160 {strides = array<i32>} : memref<1x256x16xi32, #tpu.memory_space<vmem>>, vector<1x256x1xi32>,
    %eq3A_161 = vector.broadcast %broadcast_in_dim3A_154 : vector<256x1xi32> to vector<256x4096xi32>
    %eq3A_162 = arith.cmpi eq, %iota3A, %eq3A_161 : vector<256x4096xi32>
    %jit3A_163 = arith.constant 0x7F800000 : f32
    %broadcast_in_dim3A_164 = vector.broadcast %jit3A_163 : f32 to vector<256x4096xf32>
    %select_n3A_165 = arith.select %eq3A_162, %broadcast_in_dim3A_164, %select_n3A_143 : vector<256x4096xi1>, vector<256x4096xf32>
    %reduce_min3A_166 = arith.constant dense<0x7F800000> : vector<256xf32>
    %reduce_min3A_167 = vector.multi_reduction <minimumf>, %select_n3A_165, %reduce_min3A_166 [1] : vector<256x4096xf32> to vector<256xf32>
    %broadcast_in_dim3A_168 = vector.shape_cast %reduce_min3A_167 : vector<256xf32> to vector<256x1xf32>
    %eq3A_169 = vector.broadcast %broadcast_in_dim3A_168 : vector<256x1xf32> to vector<256x4096xf32>
    %eq3A_170 = arith.cmpf oeq, %select_n3A_165, %eq3A_169 : vector<256x4096xf32>
    %jit3A_171 = arith.constant 4096 : i32
    %broadcast_in_dim3A_172 = vector.broadcast %jit3A_171 : i32 to vector<256x4096xi32>
    %select_n3A_173 = arith.select %eq3A_170, %iota3A, %broadcast_in_dim3A_172 : vector<256x4096xi1>, vector<256x4096xi32>
    %reduce_min3A_174 = arith.constant dense<2147483647> : vector<256xi32>
    %reduce_min3A_175 = vector.multi_reduction <minsi>, %select_n3A_173, %reduce_min3A_174 [1] : vector<256x4096xi32> to vector<256xi32>
    %broadcast_in_dim3A_176 = vector.shape_cast %reduce_min3A_175 : vector<256xi32> to vector<256x1xi32>
    %swap3A_177 = arith.constant 0 : index
    %swap3A_178 = arith.constant 0 : index
    %swap3A_179 = arith.constant 6 : index
    %swap3A_180 = vector.load %arg4[%swap3A_177, %swap3A_178, %swap3A_179] : memref<1x256x16xi32, #tpu.memory_space<vmem>>, vector<1x256x1xi32>
    %swap3A_181 = vector.shape_cast %swap3A_180 : vector<1x256x1xi32> to vector<256x1xi32>
    %swap3A_182 = vector.shape_cast %broadcast_in_dim3A_176 : vector<256x1xi32> to vector<1x256x1xi32>
    tpu.vector_store %arg4[%swap3A_177, %swap3A_178, %swap3A_179], %swap3A_182 {strides = array<i32>} : memref<1x256x16xi32, #tpu.memory_space<vmem>>, vector<1x256x1xi32>,
    %eq3A_183 = vector.broadcast %broadcast_in_dim3A_176 : vector<256x1xi32> to vector<256x4096xi32>
    %eq3A_184 = arith.cmpi eq, %iota3A, %eq3A_183 : vector<256x4096xi32>
    %jit3A_185 = arith.constant 0x7F800000 : f32
    %broadcast_in_dim3A_186 = vector.broadcast %jit3A_185 : f32 to vector<256x4096xf32>
    %select_n3A_187 = arith.select %eq3A_184, %broadcast_in_dim3A_186, %select_n3A_165 : vector<256x4096xi1>, vector<256x4096xf32>
    %reduce_min3A_188 = arith.constant dense<0x7F800000> : vector<256xf32>
    %reduce_min3A_189 = vector.multi_reduction <minimumf>, %select_n3A_187, %reduce_min3A_188 [1] : vector<256x4096xf32> to vector<256xf32>
    %broadcast_in_dim3A_190 = vector.shape_cast %reduce_min3A_189 : vector<256xf32> to vector<256x1xf32>
    %eq3A_191 = vector.broadcast %broadcast_in_dim3A_190 : vector<256x1xf32> to vector<256x4096xf32>
    %eq3A_192 = arith.cmpf oeq, %select_n3A_187, %eq3A_191 : vector<256x4096xf32>
    %jit3A_193 = arith.constant 4096 : i32
    %broadcast_in_dim3A_194 = vector.broadcast %jit3A_193 : i32 to vector<256x4096xi32>
    %select_n3A_195 = arith.select %eq3A_192, %iota3A, %broadcast_in_dim3A_194 : vector<256x4096xi1>, vector<256x4096xi32>
    %reduce_min3A_196 = arith.constant dense<2147483647> : vector<256xi32>
    %reduce_min3A_197 = vector.multi_reduction <minsi>, %select_n3A_195, %reduce_min3A_196 [1] : vector<256x4096xi32> to vector<256xi32>
    %broadcast_in_dim3A_198 = vector.shape_cast %reduce_min3A_197 : vector<256xi32> to vector<256x1xi32>
    %swap3A_199 = arith.constant 0 : index
    %swap3A_200 = arith.constant 0 : index
    %swap3A_201 = arith.constant 7 : index
    %swap3A_202 = vector.load %arg4[%swap3A_199, %swap3A_200, %swap3A_201] : memref<1x256x16xi32, #tpu.memory_space<vmem>>, vector<1x256x1xi32>
    %swap3A_203 = vector.shape_cast %swap3A_202 : vector<1x256x1xi32> to vector<256x1xi32>
    %swap3A_204 = vector.shape_cast %broadcast_in_dim3A_198 : vector<256x1xi32> to vector<1x256x1xi32>
    tpu.vector_store %arg4[%swap3A_199, %swap3A_200, %swap3A_201], %swap3A_204 {strides = array<i32>} : memref<1x256x16xi32, #tpu.memory_space<vmem>>, vector<1x256x1xi32>,
    %eq3A_205 = vector.broadcast %broadcast_in_dim3A_198 : vector<256x1xi32> to vector<256x4096xi32>
    %eq3A_206 = arith.cmpi eq, %iota3A, %eq3A_205 : vector<256x4096xi32>
    %jit3A_207 = arith.constant 0x7F800000 : f32
    %broadcast_in_dim3A_208 = vector.broadcast %jit3A_207 : f32 to vector<256x4096xf32>
    %select_n3A_209 = arith.select %eq3A_206, %broadcast_in_dim3A_208, %select_n3A_187 : vector<256x4096xi1>, vector<256x4096xf32>
    %reduce_min3A_210 = arith.constant dense<0x7F800000> : vector<256xf32>
    %reduce_min3A_211 = vector.multi_reduction <minimumf>, %select_n3A_209, %reduce_min3A_210 [1] : vector<256x4096xf32> to vector<256xf32>
    %broadcast_in_dim3A_212 = vector.shape_cast %reduce_min3A_211 : vector<256xf32> to vector<256x1xf32>
    %eq3A_213 = vector.broadcast %broadcast_in_dim3A_212 : vector<256x1xf32> to vector<256x4096xf32>
    %eq3A_214 = arith.cmpf oeq, %select_n3A_209, %eq3A_213 : vector<256x4096xf32>
    %jit3A_215 = arith.constant 4096 : i32
    %broadcast_in_dim3A_216 = vector.broadcast %jit3A_215 : i32 to vector<256x4096xi32>
    %select_n3A_217 = arith.select %eq3A_214, %iota3A, %broadcast_in_dim3A_216 : vector<256x4096xi1>, vector<256x4096xi32>
    %reduce_min3A_218 = arith.constant dense<2147483647> : vector<256xi32>
    %reduce_min3A_219 = vector.multi_reduction <minsi>, %select_n3A_217, %reduce_min3A_218 [1] : vector<256x4096xi32> to vector<256xi32>
    %broadcast_in_dim3A_220 = vector.shape_cast %reduce_min3A_219 : vector<256xi32> to vector<256x1xi32>
    %swap3A_221 = arith.constant 0 : index
    %swap3A_222 = arith.constant 0 : index
    %swap3A_223 = arith.constant 8 : index
    %swap3A_224 = vector.load %arg4[%swap3A_221, %swap3A_222, %swap3A_223] : memref<1x256x16xi32, #tpu.memory_space<vmem>>, vector<1x256x1xi32>
    %swap3A_225 = vector.shape_cast %swap3A_224 : vector<1x256x1xi32> to vector<256x1xi32>
    %swap3A_226 = vector.shape_cast %broadcast_in_dim3A_220 : vector<256x1xi32> to vector<1x256x1xi32>
    tpu.vector_store %arg4[%swap3A_221, %swap3A_222, %swap3A_223], %swap3A_226 {strides = array<i32>} : memref<1x256x16xi32, #tpu.memory_space<vmem>>, vector<1x256x1xi32>,
    %eq3A_227 = vector.broadcast %broadcast_in_dim3A_220 : vector<256x1xi32> to vector<256x4096xi32>
    %eq3A_228 = arith.cmpi eq, %iota3A, %eq3A_227 : vector<256x4096xi32>
    %jit3A_229 = arith.constant 0x7F800000 : f32
    %broadcast_in_dim3A_230 = vector.broadcast %jit3A_229 : f32 to vector<256x4096xf32>
    %select_n3A_231 = arith.select %eq3A_228, %broadcast_in_dim3A_230, %select_n3A_209 : vector<256x4096xi1>, vector<256x4096xf32>
    %reduce_min3A_232 = arith.constant dense<0x7F800000> : vector<256xf32>
    %reduce_min3A_233 = vector.multi_reduction <minimumf>, %select_n3A_231, %reduce_min3A_232 [1] : vector<256x4096xf32> to vector<256xf32>
    %broadcast_in_dim3A_234 = vector.shape_cast %reduce_min3A_233 : vector<256xf32> to vector<256x1xf32>
    %eq3A_235 = vector.broadcast %broadcast_in_dim3A_234 : vector<256x1xf32> to vector<256x4096xf32>
    %eq3A_236 = arith.cmpf oeq, %select_n3A_231, %eq3A_235 : vector<256x4096xf32>
    %jit3A_237 = arith.constant 4096 : i32
    %broadcast_in_dim3A_238 = vector.broadcast %jit3A_237 : i32 to vector<256x4096xi32>
    %select_n3A_239 = arith.select %eq3A_236, %iota3A, %broadcast_in_dim3A_238 : vector<256x4096xi1>, vector<256x4096xi32>
    %reduce_min3A_240 = arith.constant dense<2147483647> : vector<256xi32>
    %reduce_min3A_241 = vector.multi_reduction <minsi>, %select_n3A_239, %reduce_min3A_240 [1] : vector<256x4096xi32> to vector<256xi32>
    %broadcast_in_dim3A_242 = vector.shape_cast %reduce_min3A_241 : vector<256xi32> to vector<256x1xi32>
    %swap3A_243 = arith.constant 0 : index
    %swap3A_244 = arith.constant 0 : index
    %swap3A_245 = arith.constant 9 : index
    %swap3A_246 = vector.load %arg4[%swap3A_243, %swap3A_244, %swap3A_245] : memref<1x256x16xi32, #tpu.memory_space<vmem>>, vector<1x256x1xi32>
    %swap3A_247 = vector.shape_cast %swap3A_246 : vector<1x256x1xi32> to vector<256x1xi32>
    %swap3A_248 = vector.shape_cast %broadcast_in_dim3A_242 : vector<256x1xi32> to vector<1x256x1xi32>
    tpu.vector_store %arg4[%swap3A_243, %swap3A_244, %swap3A_245], %swap3A_248 {strides = array<i32>} : memref<1x256x16xi32, #tpu.memory_space<vmem>>, vector<1x256x1xi32>,
    %eq3A_249 = vector.broadcast %broadcast_in_dim3A_242 : vector<256x1xi32> to vector<256x4096xi32>
    %eq3A_250 = arith.cmpi eq, %iota3A, %eq3A_249 : vector<256x4096xi32>
    %jit3A_251 = arith.constant 0x7F800000 : f32
    %broadcast_in_dim3A_252 = vector.broadcast %jit3A_251 : f32 to vector<256x4096xf32>
    %select_n3A_253 = arith.select %eq3A_250, %broadcast_in_dim3A_252, %select_n3A_231 : vector<256x4096xi1>, vector<256x4096xf32>
    %reduce_min3A_254 = arith.constant dense<0x7F800000> : vector<256xf32>
    %reduce_min3A_255 = vector.multi_reduction <minimumf>, %select_n3A_253, %reduce_min3A_254 [1] : vector<256x4096xf32> to vector<256xf32>
    %broadcast_in_dim3A_256 = vector.shape_cast %reduce_min3A_255 : vector<256xf32> to vector<256x1xf32>
    %eq3A_257 = vector.broadcast %broadcast_in_dim3A_256 : vector<256x1xf32> to vector<256x4096xf32>
    %eq3A_258 = arith.cmpf oeq, %select_n3A_253, %eq3A_257 : vector<256x4096xf32>
    %jit3A_259 = arith.constant 4096 : i32
    %broadcast_in_dim3A_260 = vector.broadcast %jit3A_259 : i32 to vector<256x4096xi32>
    %select_n3A_261 = arith.select %eq3A_258, %iota3A, %broadcast_in_dim3A_260 : vector<256x4096xi1>, vector<256x4096xi32>
    %reduce_min3A_262 = arith.constant dense<2147483647> : vector<256xi32>
    %reduce_min3A_263 = vector.multi_reduction <minsi>, %select_n3A_261, %reduce_min3A_262 [1] : vector<256x4096xi32> to vector<256xi32>
    %broadcast_in_dim3A_264 = vector.shape_cast %reduce_min3A_263 : vector<256xi32> to vector<256x1xi32>
    %swap3A_265 = arith.constant 0 : index
    %swap3A_266 = arith.constant 0 : index
    %swap3A_267 = arith.constant 10 : index
    %swap3A_268 = vector.load %arg4[%swap3A_265, %swap3A_266, %swap3A_267] : memref<1x256x16xi32, #tpu.memory_space<vmem>>, vector<1x256x1xi32>
    %swap3A_269 = vector.shape_cast %swap3A_268 : vector<1x256x1xi32> to vector<256x1xi32>
    %swap3A_270 = vector.shape_cast %broadcast_in_dim3A_264 : vector<256x1xi32> to vector<1x256x1xi32>
    tpu.vector_store %arg4[%swap3A_265, %swap3A_266, %swap3A_267], %swap3A_270 {strides = array<i32>} : memref<1x256x16xi32, #tpu.memory_space<vmem>>, vector<1x256x1xi32>,
    %eq3A_271 = vector.broadcast %broadcast_in_dim3A_264 : vector<256x1xi32> to vector<256x4096xi32>
    %eq3A_272 = arith.cmpi eq, %iota3A, %eq3A_271 : vector<256x4096xi32>
    %jit3A_273 = arith.constant 0x7F800000 : f32
    %broadcast_in_dim3A_274 = vector.broadcast %jit3A_273 : f32 to vector<256x4096xf32>
    %select_n3A_275 = arith.select %eq3A_272, %broadcast_in_dim3A_274, %select_n3A_253 : vector<256x4096xi1>, vector<256x4096xf32>
    %reduce_min3A_276 = arith.constant dense<0x7F800000> : vector<256xf32>
    %reduce_min3A_277 = vector.multi_reduction <minimumf>, %select_n3A_275, %reduce_min3A_276 [1] : vector<256x4096xf32> to vector<256xf32>
    %broadcast_in_dim3A_278 = vector.shape_cast %reduce_min3A_277 : vector<256xf32> to vector<256x1xf32>
    %eq3A_279 = vector.broadcast %broadcast_in_dim3A_278 : vector<256x1xf32> to vector<256x4096xf32>
    %eq3A_280 = arith.cmpf oeq, %select_n3A_275, %eq3A_279 : vector<256x4096xf32>
    %jit3A_281 = arith.constant 4096 : i32
    %broadcast_in_dim3A_282 = vector.broadcast %jit3A_281 : i32 to vector<256x4096xi32>
    %select_n3A_283 = arith.select %eq3A_280, %iota3A, %broadcast_in_dim3A_282 : vector<256x4096xi1>, vector<256x4096xi32>
    %reduce_min3A_284 = arith.constant dense<2147483647> : vector<256xi32>
    %reduce_min3A_285 = vector.multi_reduction <minsi>, %select_n3A_283, %reduce_min3A_284 [1] : vector<256x4096xi32> to vector<256xi32>
    %broadcast_in_dim3A_286 = vector.shape_cast %reduce_min3A_285 : vector<256xi32> to vector<256x1xi32>
    %swap3A_287 = arith.constant 0 : index
    %swap3A_288 = arith.constant 0 : index
    %swap3A_289 = arith.constant 11 : index
    %swap3A_290 = vector.load %arg4[%swap3A_287, %swap3A_288, %swap3A_289] : memref<1x256x16xi32, #tpu.memory_space<vmem>>, vector<1x256x1xi32>
    %swap3A_291 = vector.shape_cast %swap3A_290 : vector<1x256x1xi32> to vector<256x1xi32>
    %swap3A_292 = vector.shape_cast %broadcast_in_dim3A_286 : vector<256x1xi32> to vector<1x256x1xi32>
    tpu.vector_store %arg4[%swap3A_287, %swap3A_288, %swap3A_289], %swap3A_292 {strides = array<i32>} : memref<1x256x16xi32, #tpu.memory_space<vmem>>, vector<1x256x1xi32>,
    %eq3A_293 = vector.broadcast %broadcast_in_dim3A_286 : vector<256x1xi32> to vector<256x4096xi32>
    %eq3A_294 = arith.cmpi eq, %iota3A, %eq3A_293 : vector<256x4096xi32>
    %jit3A_295 = arith.constant 0x7F800000 : f32
    %broadcast_in_dim3A_296 = vector.broadcast %jit3A_295 : f32 to vector<256x4096xf32>
    %select_n3A_297 = arith.select %eq3A_294, %broadcast_in_dim3A_296, %select_n3A_275 : vector<256x4096xi1>, vector<256x4096xf32>
    %reduce_min3A_298 = arith.constant dense<0x7F800000> : vector<256xf32>
    %reduce_min3A_299 = vector.multi_reduction <minimumf>, %select_n3A_297, %reduce_min3A_298 [1] : vector<256x4096xf32> to vector<256xf32>
    %broadcast_in_dim3A_300 = vector.shape_cast %reduce_min3A_299 : vector<256xf32> to vector<256x1xf32>
    %eq3A_301 = vector.broadcast %broadcast_in_dim3A_300 : vector<256x1xf32> to vector<256x4096xf32>
    %eq3A_302 = arith.cmpf oeq, %select_n3A_297, %eq3A_301 : vector<256x4096xf32>
    %jit3A_303 = arith.constant 4096 : i32
    %broadcast_in_dim3A_304 = vector.broadcast %jit3A_303 : i32 to vector<256x4096xi32>
    %select_n3A_305 = arith.select %eq3A_302, %iota3A, %broadcast_in_dim3A_304 : vector<256x4096xi1>, vector<256x4096xi32>
    %reduce_min3A_306 = arith.constant dense<2147483647> : vector<256xi32>
    %reduce_min3A_307 = vector.multi_reduction <minsi>, %select_n3A_305, %reduce_min3A_306 [1] : vector<256x4096xi32> to vector<256xi32>
    %broadcast_in_dim3A_308 = vector.shape_cast %reduce_min3A_307 : vector<256xi32> to vector<256x1xi32>
    %swap3A_309 = arith.constant 0 : index
    %swap3A_310 = arith.constant 0 : index
    %swap3A_311 = arith.constant 12 : index
    %swap3A_312 = vector.load %arg4[%swap3A_309, %swap3A_310, %swap3A_311] : memref<1x256x16xi32, #tpu.memory_space<vmem>>, vector<1x256x1xi32>
    %swap3A_313 = vector.shape_cast %swap3A_312 : vector<1x256x1xi32> to vector<256x1xi32>
    %swap3A_314 = vector.shape_cast %broadcast_in_dim3A_308 : vector<256x1xi32> to vector<1x256x1xi32>
    tpu.vector_store %arg4[%swap3A_309, %swap3A_310, %swap3A_311], %swap3A_314 {strides = array<i32>} : memref<1x256x16xi32, #tpu.memory_space<vmem>>, vector<1x256x1xi32>,
    %eq3A_315 = vector.broadcast %broadcast_in_dim3A_308 : vector<256x1xi32> to vector<256x4096xi32>
    %eq3A_316 = arith.cmpi eq, %iota3A, %eq3A_315 : vector<256x4096xi32>
    %jit3A_317 = arith.constant 0x7F800000 : f32
    %broadcast_in_dim3A_318 = vector.broadcast %jit3A_317 : f32 to vector<256x4096xf32>
    %select_n3A_319 = arith.select %eq3A_316, %broadcast_in_dim3A_318, %select_n3A_297 : vector<256x4096xi1>, vector<256x4096xf32>
    %reduce_min3A_320 = arith.constant dense<0x7F800000> : vector<256xf32>
    %reduce_min3A_321 = vector.multi_reduction <minimumf>, %select_n3A_319, %reduce_min3A_320 [1] : vector<256x4096xf32> to vector<256xf32>
    %broadcast_in_dim3A_322 = vector.shape_cast %reduce_min3A_321 : vector<256xf32> to vector<256x1xf32>
    %eq3A_323 = vector.broadcast %broadcast_in_dim3A_322 : vector<256x1xf32> to vector<256x4096xf32>
    %eq3A_324 = arith.cmpf oeq, %select_n3A_319, %eq3A_323 : vector<256x4096xf32>
    %jit3A_325 = arith.constant 4096 : i32
    %broadcast_in_dim3A_326 = vector.broadcast %jit3A_325 : i32 to vector<256x4096xi32>
    %select_n3A_327 = arith.select %eq3A_324, %iota3A, %broadcast_in_dim3A_326 : vector<256x4096xi1>, vector<256x4096xi32>
    %reduce_min3A_328 = arith.constant dense<2147483647> : vector<256xi32>
    %reduce_min3A_329 = vector.multi_reduction <minsi>, %select_n3A_327, %reduce_min3A_328 [1] : vector<256x4096xi32> to vector<256xi32>
    %broadcast_in_dim3A_330 = vector.shape_cast %reduce_min3A_329 : vector<256xi32> to vector<256x1xi32>
    %swap3A_331 = arith.constant 0 : index
    %swap3A_332 = arith.constant 0 : index
    %swap3A_333 = arith.constant 13 : index
    %swap3A_334 = vector.load %arg4[%swap3A_331, %swap3A_332, %swap3A_333] : memref<1x256x16xi32, #tpu.memory_space<vmem>>, vector<1x256x1xi32>
    %swap3A_335 = vector.shape_cast %swap3A_334 : vector<1x256x1xi32> to vector<256x1xi32>
    %swap3A_336 = vector.shape_cast %broadcast_in_dim3A_330 : vector<256x1xi32> to vector<1x256x1xi32>
    tpu.vector_store %arg4[%swap3A_331, %swap3A_332, %swap3A_333], %swap3A_336 {strides = array<i32>} : memref<1x256x16xi32, #tpu.memory_space<vmem>>, vector<1x256x1xi32>,
    %eq3A_337 = vector.broadcast %broadcast_in_dim3A_330 : vector<256x1xi32> to vector<256x4096xi32>
    %eq3A_338 = arith.cmpi eq, %iota3A, %eq3A_337 : vector<256x4096xi32>
    %jit3A_339 = arith.constant 0x7F800000 : f32
    %broadcast_in_dim3A_340 = vector.broadcast %jit3A_339 : f32 to vector<256x4096xf32>
    %select_n3A_341 = arith.select %eq3A_338, %broadcast_in_dim3A_340, %select_n3A_319 : vector<256x4096xi1>, vector<256x4096xf32>
    %reduce_min3A_342 = arith.constant dense<0x7F800000> : vector<256xf32>
    %reduce_min3A_343 = vector.multi_reduction <minimumf>, %select_n3A_341, %reduce_min3A_342 [1] : vector<256x4096xf32> to vector<256xf32>
    %broadcast_in_dim3A_344 = vector.shape_cast %reduce_min3A_343 : vector<256xf32> to vector<256x1xf32>
    %eq3A_345 = vector.broadcast %broadcast_in_dim3A_344 : vector<256x1xf32> to vector<256x4096xf32>
    %eq3A_346 = arith.cmpf oeq, %select_n3A_341, %eq3A_345 : vector<256x4096xf32>
    %jit3A_347 = arith.constant 4096 : i32
    %broadcast_in_dim3A_348 = vector.broadcast %jit3A_347 : i32 to vector<256x4096xi32>
    %select_n3A_349 = arith.select %eq3A_346, %iota3A, %broadcast_in_dim3A_348 : vector<256x4096xi1>, vector<256x4096xi32>
    %reduce_min3A_350 = arith.constant dense<2147483647> : vector<256xi32>
    %reduce_min3A_351 = vector.multi_reduction <minsi>, %select_n3A_349, %reduce_min3A_350 [1] : vector<256x4096xi32> to vector<256xi32>
    %broadcast_in_dim3A_352 = vector.shape_cast %reduce_min3A_351 : vector<256xi32> to vector<256x1xi32>
    %swap3A_353 = arith.constant 0 : index
    %swap3A_354 = arith.constant 0 : index
    %swap3A_355 = arith.constant 14 : index
    %swap3A_356 = vector.load %arg4[%swap3A_353, %swap3A_354, %swap3A_355] : memref<1x256x16xi32, #tpu.memory_space<vmem>>, vector<1x256x1xi32>
    %swap3A_357 = vector.shape_cast %swap3A_356 : vector<1x256x1xi32> to vector<256x1xi32>
    %swap3A_358 = vector.shape_cast %broadcast_in_dim3A_352 : vector<256x1xi32> to vector<1x256x1xi32>
    tpu.vector_store %arg4[%swap3A_353, %swap3A_354, %swap3A_355], %swap3A_358 {strides = array<i32>} : memref<1x256x16xi32, #tpu.memory_space<vmem>>, vector<1x256x1xi32>,
    %eq3A_359 = vector.broadcast %broadcast_in_dim3A_352 : vector<256x1xi32> to vector<256x4096xi32>
    %eq3A_360 = arith.cmpi eq, %iota3A, %eq3A_359 : vector<256x4096xi32>
    %jit3A_361 = arith.constant 0x7F800000 : f32
    %broadcast_in_dim3A_362 = vector.broadcast %jit3A_361 : f32 to vector<256x4096xf32>
    %select_n3A_363 = arith.select %eq3A_360, %broadcast_in_dim3A_362, %select_n3A_341 : vector<256x4096xi1>, vector<256x4096xf32>
    %reduce_min3A_364 = arith.constant dense<0x7F800000> : vector<256xf32>
    %reduce_min3A_365 = vector.multi_reduction <minimumf>, %select_n3A_363, %reduce_min3A_364 [1] : vector<256x4096xf32> to vector<256xf32>
    %broadcast_in_dim3A_366 = vector.shape_cast %reduce_min3A_365 : vector<256xf32> to vector<256x1xf32>
    %eq3A_367 = vector.broadcast %broadcast_in_dim3A_366 : vector<256x1xf32> to vector<256x4096xf32>
    %eq3A_368 = arith.cmpf oeq, %select_n3A_363, %eq3A_367 : vector<256x4096xf32>
    %jit3A_369 = arith.constant 4096 : i32
    %broadcast_in_dim3A_370 = vector.broadcast %jit3A_369 : i32 to vector<256x4096xi32>
    %select_n3A_371 = arith.select %eq3A_368, %iota3A, %broadcast_in_dim3A_370 : vector<256x4096xi1>, vector<256x4096xi32>
    %reduce_min3A_372 = arith.constant dense<2147483647> : vector<256xi32>
    %reduce_min3A_373 = vector.multi_reduction <minsi>, %select_n3A_371, %reduce_min3A_372 [1] : vector<256x4096xi32> to vector<256xi32>
    %broadcast_in_dim3A_374 = vector.shape_cast %reduce_min3A_373 : vector<256xi32> to vector<256x1xi32>
    %swap3A_375 = arith.constant 0 : index
    %swap3A_376 = arith.constant 0 : index
    %swap3A_377 = arith.constant 15 : index
    %swap3A_378 = vector.load %arg4[%swap3A_375, %swap3A_376, %swap3A_377] : memref<1x256x16xi32, #tpu.memory_space<vmem>>, vector<1x256x1xi32>
    %swap3A_379 = vector.shape_cast %swap3A_378 : vector<1x256x1xi32> to vector<256x1xi32>
    %swap3A_380 = vector.shape_cast %broadcast_in_dim3A_374 : vector<256x1xi32> to vector<1x256x1xi32>
    tpu.vector_store %arg4[%swap3A_375, %swap3A_376, %swap3A_377], %swap3A_380 {strides = array<i32>} : memref<1x256x16xi32, #tpu.memory_space<vmem>>, vector<1x256x1xi32>,
    return
  }
  func.func @transform_0(%arg0: i32, %arg1: i32) -> (i32, i32, i32) {
    %c0_i32 = arith.constant 0 : i32
    %c0_i32_0 = arith.constant 0 : i32
    %c0_i32_1 = arith.constant 0 : i32
    return %arg0, %c0_i32, %c0_i32_0 : i32, i32, i32
  }
  func.func @transform_1(%arg0: i32, %arg1: i32) -> (i32, i32, i32) {
    %c0_i32 = arith.constant 0 : i32
    %c0_i32_0 = arith.constant 0 : i32
    return %arg0, %arg1, %c0_i32 : i32, i32, i32
  }
  func.func @transform_2(%arg0: i32, %arg1: i32) -> (i32, i32, i32) {
    %c0_i32 = arith.constant 0 : i32
    %c0_i32_0 = arith.constant 0 : i32
    return %arg0, %arg1, %c0_i32 : i32, i32, i32
  }
}

module attributes {stable_mosaic.version = 14 : i64} {
  func.func @_feat_body(%arg0: i32, %arg1: memref<1x3x4096xf32, #tpu.memory_space<vmem>>, %arg2: memref<1x128x4096xf32, #tpu.memory_space<vmem>>, %arg3: memref<1x1024x3xf32, #tpu.memory_space<vmem>>, %arg4: memref<128x128xf32, #tpu.memory_space<vmem>>, %arg5: memref<128x3xf32, #tpu.memory_space<vmem>>, %arg6: memref<4096x128xf32, #tpu.memory_space<vmem>>, %arg7: memref<1x1024x128xf32, #tpu.memory_space<vmem>>) attributes {dimension_semantics = [#tpu.dimension_semantics<arbitrary>], iteration_bounds = array<i64: 8>, scalar_prefetch = 0 : i64, scratch_operands = 0 : i64, tpu.core_type = #tpu.core_type<tc>, window_params = [{transform_indices = @transform_0, window_bounds = array<i64: 1, 3, 4096>}, {transform_indices = @transform_1, window_bounds = array<i64: 1, 128, 4096>}, {transform_indices = @transform_2, window_bounds = array<i64: 1, 1024, 3>}, {pipeline_mode = #tpu.pipeline_mode<synchronous>, transform_indices = @transform_3, window_bounds = array<i64: 128, 128>}, {pipeline_mode = #tpu.pipeline_mode<synchronous>, transform_indices = @transform_4, window_bounds = array<i64: 128, 3>}, {transform_indices = @transform_5, window_bounds = array<i64: 4096, 128>}, {transform_indices = @transform_6, window_bounds = array<i64: 1, 1024, 128>}]} {
    %get3A = arith.constant 0 : index
    %get3A_0 = arith.constant 0 : index
    %get3A_1 = arith.constant 0 : index
    %get3A_2 = vector.load %arg1[%get3A, %get3A_0, %get3A_1] : memref<1x3x4096xf32, #tpu.memory_space<vmem>>, vector<1x3x4096xf32>
    %get3A_3 = vector.shape_cast %get3A_2 : vector<1x3x4096xf32> to vector<3x4096xf32>
    %get3A_4 = arith.constant 0 : index
    %get3A_5 = arith.constant 0 : index
    %get3A_6 = arith.constant 0 : index
    %get3A_7 = vector.load %arg2[%get3A_4, %get3A_5, %get3A_6] : memref<1x128x4096xf32, #tpu.memory_space<vmem>>, vector<1x128x4096xf32>
    %get3A_8 = vector.shape_cast %get3A_7 : vector<1x128x4096xf32> to vector<128x4096xf32>
    %get3A_9 = arith.constant 0 : index
    %get3A_10 = arith.constant 0 : index
    %get3A_11 = vector.load %arg4[%get3A_9, %get3A_10] : memref<128x128xf32, #tpu.memory_space<vmem>>, vector<128x128xf32>
    %dot_general3A = arith.constant dense<0.000000e+00> : vector<4096x128xf32>
    %dot_general3A_12 = tpu.matmul %get3A_8, %get3A_11, %dot_general3A {dimension_numbers = #tpu.dot_dimension_numbers<[0], [1], [1], [0], [0, 1, 1, 0], [], []>, transpose_lhs_hint = false} : vector<128x4096xf32>, vector<128x128xf32>, vector<4096x128xf32> -> vector<4096x128xf32>
    %get3A_13 = arith.constant 0 : index
    %get3A_14 = arith.constant 0 : index
    %get3A_15 = vector.load %arg5[%get3A_13, %get3A_14] : memref<128x3xf32, #tpu.memory_space<vmem>>, vector<128x3xf32>
    %dot_general3A_16 = arith.constant dense<0.000000e+00> : vector<4096x128xf32>
    %dot_general3A_17 = tpu.matmul %get3A_3, %get3A_15, %dot_general3A_16 {dimension_numbers = #tpu.dot_dimension_numbers<[0], [1], [1], [0], [0, 1, 1, 0], [], []>, transpose_lhs_hint = false} : vector<3x4096xf32>, vector<128x3xf32>, vector<4096x128xf32> -> vector<4096x128xf32>
    %add3A = arith.addf %dot_general3A_12, %dot_general3A_17 : vector<4096x128xf32>
    %swap3A = arith.constant 0 : index
    %swap3A_18 = arith.constant 0 : index
    %swap3A_19 = vector.load %arg6[%swap3A, %swap3A_18] : memref<4096x128xf32, #tpu.memory_space<vmem>>, vector<4096x128xf32>
    tpu.vector_store %arg6[%swap3A, %swap3A_18], %add3A {strides = array<i32>} : memref<4096x128xf32, #tpu.memory_space<vmem>>, vector<4096x128xf32>,
    %get3A_20 = arith.constant 0 : index
    %get3A_21 = arith.constant 0 : index
    %get3A_22 = arith.constant 0 : index
    %get3A_23 = vector.load %arg3[%get3A_20, %get3A_21, %get3A_22] : memref<1x1024x3xf32, #tpu.memory_space<vmem>>, vector<1x1024x3xf32>
    %get3A_24 = vector.shape_cast %get3A_23 : vector<1x1024x3xf32> to vector<1024x3xf32>
    %get3A_25 = arith.constant 0 : index
    %get3A_26 = arith.constant 0 : index
    %get3A_27 = vector.load %arg5[%get3A_25, %get3A_26] : memref<128x3xf32, #tpu.memory_space<vmem>>, vector<128x3xf32>
    %dot_general3A_28 = arith.constant dense<0.000000e+00> : vector<1024x128xf32>
    %dot_general3A_29 = tpu.matmul %get3A_24, %get3A_27, %dot_general3A_28 {dimension_numbers = #tpu.dot_dimension_numbers<[1], [1], [0], [0], [0, 0, 1, 0], [], []>, transpose_lhs_hint = false} : vector<1024x3xf32>, vector<128x3xf32>, vector<1024x128xf32> -> vector<1024x128xf32>
    %swap3A_30 = arith.constant 0 : index
    %swap3A_31 = arith.constant 0 : index
    %swap3A_32 = arith.constant 0 : index
    %swap3A_33 = vector.load %arg7[%swap3A_30, %swap3A_31, %swap3A_32] : memref<1x1024x128xf32, #tpu.memory_space<vmem>>, vector<1x1024x128xf32>
    %swap3A_34 = vector.shape_cast %swap3A_33 : vector<1x1024x128xf32> to vector<1024x128xf32>
    %swap3A_35 = vector.shape_cast %dot_general3A_29 : vector<1024x128xf32> to vector<1x1024x128xf32>
    tpu.vector_store %arg7[%swap3A_30, %swap3A_31, %swap3A_32], %swap3A_35 {strides = array<i32>} : memref<1x1024x128xf32, #tpu.memory_space<vmem>>, vector<1x1024x128xf32>,
    return
  }
  func.func @transform_0(%arg0: i32) -> (i32, i32, i32) {
    %c0_i32 = arith.constant 0 : i32
    %c0_i32_0 = arith.constant 0 : i32
    %c0_i32_1 = arith.constant 0 : i32
    return %arg0, %c0_i32, %c0_i32_0 : i32, i32, i32
  }
  func.func @transform_1(%arg0: i32) -> (i32, i32, i32) {
    %c0_i32 = arith.constant 0 : i32
    %c0_i32_0 = arith.constant 0 : i32
    %c0_i32_1 = arith.constant 0 : i32
    return %arg0, %c0_i32, %c0_i32_0 : i32, i32, i32
  }
  func.func @transform_2(%arg0: i32) -> (i32, i32, i32) {
    %c0_i32 = arith.constant 0 : i32
    %c0_i32_0 = arith.constant 0 : i32
    %c0_i32_1 = arith.constant 0 : i32
    return %arg0, %c0_i32, %c0_i32_0 : i32, i32, i32
  }
  func.func @transform_3(%arg0: i32) -> (i32, i32) {
    %c0_i32 = arith.constant 0 : i32
    %c0_i32_0 = arith.constant 0 : i32
    %c0_i32_1 = arith.constant 0 : i32
    return %c0_i32, %c0_i32_0 : i32, i32
  }
  func.func @transform_4(%arg0: i32) -> (i32, i32) {
    %c0_i32 = arith.constant 0 : i32
    %c0_i32_0 = arith.constant 0 : i32
    %c0_i32_1 = arith.constant 0 : i32
    return %c0_i32, %c0_i32_0 : i32, i32
  }
  func.func @transform_5(%arg0: i32) -> (i32, i32) {
    %c0_i32 = arith.constant 0 : i32
    %c0_i32_0 = arith.constant 0 : i32
    return %arg0, %c0_i32 : i32, i32
  }
  func.func @transform_6(%arg0: i32) -> (i32, i32, i32) {
    %c0_i32 = arith.constant 0 : i32
    %c0_i32_0 = arith.constant 0 : i32
    %c0_i32_1 = arith.constant 0 : i32
    return %arg0, %c0_i32, %c0_i32_0 : i32, i32, i32
  }
}

module attributes {stable_mosaic.version = 14 : i64} {
  func.func @_l1_body(%arg0: i32, %arg1: i32, %arg2: memref<2048x128xf32, #tpu.memory_space<vmem>>, %arg3: memref<1x128x128xf32, #tpu.memory_space<vmem>>, %arg4: memref<1x128x16xf32, #tpu.memory_space<vmem>>, %arg5: memref<1x128x16xf32, #tpu.memory_space<vmem>>, %arg6: memref<1x128x16xf32, #tpu.memory_space<vmem>>, %arg7: memref<1x128x3xf32, #tpu.memory_space<vmem>>, %arg8: memref<1x128xf32, #tpu.memory_space<vmem>>, %arg9: memref<2048x128xf32, #tpu.memory_space<vmem>>, %arg10: memref<1x128x16xf32, #tpu.memory_space<vmem>>, %arg11: memref<1x128x16xf32, #tpu.memory_space<vmem>>, %arg12: memref<1x128x16xf32, #tpu.memory_space<vmem>>, %arg13: memref<1x128xf32, #tpu.memory_space<vmem>>, %arg14: memref<1x128xf32, #tpu.memory_space<vmem>>) attributes {dimension_semantics = [#tpu.dimension_semantics<arbitrary>, #tpu.dimension_semantics<arbitrary>], iteration_bounds = array<i64: 8, 8>, scalar_prefetch = 0 : i64, scratch_operands = 0 : i64, tpu.core_type = #tpu.core_type<tc>, window_params = [{transform_indices = @transform_0, window_bounds = array<i64: 2048, 128>}, {transform_indices = @transform_1, window_bounds = array<i64: 1, 128, 128>}, {transform_indices = @transform_2, window_bounds = array<i64: 1, 128, 16>}, {transform_indices = @transform_3, window_bounds = array<i64: 1, 128, 16>}, {transform_indices = @transform_4, window_bounds = array<i64: 1, 128, 16>}, {transform_indices = @transform_5, window_bounds = array<i64: 1, 128, 3>}, {pipeline_mode = #tpu.pipeline_mode<synchronous>, transform_indices = @transform_6, window_bounds = array<i64: 1, 128>}, {transform_indices = @transform_7, window_bounds = array<i64: 2048, 128>}, {transform_indices = @transform_8, window_bounds = array<i64: 1, 128, 16>}, {transform_indices = @transform_9, window_bounds = array<i64: 1, 128, 16>}, {transform_indices = @transform_10, window_bounds = array<i64: 1, 128, 16>}, {pipeline_mode = #tpu.pipeline_mode<synchronous>, transform_indices = @transform_11, window_bounds = array<i64: 1, 128>}, {pipeline_mode = #tpu.pipeline_mode<synchronous>, transform_indices = @transform_12, window_bounds = array<i64: 1, 128>}]} {
    %get3A = arith.constant 0 : index
    %get3A_0 = arith.constant 0 : index
    %get3A_1 = vector.load %arg2[%get3A, %get3A_0] : memref<2048x128xf32, #tpu.memory_space<vmem>>, vector<2048x128xf32>
    %reshape3A = vector.shape_cast %get3A_1 : vector<2048x128xf32> to vector<128x16x128xf32>
    %get3A_2 = arith.constant 0 : index
    %get3A_3 = arith.constant 0 : index
    %get3A_4 = arith.constant 0 : index
    %get3A_5 = vector.load %arg3[%get3A_2, %get3A_3, %get3A_4] : memref<1x128x128xf32, #tpu.memory_space<vmem>>, vector<1x128x128xf32>
    %get3A_6 = vector.shape_cast %get3A_5 : vector<1x128x128xf32> to vector<128x128xf32>
    %broadcast_in_dim3A = vector.shape_cast %get3A_6 : vector<128x128xf32> to vector<128x1x128xf32>
    %sub3A = vector.broadcast %broadcast_in_dim3A : vector<128x1x128xf32> to vector<128x16x128xf32>
    %sub3A_7 = arith.subf %reshape3A, %sub3A : vector<128x16x128xf32>
    %get3A_8 = arith.constant 0 : index
    %get3A_9 = arith.constant 0 : index
    %get3A_10 = vector.load %arg8[%get3A_8, %get3A_9] : memref<1x128xf32, #tpu.memory_space<vmem>>, vector<1x128xf32>
    %broadcast_in_dim3A_11 = vector.shape_cast %get3A_10 : vector<1x128xf32> to vector<1x1x128xf32>
    %add3A = vector.broadcast %broadcast_in_dim3A_11 : vector<1x1x128xf32> to vector<128x16x128xf32>
    %add3A_12 = arith.addf %sub3A_7, %add3A : vector<128x16x128xf32>
    %reshape3A_13 = vector.shape_cast %add3A_12 : vector<128x16x128xf32> to vector<2048x128xf32>
    %swap3A = arith.constant 0 : index
    %swap3A_14 = arith.constant 0 : index
    %swap3A_15 = vector.load %arg9[%swap3A, %swap3A_14] : memref<2048x128xf32, #tpu.memory_space<vmem>>, vector<2048x128xf32>
    tpu.vector_store %arg9[%swap3A, %swap3A_14], %reshape3A_13 {strides = array<i32>} : memref<2048x128xf32, #tpu.memory_space<vmem>>, vector<2048x128xf32>,
    %get3A_16 = arith.constant 0 : index
    %get3A_17 = arith.constant 0 : index
    %get3A_18 = arith.constant 0 : index
    %get3A_19 = vector.load %arg7[%get3A_16, %get3A_17, %get3A_18] : memref<1x128x3xf32, #tpu.memory_space<vmem>>, vector<1x128x3xf32>
    %get3A_20 = vector.shape_cast %get3A_19 : vector<1x128x3xf32> to vector<128x3xf32>
    %get3A_21 = arith.constant 0 : index
    %get3A_22 = arith.constant 0 : index
    %get3A_23 = arith.constant 0 : index
    %get3A_24 = vector.load %arg4[%get3A_21, %get3A_22, %get3A_23] : memref<1x128x16xf32, #tpu.memory_space<vmem>>, vector<1x128x16xf32>
    %get3A_25 = vector.shape_cast %get3A_24 : vector<1x128x16xf32> to vector<128x16xf32>
    %slice3A = vector.extract_strided_slice %get3A_20 {offsets = [0, 0], sizes = [128, 1], strides = [1, 1]} : vector<128x3xf32> to vector<128x1xf32>
    %sub3A_26 = vector.broadcast %slice3A : vector<128x1xf32> to vector<128x16xf32>
    %sub3A_27 = arith.subf %get3A_25, %sub3A_26 : vector<128x16xf32>
    %swap3A_28 = arith.constant 0 : index
    %swap3A_29 = arith.constant 0 : index
    %swap3A_30 = arith.constant 0 : index
    %swap3A_31 = vector.load %arg10[%swap3A_28, %swap3A_29, %swap3A_30] : memref<1x128x16xf32, #tpu.memory_space<vmem>>, vector<1x128x16xf32>
    %swap3A_32 = vector.shape_cast %swap3A_31 : vector<1x128x16xf32> to vector<128x16xf32>
    %swap3A_33 = vector.shape_cast %sub3A_27 : vector<128x16xf32> to vector<1x128x16xf32>
    tpu.vector_store %arg10[%swap3A_28, %swap3A_29, %swap3A_30], %swap3A_33 {strides = array<i32>} : memref<1x128x16xf32, #tpu.memory_space<vmem>>, vector<1x128x16xf32>,
    %get3A_34 = arith.constant 0 : index
    %get3A_35 = arith.constant 0 : index
    %get3A_36 = arith.constant 0 : index
    %get3A_37 = vector.load %arg5[%get3A_34, %get3A_35, %get3A_36] : memref<1x128x16xf32, #tpu.memory_space<vmem>>, vector<1x128x16xf32>
    %get3A_38 = vector.shape_cast %get3A_37 : vector<1x128x16xf32> to vector<128x16xf32>
    %slice3A_39 = vector.extract_strided_slice %get3A_20 {offsets = [0, 1], sizes = [128, 1], strides = [1, 1]} : vector<128x3xf32> to vector<128x1xf32>
    %sub3A_40 = vector.broadcast %slice3A_39 : vector<128x1xf32> to vector<128x16xf32>
    %sub3A_41 = arith.subf %get3A_38, %sub3A_40 : vector<128x16xf32>
    %swap3A_42 = arith.constant 0 : index
    %swap3A_43 = arith.constant 0 : index
    %swap3A_44 = arith.constant 0 : index
    %swap3A_45 = vector.load %arg11[%swap3A_42, %swap3A_43, %swap3A_44] : memref<1x128x16xf32, #tpu.memory_space<vmem>>, vector<1x128x16xf32>
    %swap3A_46 = vector.shape_cast %swap3A_45 : vector<1x128x16xf32> to vector<128x16xf32>
    %swap3A_47 = vector.shape_cast %sub3A_41 : vector<128x16xf32> to vector<1x128x16xf32>
    tpu.vector_store %arg11[%swap3A_42, %swap3A_43, %swap3A_44], %swap3A_47 {strides = array<i32>} : memref<1x128x16xf32, #tpu.memory_space<vmem>>, vector<1x128x16xf32>,
    %get3A_48 = arith.constant 0 : index
    %get3A_49 = arith.constant 0 : index
    %get3A_50 = arith.constant 0 : index
    %get3A_51 = vector.load %arg6[%get3A_48, %get3A_49, %get3A_50] : memref<1x128x16xf32, #tpu.memory_space<vmem>>, vector<1x128x16xf32>
    %get3A_52 = vector.shape_cast %get3A_51 : vector<1x128x16xf32> to vector<128x16xf32>
    %slice3A_53 = vector.extract_strided_slice %get3A_20 {offsets = [0, 2], sizes = [128, 1], strides = [1, 1]} : vector<128x3xf32> to vector<128x1xf32>
    %sub3A_54 = vector.broadcast %slice3A_53 : vector<128x1xf32> to vector<128x16xf32>
    %sub3A_55 = arith.subf %get3A_52, %sub3A_54 : vector<128x16xf32>
    %swap3A_56 = arith.constant 0 : index
    %swap3A_57 = arith.constant 0 : index
    %swap3A_58 = arith.constant 0 : index
    %swap3A_59 = vector.load %arg12[%swap3A_56, %swap3A_57, %swap3A_58] : memref<1x128x16xf32, #tpu.memory_space<vmem>>, vector<1x128x16xf32>
    %swap3A_60 = vector.shape_cast %swap3A_59 : vector<1x128x16xf32> to vector<128x16xf32>
    %swap3A_61 = vector.shape_cast %sub3A_55 : vector<128x16xf32> to vector<1x128x16xf32>
    tpu.vector_store %arg12[%swap3A_56, %swap3A_57, %swap3A_58], %swap3A_61 {strides = array<i32>} : memref<1x128x16xf32, #tpu.memory_space<vmem>>, vector<1x128x16xf32>,
    %eq3A = arith.constant 0 : i32
    %eq3A_62 = arith.cmpi eq, %arg0, %eq3A : i32
    %eq3A_63 = arith.constant 0 : i32
    %eq3A_64 = arith.cmpi eq, %arg1, %eq3A_63 : i32
    %and3A = arith.andi %eq3A_62, %eq3A_64 : i1
    %convert_element_type3A = arith.extui %and3A : i1 to i32
    %cond3A = arith.constant 0 : i32
    %cond3A_65 = arith.cmpi ne, %convert_element_type3A, %cond3A : i32
    scf.if %cond3A_65 {
      %broadcast_in_dim3A_89 = arith.constant 0.000000e+00 : f32
      %broadcast_in_dim3A_90 = vector.broadcast %broadcast_in_dim3A_89 : f32 to vector<1x128xf32>
      %swap3A_91 = arith.constant 0 : index
      %swap3A_92 = arith.constant 0 : index
      %swap3A_93 = vector.load %arg13[%swap3A_91, %swap3A_92] : memref<1x128xf32, #tpu.memory_space<vmem>>, vector<1x128xf32>
      tpu.vector_store %arg13[%swap3A_91, %swap3A_92], %broadcast_in_dim3A_90 {strides = array<i32>} : memref<1x128xf32, #tpu.memory_space<vmem>>, vector<1x128xf32>,
      %broadcast_in_dim3A_94 = arith.constant 0.000000e+00 : f32
      %broadcast_in_dim3A_95 = vector.broadcast %broadcast_in_dim3A_94 : f32 to vector<1x128xf32>
      %swap3A_96 = arith.constant 0 : index
      %swap3A_97 = arith.constant 0 : index
      %swap3A_98 = vector.load %arg14[%swap3A_96, %swap3A_97] : memref<1x128xf32, #tpu.memory_space<vmem>>, vector<1x128xf32>
      tpu.vector_store %arg14[%swap3A_96, %swap3A_97], %broadcast_in_dim3A_95 {strides = array<i32>} : memref<1x128xf32, #tpu.memory_space<vmem>>, vector<1x128xf32>,
    } else {
    }
    %reduce_sum3A = arith.constant dense<0.000000e+00> : vector<128x128xf32>
    %reduce_sum3A_66 = vector.multi_reduction <add>, %add3A_12, %reduce_sum3A [1] : vector<128x16x128xf32> to vector<128x128xf32>
    %mul3A = arith.mulf %add3A_12, %add3A_12 : vector<128x16x128xf32>
    %reduce_sum3A_67 = arith.constant dense<0.000000e+00> : vector<128x128xf32>
    %reduce_sum3A_68 = vector.multi_reduction <add>, %mul3A, %reduce_sum3A_67 [1] : vector<128x16x128xf32> to vector<128x128xf32>
    %get3A_69 = arith.constant 0 : index
    %get3A_70 = arith.constant 0 : index
    %get3A_71 = vector.load %arg13[%get3A_69, %get3A_70] : memref<1x128xf32, #tpu.memory_space<vmem>>, vector<1x128xf32>
    %reduce_sum3A_72 = arith.constant dense<0.000000e+00> : vector<128xf32>
    %reduce_sum3A_73 = vector.multi_reduction <add>, %reduce_sum3A_66, %reduce_sum3A_72 [0] : vector<128x128xf32> to vector<128xf32>
    %broadcast_in_dim3A_74 = vector.shape_cast %reduce_sum3A_73 : vector<128xf32> to vector<1x128xf32>
    %add3A_75 = arith.addf %get3A_71, %broadcast_in_dim3A_74 : vector<1x128xf32>
    %swap3A_76 = arith.constant 0 : index
    %swap3A_77 = arith.constant 0 : index
    %swap3A_78 = vector.load %arg13[%swap3A_76, %swap3A_77] : memref<1x128xf32, #tpu.memory_space<vmem>>, vector<1x128xf32>
    tpu.vector_store %arg13[%swap3A_76, %swap3A_77], %add3A_75 {strides = array<i32>} : memref<1x128xf32, #tpu.memory_space<vmem>>, vector<1x128xf32>,
    %get3A_79 = arith.constant 0 : index
    %get3A_80 = arith.constant 0 : index
    %get3A_81 = vector.load %arg14[%get3A_79, %get3A_80] : memref<1x128xf32, #tpu.memory_space<vmem>>, vector<1x128xf32>
    %reduce_sum3A_82 = arith.constant dense<0.000000e+00> : vector<128xf32>
    %reduce_sum3A_83 = vector.multi_reduction <add>, %reduce_sum3A_68, %reduce_sum3A_82 [0] : vector<128x128xf32> to vector<128xf32>
    %broadcast_in_dim3A_84 = vector.shape_cast %reduce_sum3A_83 : vector<128xf32> to vector<1x128xf32>
    %add3A_85 = arith.addf %get3A_81, %broadcast_in_dim3A_84 : vector<1x128xf32>
    %swap3A_86 = arith.constant 0 : index
    %swap3A_87 = arith.constant 0 : index
    %swap3A_88 = vector.load %arg14[%swap3A_86, %swap3A_87] : memref<1x128xf32, #tpu.memory_space<vmem>>, vector<1x128xf32>
    tpu.vector_store %arg14[%swap3A_86, %swap3A_87], %add3A_85 {strides = array<i32>} : memref<1x128xf32, #tpu.memory_space<vmem>>, vector<1x128xf32>,
    return
  }
  func.func @transform_0(%arg0: i32, %arg1: i32) -> (i32, i32) {
    %mul3A = arith.constant 8 : i32
    %mul3A_0 = arith.muli %arg0, %mul3A : i32
    %add3A = arith.addi %mul3A_0, %arg1 : i32
    %c0_i32 = arith.constant 0 : i32
    %c0_i32_1 = arith.constant 0 : i32
    return %add3A, %c0_i32 : i32, i32
  }
  func.func @transform_1(%arg0: i32, %arg1: i32) -> (i32, i32, i32) {
    %c0_i32 = arith.constant 0 : i32
    %c0_i32_0 = arith.constant 0 : i32
    return %arg0, %arg1, %c0_i32 : i32, i32, i32
  }
  func.func @transform_2(%arg0: i32, %arg1: i32) -> (i32, i32, i32) {
    %c0_i32 = arith.constant 0 : i32
    %c0_i32_0 = arith.constant 0 : i32
    return %arg0, %arg1, %c0_i32 : i32, i32, i32
  }
  func.func @transform_3(%arg0: i32, %arg1: i32) -> (i32, i32, i32) {
    %c0_i32 = arith.constant 0 : i32
    %c0_i32_0 = arith.constant 0 : i32
    return %arg0, %arg1, %c0_i32 : i32, i32, i32
  }
  func.func @transform_4(%arg0: i32, %arg1: i32) -> (i32, i32, i32) {
    %c0_i32 = arith.constant 0 : i32
    %c0_i32_0 = arith.constant 0 : i32
    return %arg0, %arg1, %c0_i32 : i32, i32, i32
  }
  func.func @transform_5(%arg0: i32, %arg1: i32) -> (i32, i32, i32) {
    %c0_i32 = arith.constant 0 : i32
    %c0_i32_0 = arith.constant 0 : i32
    return %arg0, %arg1, %c0_i32 : i32, i32, i32
  }
  func.func @transform_6(%arg0: i32, %arg1: i32) -> (i32, i32) {
    %c0_i32 = arith.constant 0 : i32
    %c0_i32_0 = arith.constant 0 : i32
    %c0_i32_1 = arith.constant 0 : i32
    return %c0_i32, %c0_i32_0 : i32, i32
  }
  func.func @transform_7(%arg0: i32, %arg1: i32) -> (i32, i32) {
    %mul3A = arith.constant 8 : i32
    %mul3A_0 = arith.muli %arg0, %mul3A : i32
    %add3A = arith.addi %mul3A_0, %arg1 : i32
    %c0_i32 = arith.constant 0 : i32
    %c0_i32_1 = arith.constant 0 : i32
    return %add3A, %c0_i32 : i32, i32
  }
  func.func @transform_8(%arg0: i32, %arg1: i32) -> (i32, i32, i32) {
    %c0_i32 = arith.constant 0 : i32
    %c0_i32_0 = arith.constant 0 : i32
    return %arg0, %arg1, %c0_i32 : i32, i32, i32
  }
  func.func @transform_9(%arg0: i32, %arg1: i32) -> (i32, i32, i32) {
    %c0_i32 = arith.constant 0 : i32
    %c0_i32_0 = arith.constant 0 : i32
    return %arg0, %arg1, %c0_i32 : i32, i32, i32
  }
  func.func @transform_10(%arg0: i32, %arg1: i32) -> (i32, i32, i32) {
    %c0_i32 = arith.constant 0 : i32
    %c0_i32_0 = arith.constant 0 : i32
    return %arg0, %arg1, %c0_i32 : i32, i32, i32
  }
  func.func @transform_11(%arg0: i32, %arg1: i32) -> (i32, i32) {
    %c0_i32 = arith.constant 0 : i32
    %c0_i32_0 = arith.constant 0 : i32
    %c0_i32_1 = arith.constant 0 : i32
    return %c0_i32, %c0_i32_0 : i32, i32
  }
  func.func @transform_12(%arg0: i32, %arg1: i32) -> (i32, i32) {
    %c0_i32 = arith.constant 0 : i32
    %c0_i32_0 = arith.constant 0 : i32
    %c0_i32_1 = arith.constant 0 : i32
    return %c0_i32, %c0_i32_0 : i32, i32
  }
}

module attributes {stable_mosaic.version = 14 : i64} {
  func.func @_l2s_body(%arg0: i32, %arg1: i32, %arg2: memref<2048x128xf32, #tpu.memory_space<vmem>>, %arg3: memref<1x128xf32, #tpu.memory_space<vmem>>, %arg4: memref<1x128xf32, #tpu.memory_space<vmem>>, %arg5: memref<1x128xf32, #tpu.memory_space<vmem>>, %arg6: memref<1x128xf32, #tpu.memory_space<vmem>>, %arg7: memref<256x128xf32, #tpu.memory_space<vmem>>, %arg8: memref<1x256xf32, #tpu.memory_space<vmem>>, %arg9: memref<1x256xf32, #tpu.memory_space<vmem>>, %arg10: memref<1x256xf32, #tpu.memory_space<vmem>>) attributes {dimension_semantics = [#tpu.dimension_semantics<arbitrary>, #tpu.dimension_semantics<arbitrary>], iteration_bounds = array<i64: 8, 8>, scalar_prefetch = 0 : i64, scratch_operands = 0 : i64, tpu.core_type = #tpu.core_type<tc>, window_params = [{transform_indices = @transform_0, window_bounds = array<i64: 2048, 128>}, {pipeline_mode = #tpu.pipeline_mode<synchronous>, transform_indices = @transform_1, window_bounds = array<i64: 1, 128>}, {pipeline_mode = #tpu.pipeline_mode<synchronous>, transform_indices = @transform_2, window_bounds = array<i64: 1, 128>}, {pipeline_mode = #tpu.pipeline_mode<synchronous>, transform_indices = @transform_3, window_bounds = array<i64: 1, 128>}, {pipeline_mode = #tpu.pipeline_mode<synchronous>, transform_indices = @transform_4, window_bounds = array<i64: 1, 128>}, {pipeline_mode = #tpu.pipeline_mode<synchronous>, transform_indices = @transform_5, window_bounds = array<i64: 256, 128>}, {pipeline_mode = #tpu.pipeline_mode<synchronous>, transform_indices = @transform_6, window_bounds = array<i64: 1, 256>}, {pipeline_mode = #tpu.pipeline_mode<synchronous>, transform_indices = @transform_7, window_bounds = array<i64: 1, 256>}, {pipeline_mode = #tpu.pipeline_mode<synchronous>, transform_indices = @transform_8, window_bounds = array<i64: 1, 256>}]} {
    %get3A = arith.constant 0 : index
    %get3A_0 = arith.constant 0 : index
    %get3A_1 = vector.load %arg2[%get3A, %get3A_0] : memref<2048x128xf32, #tpu.memory_space<vmem>>, vector<2048x128xf32>
    %get3A_2 = arith.constant 0 : index
    %get3A_3 = arith.constant 0 : index
    %get3A_4 = vector.load %arg3[%get3A_2, %get3A_3] : memref<1x128xf32, #tpu.memory_space<vmem>>, vector<1x128xf32>
    %div3A = arith.constant 1.310720e+05 : f32
    %div3A_5 = vector.broadcast %div3A : f32 to vector<1x128xf32>
    %div3A_6 = arith.divf %get3A_4, %div3A_5 : vector<1x128xf32>
    %get3A_7 = arith.constant 0 : index
    %get3A_8 = arith.constant 0 : index
    %get3A_9 = vector.load %arg4[%get3A_7, %get3A_8] : memref<1x128xf32, #tpu.memory_space<vmem>>, vector<1x128xf32>
    %div3A_10 = arith.constant 1.310720e+05 : f32
    %div3A_11 = vector.broadcast %div3A_10 : f32 to vector<1x128xf32>
    %div3A_12 = arith.divf %get3A_9, %div3A_11 : vector<1x128xf32>
    %mul3A = arith.mulf %div3A_6, %div3A_6 : vector<1x128xf32>
    %sub3A = arith.subf %div3A_12, %mul3A : vector<1x128xf32>
    %add3A = arith.constant 9.99999974E-6 : f32
    %add3A_13 = vector.broadcast %add3A : f32 to vector<1x128xf32>
    %add3A_14 = arith.addf %sub3A, %add3A_13 : vector<1x128xf32>
    %rsqrt3A = math.rsqrt %add3A_14 : vector<1x128xf32>
    %get3A_15 = arith.constant 0 : index
    %get3A_16 = arith.constant 0 : index
    %get3A_17 = vector.load %arg5[%get3A_15, %get3A_16] : memref<1x128xf32, #tpu.memory_space<vmem>>, vector<1x128xf32>
    %mul3A_18 = arith.mulf %rsqrt3A, %get3A_17 : vector<1x128xf32>
    %sub3A_19 = vector.broadcast %div3A_6 : vector<1x128xf32> to vector<2048x128xf32>
    %sub3A_20 = arith.subf %get3A_1, %sub3A_19 : vector<2048x128xf32>
    %mul3A_21 = vector.broadcast %mul3A_18 : vector<1x128xf32> to vector<2048x128xf32>
    %mul3A_22 = arith.mulf %sub3A_20, %mul3A_21 : vector<2048x128xf32>
    %get3A_23 = arith.constant 0 : index
    %get3A_24 = arith.constant 0 : index
    %get3A_25 = vector.load %arg6[%get3A_23, %get3A_24] : memref<1x128xf32, #tpu.memory_space<vmem>>, vector<1x128xf32>
    %add3A_26 = vector.broadcast %get3A_25 : vector<1x128xf32> to vector<2048x128xf32>
    %add3A_27 = arith.addf %mul3A_22, %add3A_26 : vector<2048x128xf32>
    %max3A = arith.constant 0.000000e+00 : f32
    %max3A_28 = vector.broadcast %max3A : f32 to vector<2048x128xf32>
    %max3A_29 = arith.maximumf %add3A_27, %max3A_28 : vector<2048x128xf32>
    %get3A_30 = arith.constant 0 : index
    %get3A_31 = arith.constant 0 : index
    %get3A_32 = vector.load %arg7[%get3A_30, %get3A_31] : memref<256x128xf32, #tpu.memory_space<vmem>>, vector<256x128xf32>
    %dot_general3A = arith.constant dense<0.000000e+00> : vector<2048x256xf32>
    %dot_general3A_33 = tpu.matmul %max3A_29, %get3A_32, %dot_general3A {dimension_numbers = #tpu.dot_dimension_numbers<[1], [1], [0], [0], [0, 0, 1, 0], [], []>, transpose_lhs_hint = false} : vector<2048x128xf32>, vector<256x128xf32>, vector<2048x256xf32> -> vector<2048x256xf32>
    %get3A_34 = arith.constant 0 : index
    %get3A_35 = arith.constant 0 : index
    %get3A_36 = vector.load %arg8[%get3A_34, %get3A_35] : memref<1x256xf32, #tpu.memory_space<vmem>>, vector<1x256xf32>
    %add3A_37 = vector.broadcast %get3A_36 : vector<1x256xf32> to vector<2048x256xf32>
    %add3A_38 = arith.addf %dot_general3A_33, %add3A_37 : vector<2048x256xf32>
    %eq3A = arith.constant 0 : i32
    %eq3A_39 = arith.cmpi eq, %arg0, %eq3A : i32
    %eq3A_40 = arith.constant 0 : i32
    %eq3A_41 = arith.cmpi eq, %arg1, %eq3A_40 : i32
    %and3A = arith.andi %eq3A_39, %eq3A_41 : i1
    %convert_element_type3A = arith.extui %and3A : i1 to i32
    %cond3A = arith.constant 0 : i32
    %cond3A_42 = arith.cmpi ne, %convert_element_type3A, %cond3A : i32
    scf.if %cond3A_42 {
      %broadcast_in_dim3A_61 = arith.constant 0.000000e+00 : f32
      %broadcast_in_dim3A_62 = vector.broadcast %broadcast_in_dim3A_61 : f32 to vector<1x256xf32>
      %swap3A_63 = arith.constant 0 : index
      %swap3A_64 = arith.constant 0 : index
      %swap3A_65 = vector.load %arg9[%swap3A_63, %swap3A_64] : memref<1x256xf32, #tpu.memory_space<vmem>>, vector<1x256xf32>
      tpu.vector_store %arg9[%swap3A_63, %swap3A_64], %broadcast_in_dim3A_62 {strides = array<i32>} : memref<1x256xf32, #tpu.memory_space<vmem>>, vector<1x256xf32>,
      %broadcast_in_dim3A_66 = arith.constant 0.000000e+00 : f32
      %broadcast_in_dim3A_67 = vector.broadcast %broadcast_in_dim3A_66 : f32 to vector<1x256xf32>
      %swap3A_68 = arith.constant 0 : index
      %swap3A_69 = arith.constant 0 : index
      %swap3A_70 = vector.load %arg10[%swap3A_68, %swap3A_69] : memref<1x256xf32, #tpu.memory_space<vmem>>, vector<1x256xf32>
      tpu.vector_store %arg10[%swap3A_68, %swap3A_69], %broadcast_in_dim3A_67 {strides = array<i32>} : memref<1x256xf32, #tpu.memory_space<vmem>>, vector<1x256xf32>,
    } else {
    }
    %get3A_43 = arith.constant 0 : index
    %get3A_44 = arith.constant 0 : index
    %get3A_45 = vector.load %arg9[%get3A_43, %get3A_44] : memref<1x256xf32, #tpu.memory_space<vmem>>, vector<1x256xf32>
    %reduce_sum3A = arith.constant dense<0.000000e+00> : vector<256xf32>
    %reduce_sum3A_46 = vector.multi_reduction <add>, %add3A_38, %reduce_sum3A [0] : vector<2048x256xf32> to vector<256xf32>
    %broadcast_in_dim3A = vector.shape_cast %reduce_sum3A_46 : vector<256xf32> to vector<1x256xf32>
    %add3A_47 = arith.addf %get3A_45, %broadcast_in_dim3A : vector<1x256xf32>
    %swap3A = arith.constant 0 : index
    %swap3A_48 = arith.constant 0 : index
    %swap3A_49 = vector.load %arg9[%swap3A, %swap3A_48] : memref<1x256xf32, #tpu.memory_space<vmem>>, vector<1x256xf32>
    tpu.vector_store %arg9[%swap3A, %swap3A_48], %add3A_47 {strides = array<i32>} : memref<1x256xf32, #tpu.memory_space<vmem>>, vector<1x256xf32>,
    %get3A_50 = arith.constant 0 : index
    %get3A_51 = arith.constant 0 : index
    %get3A_52 = vector.load %arg10[%get3A_50, %get3A_51] : memref<1x256xf32, #tpu.memory_space<vmem>>, vector<1x256xf32>
    %mul3A_53 = arith.mulf %add3A_38, %add3A_38 : vector<2048x256xf32>
    %reduce_sum3A_54 = arith.constant dense<0.000000e+00> : vector<256xf32>
    %reduce_sum3A_55 = vector.multi_reduction <add>, %mul3A_53, %reduce_sum3A_54 [0] : vector<2048x256xf32> to vector<256xf32>
    %broadcast_in_dim3A_56 = vector.shape_cast %reduce_sum3A_55 : vector<256xf32> to vector<1x256xf32>
    %add3A_57 = arith.addf %get3A_52, %broadcast_in_dim3A_56 : vector<1x256xf32>
    %swap3A_58 = arith.constant 0 : index
    %swap3A_59 = arith.constant 0 : index
    %swap3A_60 = vector.load %arg10[%swap3A_58, %swap3A_59] : memref<1x256xf32, #tpu.memory_space<vmem>>, vector<1x256xf32>
    tpu.vector_store %arg10[%swap3A_58, %swap3A_59], %add3A_57 {strides = array<i32>} : memref<1x256xf32, #tpu.memory_space<vmem>>, vector<1x256xf32>,
    return
  }
  func.func @transform_0(%arg0: i32, %arg1: i32) -> (i32, i32) {
    %mul3A = arith.constant 8 : i32
    %mul3A_0 = arith.muli %arg0, %mul3A : i32
    %add3A = arith.addi %mul3A_0, %arg1 : i32
    %c0_i32 = arith.constant 0 : i32
    %c0_i32_1 = arith.constant 0 : i32
    return %add3A, %c0_i32 : i32, i32
  }
  func.func @transform_1(%arg0: i32, %arg1: i32) -> (i32, i32) {
    %c0_i32 = arith.constant 0 : i32
    %c0_i32_0 = arith.constant 0 : i32
    %c0_i32_1 = arith.constant 0 : i32
    return %c0_i32, %c0_i32_0 : i32, i32
  }
  func.func @transform_2(%arg0: i32, %arg1: i32) -> (i32, i32) {
    %c0_i32 = arith.constant 0 : i32
    %c0_i32_0 = arith.constant 0 : i32
    %c0_i32_1 = arith.constant 0 : i32
    return %c0_i32, %c0_i32_0 : i32, i32
  }
  func.func @transform_3(%arg0: i32, %arg1: i32) -> (i32, i32) {
    %c0_i32 = arith.constant 0 : i32
    %c0_i32_0 = arith.constant 0 : i32
    %c0_i32_1 = arith.constant 0 : i32
    return %c0_i32, %c0_i32_0 : i32, i32
  }
  func.func @transform_4(%arg0: i32, %arg1: i32) -> (i32, i32) {
    %c0_i32 = arith.constant 0 : i32
    %c0_i32_0 = arith.constant 0 : i32
    %c0_i32_1 = arith.constant 0 : i32
    return %c0_i32, %c0_i32_0 : i32, i32
  }
  func.func @transform_5(%arg0: i32, %arg1: i32) -> (i32, i32) {
    %c0_i32 = arith.constant 0 : i32
    %c0_i32_0 = arith.constant 0 : i32
    %c0_i32_1 = arith.constant 0 : i32
    return %c0_i32, %c0_i32_0 : i32, i32
  }
  func.func @transform_6(%arg0: i32, %arg1: i32) -> (i32, i32) {
    %c0_i32 = arith.constant 0 : i32
    %c0_i32_0 = arith.constant 0 : i32
    %c0_i32_1 = arith.constant 0 : i32
    return %c0_i32, %c0_i32_0 : i32, i32
  }
  func.func @transform_7(%arg0: i32, %arg1: i32) -> (i32, i32) {
    %c0_i32 = arith.constant 0 : i32
    %c0_i32_0 = arith.constant 0 : i32
    %c0_i32_1 = arith.constant 0 : i32
    return %c0_i32, %c0_i32_0 : i32, i32
  }
  func.func @transform_8(%arg0: i32, %arg1: i32) -> (i32, i32) {
    %c0_i32 = arith.constant 0 : i32
    %c0_i32_0 = arith.constant 0 : i32
    %c0_i32_1 = arith.constant 0 : i32
    return %c0_i32, %c0_i32_0 : i32, i32
  }
}

module attributes {stable_mosaic.version = 14 : i64} {
  func.func @_out_body(%arg0: i32, %arg1: i32, %arg2: memref<2048x128xf32, #tpu.memory_space<vmem>>, %arg3: memref<1x128xf32, #tpu.memory_space<vmem>>, %arg4: memref<1x128xf32, #tpu.memory_space<vmem>>, %arg5: memref<1x128xf32, #tpu.memory_space<vmem>>, %arg6: memref<1x128xf32, #tpu.memory_space<vmem>>, %arg7: memref<256x128xf32, #tpu.memory_space<vmem>>, %arg8: memref<1x256xf32, #tpu.memory_space<vmem>>, %arg9: memref<1x256xf32, #tpu.memory_space<vmem>>, %arg10: memref<1x256xf32, #tpu.memory_space<vmem>>, %arg11: memref<1x256xf32, #tpu.memory_space<vmem>>, %arg12: memref<1x256xf32, #tpu.memory_space<vmem>>, %arg13: memref<2048x256xf32, #tpu.memory_space<vmem>>, %arg14: memref<1x128x256xf32, #tpu.memory_space<vmem>>) attributes {dimension_semantics = [#tpu.dimension_semantics<arbitrary>, #tpu.dimension_semantics<arbitrary>], iteration_bounds = array<i64: 8, 8>, scalar_prefetch = 0 : i64, scratch_operands = 0 : i64, tpu.core_type = #tpu.core_type<tc>, window_params = [{transform_indices = @transform_0, window_bounds = array<i64: 2048, 128>}, {pipeline_mode = #tpu.pipeline_mode<synchronous>, transform_indices = @transform_1, window_bounds = array<i64: 1, 128>}, {pipeline_mode = #tpu.pipeline_mode<synchronous>, transform_indices = @transform_2, window_bounds = array<i64: 1, 128>}, {pipeline_mode = #tpu.pipeline_mode<synchronous>, transform_indices = @transform_3, window_bounds = array<i64: 1, 128>}, {pipeline_mode = #tpu.pipeline_mode<synchronous>, transform_indices = @transform_4, window_bounds = array<i64: 1, 128>}, {pipeline_mode = #tpu.pipeline_mode<synchronous>, transform_indices = @transform_5, window_bounds = array<i64: 256, 128>}, {pipeline_mode = #tpu.pipeline_mode<synchronous>, transform_indices = @transform_6, window_bounds = array<i64: 1, 256>}, {pipeline_mode = #tpu.pipeline_mode<synchronous>, transform_indices = @transform_7, window_bounds = array<i64: 1, 256>}, {pipeline_mode = #tpu.pipeline_mode<synchronous>, transform_indices = @transform_8, window_bounds = array<i64: 1, 256>}, {pipeline_mode = #tpu.pipeline_mode<synchronous>, transform_indices = @transform_9, window_bounds = array<i64: 1, 256>}, {pipeline_mode = #tpu.pipeline_mode<synchronous>, transform_indices = @transform_10, window_bounds = array<i64: 1, 256>}, {transform_indices = @transform_11, window_bounds = array<i64: 2048, 256>}, {transform_indices = @transform_12, window_bounds = array<i64: 1, 128, 256>}]} {
    %get3A = arith.constant 0 : index
    %get3A_0 = arith.constant 0 : index
    %get3A_1 = vector.load %arg2[%get3A, %get3A_0] : memref<2048x128xf32, #tpu.memory_space<vmem>>, vector<2048x128xf32>
    %get3A_2 = arith.constant 0 : index
    %get3A_3 = arith.constant 0 : index
    %get3A_4 = vector.load %arg3[%get3A_2, %get3A_3] : memref<1x128xf32, #tpu.memory_space<vmem>>, vector<1x128xf32>
    %div3A = arith.constant 1.310720e+05 : f32
    %div3A_5 = vector.broadcast %div3A : f32 to vector<1x128xf32>
    %div3A_6 = arith.divf %get3A_4, %div3A_5 : vector<1x128xf32>
    %get3A_7 = arith.constant 0 : index
    %get3A_8 = arith.constant 0 : index
    %get3A_9 = vector.load %arg4[%get3A_7, %get3A_8] : memref<1x128xf32, #tpu.memory_space<vmem>>, vector<1x128xf32>
    %div3A_10 = arith.constant 1.310720e+05 : f32
    %div3A_11 = vector.broadcast %div3A_10 : f32 to vector<1x128xf32>
    %div3A_12 = arith.divf %get3A_9, %div3A_11 : vector<1x128xf32>
    %mul3A = arith.mulf %div3A_6, %div3A_6 : vector<1x128xf32>
    %sub3A = arith.subf %div3A_12, %mul3A : vector<1x128xf32>
    %add3A = arith.constant 9.99999974E-6 : f32
    %add3A_13 = vector.broadcast %add3A : f32 to vector<1x128xf32>
    %add3A_14 = arith.addf %sub3A, %add3A_13 : vector<1x128xf32>
    %rsqrt3A = math.rsqrt %add3A_14 : vector<1x128xf32>
    %get3A_15 = arith.constant 0 : index
    %get3A_16 = arith.constant 0 : index
    %get3A_17 = vector.load %arg5[%get3A_15, %get3A_16] : memref<1x128xf32, #tpu.memory_space<vmem>>, vector<1x128xf32>
    %mul3A_18 = arith.mulf %rsqrt3A, %get3A_17 : vector<1x128xf32>
    %sub3A_19 = vector.broadcast %div3A_6 : vector<1x128xf32> to vector<2048x128xf32>
    %sub3A_20 = arith.subf %get3A_1, %sub3A_19 : vector<2048x128xf32>
    %mul3A_21 = vector.broadcast %mul3A_18 : vector<1x128xf32> to vector<2048x128xf32>
    %mul3A_22 = arith.mulf %sub3A_20, %mul3A_21 : vector<2048x128xf32>
    %get3A_23 = arith.constant 0 : index
    %get3A_24 = arith.constant 0 : index
    %get3A_25 = vector.load %arg6[%get3A_23, %get3A_24] : memref<1x128xf32, #tpu.memory_space<vmem>>, vector<1x128xf32>
    %add3A_26 = vector.broadcast %get3A_25 : vector<1x128xf32> to vector<2048x128xf32>
    %add3A_27 = arith.addf %mul3A_22, %add3A_26 : vector<2048x128xf32>
    %max3A = arith.constant 0.000000e+00 : f32
    %max3A_28 = vector.broadcast %max3A : f32 to vector<2048x128xf32>
    %max3A_29 = arith.maximumf %add3A_27, %max3A_28 : vector<2048x128xf32>
    %get3A_30 = arith.constant 0 : index
    %get3A_31 = arith.constant 0 : index
    %get3A_32 = vector.load %arg7[%get3A_30, %get3A_31] : memref<256x128xf32, #tpu.memory_space<vmem>>, vector<256x128xf32>
    %dot_general3A = arith.constant dense<0.000000e+00> : vector<2048x256xf32>
    %dot_general3A_33 = tpu.matmul %max3A_29, %get3A_32, %dot_general3A {dimension_numbers = #tpu.dot_dimension_numbers<[1], [1], [0], [0], [0, 0, 1, 0], [], []>, transpose_lhs_hint = false} : vector<2048x128xf32>, vector<256x128xf32>, vector<2048x256xf32> -> vector<2048x256xf32>
    %get3A_34 = arith.constant 0 : index
    %get3A_35 = arith.constant 0 : index
    %get3A_36 = vector.load %arg8[%get3A_34, %get3A_35] : memref<1x256xf32, #tpu.memory_space<vmem>>, vector<1x256xf32>
    %add3A_37 = vector.broadcast %get3A_36 : vector<1x256xf32> to vector<2048x256xf32>
    %add3A_38 = arith.addf %dot_general3A_33, %add3A_37 : vector<2048x256xf32>
    %get3A_39 = arith.constant 0 : index
    %get3A_40 = arith.constant 0 : index
    %get3A_41 = vector.load %arg9[%get3A_39, %get3A_40] : memref<1x256xf32, #tpu.memory_space<vmem>>, vector<1x256xf32>
    %div3A_42 = arith.constant 1.310720e+05 : f32
    %div3A_43 = vector.broadcast %div3A_42 : f32 to vector<1x256xf32>
    %div3A_44 = arith.divf %get3A_41, %div3A_43 : vector<1x256xf32>
    %get3A_45 = arith.constant 0 : index
    %get3A_46 = arith.constant 0 : index
    %get3A_47 = vector.load %arg10[%get3A_45, %get3A_46] : memref<1x256xf32, #tpu.memory_space<vmem>>, vector<1x256xf32>
    %div3A_48 = arith.constant 1.310720e+05 : f32
    %div3A_49 = vector.broadcast %div3A_48 : f32 to vector<1x256xf32>
    %div3A_50 = arith.divf %get3A_47, %div3A_49 : vector<1x256xf32>
    %mul3A_51 = arith.mulf %div3A_44, %div3A_44 : vector<1x256xf32>
    %sub3A_52 = arith.subf %div3A_50, %mul3A_51 : vector<1x256xf32>
    %add3A_53 = arith.constant 9.99999974E-6 : f32
    %add3A_54 = vector.broadcast %add3A_53 : f32 to vector<1x256xf32>
    %add3A_55 = arith.addf %sub3A_52, %add3A_54 : vector<1x256xf32>
    %rsqrt3A_56 = math.rsqrt %add3A_55 : vector<1x256xf32>
    %get3A_57 = arith.constant 0 : index
    %get3A_58 = arith.constant 0 : index
    %get3A_59 = vector.load %arg11[%get3A_57, %get3A_58] : memref<1x256xf32, #tpu.memory_space<vmem>>, vector<1x256xf32>
    %mul3A_60 = arith.mulf %rsqrt3A_56, %get3A_59 : vector<1x256xf32>
    %sub3A_61 = vector.broadcast %div3A_44 : vector<1x256xf32> to vector<2048x256xf32>
    %sub3A_62 = arith.subf %add3A_38, %sub3A_61 : vector<2048x256xf32>
    %mul3A_63 = vector.broadcast %mul3A_60 : vector<1x256xf32> to vector<2048x256xf32>
    %mul3A_64 = arith.mulf %sub3A_62, %mul3A_63 : vector<2048x256xf32>
    %get3A_65 = arith.constant 0 : index
    %get3A_66 = arith.constant 0 : index
    %get3A_67 = vector.load %arg12[%get3A_65, %get3A_66] : memref<1x256xf32, #tpu.memory_space<vmem>>, vector<1x256xf32>
    %add3A_68 = vector.broadcast %get3A_67 : vector<1x256xf32> to vector<2048x256xf32>
    %add3A_69 = arith.addf %mul3A_64, %add3A_68 : vector<2048x256xf32>
    %max3A_70 = arith.constant 0.000000e+00 : f32
    %max3A_71 = vector.broadcast %max3A_70 : f32 to vector<2048x256xf32>
    %max3A_72 = arith.maximumf %add3A_69, %max3A_71 : vector<2048x256xf32>
    %swap3A = arith.constant 0 : index
    %swap3A_73 = arith.constant 0 : index
    %swap3A_74 = vector.load %arg13[%swap3A, %swap3A_73] : memref<2048x256xf32, #tpu.memory_space<vmem>>, vector<2048x256xf32>
    tpu.vector_store %arg13[%swap3A, %swap3A_73], %max3A_72 {strides = array<i32>} : memref<2048x256xf32, #tpu.memory_space<vmem>>, vector<2048x256xf32>,
    %reshape3A = vector.shape_cast %max3A_72 : vector<2048x256xf32> to vector<128x16x256xf32>
    %reduce_max3A = arith.constant dense<0xFF800000> : vector<128x256xf32>
    %reduce_max3A_75 = vector.multi_reduction <maximumf>, %reshape3A, %reduce_max3A [1] : vector<128x16x256xf32> to vector<128x256xf32>
    %swap3A_76 = arith.constant 0 : index
    %swap3A_77 = arith.constant 0 : index
    %swap3A_78 = arith.constant 0 : index
    %swap3A_79 = vector.load %arg14[%swap3A_76, %swap3A_77, %swap3A_78] : memref<1x128x256xf32, #tpu.memory_space<vmem>>, vector<1x128x256xf32>
    %swap3A_80 = vector.shape_cast %swap3A_79 : vector<1x128x256xf32> to vector<128x256xf32>
    %swap3A_81 = vector.shape_cast %reduce_max3A_75 : vector<128x256xf32> to vector<1x128x256xf32>
    tpu.vector_store %arg14[%swap3A_76, %swap3A_77, %swap3A_78], %swap3A_81 {strides = array<i32>} : memref<1x128x256xf32, #tpu.memory_space<vmem>>, vector<1x128x256xf32>,
    return
  }
  func.func @transform_0(%arg0: i32, %arg1: i32) -> (i32, i32) {
    %mul3A = arith.constant 8 : i32
    %mul3A_0 = arith.muli %arg0, %mul3A : i32
    %add3A = arith.addi %mul3A_0, %arg1 : i32
    %c0_i32 = arith.constant 0 : i32
    %c0_i32_1 = arith.constant 0 : i32
    return %add3A, %c0_i32 : i32, i32
  }
  func.func @transform_1(%arg0: i32, %arg1: i32) -> (i32, i32) {
    %c0_i32 = arith.constant 0 : i32
    %c0_i32_0 = arith.constant 0 : i32
    %c0_i32_1 = arith.constant 0 : i32
    return %c0_i32, %c0_i32_0 : i32, i32
  }
  func.func @transform_2(%arg0: i32, %arg1: i32) -> (i32, i32) {
    %c0_i32 = arith.constant 0 : i32
    %c0_i32_0 = arith.constant 0 : i32
    %c0_i32_1 = arith.constant 0 : i32
    return %c0_i32, %c0_i32_0 : i32, i32
  }
  func.func @transform_3(%arg0: i32, %arg1: i32) -> (i32, i32) {
    %c0_i32 = arith.constant 0 : i32
    %c0_i32_0 = arith.constant 0 : i32
    %c0_i32_1 = arith.constant 0 : i32
    return %c0_i32, %c0_i32_0 : i32, i32
  }
  func.func @transform_4(%arg0: i32, %arg1: i32) -> (i32, i32) {
    %c0_i32 = arith.constant 0 : i32
    %c0_i32_0 = arith.constant 0 : i32
    %c0_i32_1 = arith.constant 0 : i32
    return %c0_i32, %c0_i32_0 : i32, i32
  }
  func.func @transform_5(%arg0: i32, %arg1: i32) -> (i32, i32) {
    %c0_i32 = arith.constant 0 : i32
    %c0_i32_0 = arith.constant 0 : i32
    %c0_i32_1 = arith.constant 0 : i32
    return %c0_i32, %c0_i32_0 : i32, i32
  }
  func.func @transform_6(%arg0: i32, %arg1: i32) -> (i32, i32) {
    %c0_i32 = arith.constant 0 : i32
    %c0_i32_0 = arith.constant 0 : i32
    %c0_i32_1 = arith.constant 0 : i32
    return %c0_i32, %c0_i32_0 : i32, i32
  }
  func.func @transform_7(%arg0: i32, %arg1: i32) -> (i32, i32) {
    %c0_i32 = arith.constant 0 : i32
    %c0_i32_0 = arith.constant 0 : i32
    %c0_i32_1 = arith.constant 0 : i32
    return %c0_i32, %c0_i32_0 : i32, i32
  }
  func.func @transform_8(%arg0: i32, %arg1: i32) -> (i32, i32) {
    %c0_i32 = arith.constant 0 : i32
    %c0_i32_0 = arith.constant 0 : i32
    %c0_i32_1 = arith.constant 0 : i32
    return %c0_i32, %c0_i32_0 : i32, i32
  }
  func.func @transform_9(%arg0: i32, %arg1: i32) -> (i32, i32) {
    %c0_i32 = arith.constant 0 : i32
    %c0_i32_0 = arith.constant 0 : i32
    %c0_i32_1 = arith.constant 0 : i32
    return %c0_i32, %c0_i32_0 : i32, i32
  }
  func.func @transform_10(%arg0: i32, %arg1: i32) -> (i32, i32) {
    %c0_i32 = arith.constant 0 : i32
    %c0_i32_0 = arith.constant 0 : i32
    %c0_i32_1 = arith.constant 0 : i32
    return %c0_i32, %c0_i32_0 : i32, i32
  }
  func.func @transform_11(%arg0: i32, %arg1: i32) -> (i32, i32) {
    %mul3A = arith.constant 8 : i32
    %mul3A_0 = arith.muli %arg0, %mul3A : i32
    %add3A = arith.addi %mul3A_0, %arg1 : i32
    %c0_i32 = arith.constant 0 : i32
    %c0_i32_1 = arith.constant 0 : i32
    return %add3A, %c0_i32 : i32, i32
  }
  func.func @transform_12(%arg0: i32, %arg1: i32) -> (i32, i32, i32) {
    %c0_i32 = arith.constant 0 : i32
    %c0_i32_0 = arith.constant 0 : i32
    return %arg0, %arg1, %c0_i32 : i32, i32, i32
  }
}

</mosaic_0001>

<sc_bundles>
// kernel: kernel.9.cloned.1.call-start
scs
__scs_entry_jumppad:
0x0: {  	(pc) =	sbr.rel $0x88, $3  }
0x1: {  	(tag) =	ssettag $0x0;
	lr =	simm.s32 $0x1  }
0x2: {  	[smem:$0x3F97] =	sst lr;
	_ =	strace $0xD0000000  }
0x3: {  	_ = 	snop  }
0x4: {  	_ = 	snop  }
0x5: {  	_ = 	snop  }
0x6: {  	_ = 	snop  }
0x7: {  	_ = 	snop  }
__scs_overlays_trampoline_lowered:
0x8: {  	[smem:$0x3FA6] =	sst s0  }
0x9: {  	[smem:$0x3FA7] =	sst s1  }
0xa: {  	[smem:$0x3FA8] =	sst s2  }
0xb: {  	[smem:$0x3FA9] =	sst s3  }
0xc: {  	[smem:$0x3FAA] =	sst s4  }
0xd: {  	[smem:$0x3FAB] =	sst s5  }
0xe: {  	[smem:$0x3FAC] =	sst s6  }
0xf: {  	[smem:$0x3FAD] =	sst s7  }
0x10: {  	[smem:$0x3FAE] =	sst s8  }
0x11: {  	[smem:$0x3FAF] =	sst s9;
	s0 =	simm.s32 @!p0 $0x0  }
0x12: {  	s1 =	sld [smem:$0x3F95];
	s0 =	simm.s32 @p0 $0x1  }
0x13: {  	[smem:$0x3FB0] =	sst s0;
	s0 =	simm.s32 @!p1 $0x0  }
0x14: {  	s2 =	sld [smem:$0x3F94];
	s0 =	simm.s32 @p1 $0x1  }
0x15: {  	[smem:$0x3FB1] =	sst s0;
	s0 =	simm.s32 @!p2 $0x0  }
0x16: {  	s3 =	sld [smem:$0x3FDB];
	s0 =	simm.s32 @p2 $0x1  }
0x17: {  	s4 =	simm.s32 $0x1BF5;
	[smem:$0x3FB3] =	sst s0  }
0x18: {  	s0 =	sld [smem:$0x3F96];
	_ =	swait.ge [sflag:s4], $0x0  }
0x19: {  	s7 =	sld [smem:$0x3F97]  }
0x1a: {  	s8 =	sadd.s32 $0xFFFFE003, lr  }
0x1b: {  	s9 =	sadd.s32 $0xFFFFFEF7, lr;
	s5 =	simm.s32 $0xFFFFFFFF;
	p2 =	slt.u32 s8, $0xFFFFF086  }
0x1c: {  	p1 =	slt.u32 s9, $0xF7A;
	s5 =	simm.s32 @!p2 $0x0  }
0x1d: {  	s5 =	simm.s32 @p1 $0x1;
	p0 =	seq.s32 s7, s2  }
0x1e: {  	s7 =	smul.u32 @!p0 $0xF7A, s2;
	p2 =	seq.s32 @!p0 s5, $0x0  }
0x1f: {  	s9 =	smul.u32 $0xF7A, s1;
	s8 =	simm.s32 @!p0 $0x1BF5;
	p2 =	por !p2, p0  }
0x20: {  	[sflag:s8] =	ssyncset.s32 @!p0 $0xFFFFF086;
	s6 =	sadd.s32 @!p0 s3, s7;
	s7 =	simm.s32 @!p0 $0x108  }
0x21: {  	s3 =	sadd.s32 s3, s9;
	s6 =	sadd.s32 @!p0 $0x88, s6;
	s7 =	simm.s32 @p2 $0x1082  }
0x22: {  	[simem:s7], [sflag:s8] =	dma.local @!p0 [hbm:s6], $0xF7A  }
0x23: {  	s9 =	sor.u32 $0xD0000000, s2;
	s6 =	simm.s32 $0x108;
	_ =	swait.ge @!p0 [sflag:s8], $0x0  }
0x24: {  	s3 =	sadd.s32 $0x88, s3;
	s6 =	simm.s32 @!p1 $0x1082;
	[sflag:s4] =	ssyncset.s32 $0xFFFFF086  }
0x25: {  	[simem:s6], [sflag:s4] =	dma.local [hbm:s3], $0xF7A  }
0x26: {  	[smem:$0x3F97] =	sst s1;
	(tag) =	ssettag s2;
	_ =	strace s9  }
0x27: {  	s1 =	sld [smem:$0x3FA7]  }
0x28: {  	s2 =	sld [smem:$0x3FA8]  }
0x29: {  	s4 =	sld [smem:$0x3FAA]  }
0x2a: {  	p0 =	seq.s32 s5, $0x0;
	s5 =	sld [smem:$0x3FAB]  }
0x2b: {  	s6 =	sld [smem:$0x3FAC]  }
0x2c: {  	s7 =	sld [smem:$0x3FAD]  }
0x2d: {  	s3 =	simm.s32 $0x108;
	s8 =	sld [smem:$0x3FAE]  }
0x2e: {  	s3 =	simm.s32 @!p0 $0x1082;
	s9 =	sld [smem:$0x3FAF]  }
0x2f: {  	lr =	sadd.s32 s0, s3;
	s0 =	sld [smem:$0x3FA6]  }
0x30: {  	s3 =	sld [smem:$0x3FA9]  }
0x31: {  	[smem:$0x3FB2] =	sst s10  }
0x32: {  	s10 =	sld [smem:$0x3FB0];
	_ =	sdelay $0x3  }
0x33: {  	p0 =	seq.s32 s10, $0x1;
	s10 =	sld [smem:$0x3FB2];
	_ =	sdelay $0x3  }
0x34: {  	[smem:$0x3FB2] =	sst s10  }
0x35: {  	s10 =	sld [smem:$0x3FB1];
	_ =	sdelay $0x3  }
0x36: {  	p1 =	seq.s32 s10, $0x1;
	s10 =	sld [smem:$0x3FB2];
	_ =	sdelay $0x3  }
0x37: {  	[smem:$0x3FB2] =	sst s10  }
0x38: {  	s10 =	sld [smem:$0x3FB3]  }
0x39: {  	_ = 	snop;
	(pc) =	sbr.ind lr, $3  }
0x3a: {  	_ = 	snop  }
0x3b: {  	_ = 	snop  }
0x3c: {  	p2 =	seq.s32 s10, $0x1;
	s10 =	sld [smem:$0x3FB2]  }
0x3d: {  	_ =	shalt  }
0x3e: {  	_ =	shalt  }
0x3f: {  	_ =	shalt  }
0x40: {  	_ =	shalt  }
0x41: {  	_ =	shalt  }
0x42: {  	_ =	shalt  }
0x43: {  	_ =	shalt  }
0x44: {  	_ =	shalt  }
0x45: {  	_ =	shalt  }
0x46: {  	_ =	shalt  }
0x47: {  	_ =	shalt  }
0x48: {  	_ =	shalt  }
0x49: {  	_ =	shalt  }
0x4a: {  	_ =	shalt  }
0x4b: {  	_ =	shalt  }
0x4c: {  	_ =	shalt  }
0x4d: {  	_ =	shalt  }
0x4e: {  	_ =	shalt  }
0x4f: {  	_ =	shalt  }
0x50: {  	_ =	shalt  }
0x51: {  	_ =	shalt  }
0x52: {  	_ =	shalt  }
0x53: {  	_ =	shalt  }
0x54: {  	_ =	shalt  }
0x55: {  	_ =	shalt  }
0x56: {  	_ =	shalt  }
0x57: {  	_ =	shalt  }
0x58: {  	_ =	shalt  }
0x59: {  	_ =	shalt  }
0x5a: {  	_ =	shalt  }
0x5b: {  	_ =	shalt  }
0x5c: {  	_ =	shalt  }
0x5d: {  	_ =	shalt  }
0x5e: {  	_ =	shalt  }
0x5f: {  	_ =	shalt  }
0x60: {  	_ =	shalt  }
0x61: {  	_ =	shalt  }
0x62: {  	_ =	shalt  }
0x63: {  	_ =	shalt  }
0x64: {  	_ =	shalt  }
0x65: {  	_ =	shalt  }
0x66: {  	_ =	shalt  }
0x67: {  	_ =	shalt  }
0x68: {  	_ =	shalt  }
0x69: {  	_ =	shalt  }
0x6a: {  	_ =	shalt  }
0x6b: {  	_ =	shalt  }
0x6c: {  	_ =	shalt  }
0x6d: {  	_ =	shalt  }
0x6e: {  	_ =	shalt  }
0x6f: {  	_ =	shalt  }
0x70: {  	_ =	shalt  }
0x71: {  	_ =	shalt  }
0x72: {  	_ =	shalt  }
0x73: {  	_ =	shalt  }
0x74: {  	_ =	shalt  }
0x75: {  	_ =	shalt  }
0x76: {  	_ =	shalt  }
0x77: {  	_ =	shalt  }
0x78: {  	_ =	shalt  }
0x79: {  	_ =	shalt  }
0x7a: {  	_ =	shalt  }
0x7b: {  	_ =	shalt  }
0x7c: {  	_ =	shalt  }
0x7d: {  	_ =	shalt  }
0x7e: {  	_ =	shalt  }
0x7f: {  	_ =	shalt  }
0x80: {  	_ =	shalt  }
0x81: {  	_ =	shalt  }
0x82: {  	_ =	shalt  }
0x83: {  	_ =	shalt  }
0x84: {  	_ =	shalt  }
0x85: {  	_ =	shalt  }
0x86: {  	_ =	shalt  }
0x87: {  	_ =	shalt  }
.Lfunc_end0:
.L_simem_size_0:
called_computation.1_lowered:
.L_overlay_start_0:
0x88: {  	s2 =	sld [smem:$0x3FD9]  }
0x89: {  	s3 =	sld [smem:$0x3FFE];
	_ =	sdelay $0x1  }
0x8a: {  	s1 =	srdreg.scid  }
0x8b: {  	s0 =	sand.u32 $0x1, s1  }
0x8c: {  	s14 =	sshll.u32 s0, $0xA;
	s2 =	sadd.s32 s3, s2  }
0x8d: {  	s2 =	sadd.s32 s2, s14  }
0x8e: {  	[smem:$0x3FBE] =	sst s2  }
0x8f: {  	_ = 	snop  }
0x90: {  	s2 =	sld [smem:$0x3FD0];
	_ =	sdelay $0x2  }
0x91: {  	s15 =	simm.s32 $0xA;
	s4 =	simm.s32 $0x10  }
0x92: {  	[smem:s4], [sflag:s15] =	dma.local [hbm:s2], $0x1  }
0x93: {  	_ =	swait.eq [sflag:s15], $0x1  }
0x94: {  	s16 =	sld [smem:$0x11];
	[sflag:s15] =	ssyncset.done $0x0  }
0x95: {  	s17 =	sld [smem:$0x12];
	[sflag:s15] =	ssyncadd.s32 $0xFFFFFFFF  }
0x96: {  	s18 =	sld [smem:$0x13];
	(tm) =	ssettm $0x1  }
0x97: {  	s5 =	sld [smem:$0x3FFB];
	_ =	sdelay $0x3  }
0x98: {  	_ =	strace s5  }
0x99: {  	s5 =	sld [smem:$0x3FFC];
	_ =	sdelay $0x3  }
0x9a: {  	_ =	strace s5  }
0x9b: {  	s5 =	sld [smem:$0x3FFD];
	_ =	sdelay $0x3  }
0x9c: {  	_ =	strace s5  }
0x9d: {  	_ =	strace $0x8FFFFFFF  }
0x9e: {  	s19 =	sld [smem:$0x3FDB];
	_ =	sdelay $0x1  }
0x9f: {  	s6 =	simm.s32 $_scs_section_size  }
0xa0: {  	s7 =	simm.s32 $_size__tile_overlayer_lowered;
	s8 =	simm.s32 $_tile_overlayer_lowered  }
0xa1: {  	s22 =	simm.s32 $0x1BFF;
	s21 =	sshll.u32 s8, $0x1;
	s5 =	sadd.s32 s6, s19  }
0xa2: {  	s9 =	simm.s32 $0x0;
	s20 =	sshll.u32 s7, $0x1;
	s7 =	sadd.s32 s21, s5  }
0xa3: {  	[timem:s9], [sflag:s22] =	dma.local [hbm:s7], s20  }
0xa4: {  	_ =	swait.ge [sflag:s22], s20  }
0xa5: {  	s6 =	ssub.s32 $0x0, s20;
	[sflag:s22] =	ssyncset.done $0x0  }
0xa6: {  	[sflag:s22] =	ssyncadd.s32 s6;
	_ =	sdelay $0x1  }
0xa7: {  	s23 =	simm.s32 $0x1B8B  }
0xa8: {  	_ =	swait.ge [sflag:s23], $0x1  }
0xa9: {  	[sflag:s23] =	ssyncset.done $0x0  }
0xaa: {  	s25 =	simm.s32 $0x1B8E;
	s24 =	sld [smem:$0x3FFE];
	[sflag:s23] =	ssyncadd.s32 $0xFFFFFFFF  }
0xab: {  	s26 =	simm.s32 $execute0_lowered;
	[smem:$0x3FD2] =	sst s25  }
0xac: {  	s7 =	sshll.u32 s26, $0x1;
	_ =	strace $0x80000046;
	[dreg:$0x1] =	wrdreg $0xFFFFFFFF  }
0xad: {  	s28 =	simm.s32 $_size_execute0_lowered;
	s5 =	sadd.s32 s5, s7;
	[dreg:$0x0] =	wrdreg $0x0  }
0xae: {  	s7 =	sshll.u32 s28, $0x1;
	[dreg:$0x2] =	wrdreg s5  }
0xaf: {  	[dreg:$0x3] =	wrdreg s7  }
0xb0: {  	[dreg:$0x4] =	wrdreg $0xC0  }
0xb1: {  	_ =	task [dreg:s9], $0x5FFFF  }
0xb2: {  	[dreg:$0x1] =	wrdreg $0xFFFFFFFF  }
0xb3: {  	[dreg:$0x0] =	wrdreg $0x60  }
0xb4: {  	[dreg:$0x2] =	wrdreg s18  }
0xb5: {  	[dreg:$0x3] =	wrdreg s17  }
0xb6: {  	[dreg:$0x4] =	wrdreg s24  }
0xb7: {  	[dreg:$0x5] =	wrdreg s16  }
0xb8: {  	[dreg:$0x6] =	wrdreg $0x9  }
0xb9: {  	_ =	task.clear_ibuf [dreg:s9], $0x7FFFF;
	_ =	strace $0x90000046  }
0xba: {  	s29 =	simm.s32 $0x9;
	_ =	strace $0x80000048  }
0xbb: {  	_ =	swait.ge [sflag:s29], $0x1  }
0xbc: {  	[sflag:s29] =	ssyncadd.s32 $0xFFFFFFFF  }
0xbd: {  	_ =	strace $0x90000048  }
0xbe: {  	_ =	sfence  }
0xbf: {  	s30 =	sld [smem:$0x0];
	_ =	sdelay $0x2  }
0xc0: {  	s31 =	sshll.u32 s1, $0xD;
	s1 =	sshrl.u32 s1, $0x2  }
0xc1: {  	s3 =	sand.u32 $0x4000, s31;
	s1 =	sadd.s32 s1, s30  }
0xc2: {  	s0 =	sor.u32 s3, s0;
	s1 =	sshll.u32 s1, $0x11  }
0xc3: {  	s0 =	sor.u32 s1, s0  }
0xc4: {  	s0 =	sadd.s32 $0x8F2B, s0  }
0xc5: {  	[sflag:s0] =	ssyncadd.remote.s32 $0x1  }
0xc6: {  	_ =	sfence.sel $0xFFFF  }
0xc7: {  	[dreg:$0x0] =	wrdreg $0xFFFFFFFF;
	(pc) =	sbr.abs _section_cstart, $3  }
0xc8: {  	[dreg:$0x1] =	wrdreg $0xFFFFFFFF  }
0xc9: {  	_ =	task.clear_ibuf [dreg:s9], $0x2FFFF;
	_ =	strace $0x9FFFFFFF  }
0xca: {  	(tm) =	ssettm $0x7FFFFFFF  }
0xcb: {  	_ =	shalt  }
tec
execute0_lowered:
.L_overlay_start_1:
0x0: {  	(tag) =	ssettag $0x1  }
0x1: {  	s0 =	rddreg [dreg:$0x1]  }
0x2: {  	s1 =	rddreg [dreg:$0x2]  }
0x3: {  	s2 =	rddreg [dreg:$0x3];
	s4 =	srdreg.scid  }
0x4: {  	s10 =	stileid.u32;
	s28 =	simm.s32 $0x0;
	s3 =	sadd.s32 $0x3E00, s1  }
0x5: {  	s5 =	sadd.s32 $0x36E00, s1;
	s4 =	sand.u32 $0x1, s4;
	s6 =	sadd.s32 $0x3AE00, s1  }
0x6: {  	s8 =	sshrl.u32 s10, $0x1;
	s10 =	sshll.u32 s10, $0x1;
	[smem:$0x7FF] =	sst s28  }
0x7: {  	s7 =	ssub.s32 $0x2, s4;
	s11 =	smul.u32 $0x3000, s8;
	s4 =	sor.u32 s4, s10  }
0x8: {  	s18 =	smul.u32 $0x600, s8;
	s9 =	sshrl.u32 s7, $0x1;
	s12 =	sshll.u32 s4, $0x9  }
0x9: {  	s10 =	sshll.u32 s4, $0xC;
	s9 =	ssub.s32 s7, s9;
	s0 =	sadd.s32 s0, s12  }
0xa: {  	s11 =	sshrl.u32 s11, $0x3;
	s19 =	sadd.s32 s3, s18;
	[dreg:$0x5] =	wrdreg s0  }
0xb: {  	s20 =	sadd.s32 s2, s12;
	s21 =	sadd.s32 s5, s12;
	[dreg:$0x6] =	wrdreg s19  }
0xc: {  	s22 =	sadd.s32 s6, s12;
	s14 =	sor.u32 $0x800, s10;
	[dreg:$0x7] =	wrdreg s20  }
0xd: {  	s7 =	sadd.s32 s3, s11;
	[dreg:$0x8] =	wrdreg s21;
	s18 =	sshrl.u32 s14, $0x3  }
0xe: {  	s0 =	sor.u32 $0x200, s10;
	[dreg:$0x9] =	wrdreg s22;
	s19 =	sadd.s32 s2, s18  }
0xf: {  	s23 =	sshrl.u32 s0, $0x3;
	s20 =	sadd.s32 s5, s18;
	[dreg:$0x13] =	wrdreg s19  }
0x10: {  	s11 =	sor.u32 $0x400, s10;
	s24 =	sadd.s32 s2, s23;
	[dreg:$0x14] =	wrdreg s20  }
0x11: {  	s21 =	sor.u32 $0xA00, s10;
	s25 =	sadd.s32 s5, s23;
	[dreg:$0xa] =	wrdreg s24  }
0x12: {  	s26 =	sshrl.u32 s11, $0x3;
	s3 =	sadd.s32 s6, s23;
	[dreg:$0xb] =	wrdreg s25  }
0x13: {  	s22 =	sshrl.u32 s21, $0x3;
	s15 =	sadd.s32 s2, s26;
	[dreg:$0xc] =	wrdreg s3  }
0x14: {  	s0 =	sshll.u32 s0, $0x4;
	s13 =	sadd.s32 s5, s26;
	[dreg:$0xd] =	wrdreg s15  }
0x15: {  	s21 =	sshll.u32 s21, $0x4;
	s12 =	sadd.s32 s6, s26;
	[dreg:$0xe] =	wrdreg s13  }
0x16: {  	s23 =	sadd.s32 s5, s22;
	s20 =	sshll.u32 s14, $0x4;
	[dreg:$0xf] =	wrdreg s12  }
0x17: {  	s3 =	sor.u32 $0x600, s10;
	s12 =	sadd.s32 s6, s18;
	[dreg:$0x17] =	wrdreg s23  }
0x18: {  	s14 =	simm.s32 $0x1000;
	s16 =	sshrl.u32 s3, $0x3;
	[dreg:$0x15] =	wrdreg s12  }
0x19: {  	s19 =	sshll.u32 s3, $0x4;
	s3 =	rddreg [dreg:$0x0];
	s17 =	sadd.s32 s2, s16  }
0x1a: {  	s18 =	sshll.u32 s11, $0x4;
	s15 =	sadd.s32 s5, s16;
	[dreg:$0x10] =	wrdreg s17  }
0x1b: {  	s11 =	simm.s32 $0x12000;
	s13 =	sadd.s32 s6, s16;
	[dreg:$0x11] =	wrdreg s15  }
0x1c: {  	s12 =	simm.s32 $0x13000;
	s16 =	sadd.s32 s2, s22;
	[dreg:$0x12] =	wrdreg s13  }
0x1d: {  	s13 =	sor.u32 $0xC00, s10;
	[dreg:$0x16] =	wrdreg s16;
	s15 =	sadd.s32 s6, s22  }
0x1e: {  	s10 =	sor.u32 $0xE00, s10;
	s24 =	sshrl.u32 s13, $0x3;
	[dreg:$0x18] =	wrdreg s15  }
0x1f: {  	s26 =	sshrl.u32 s10, $0x3;
	s22 =	sshll.u32 s13, $0x4;
	s23 =	sshll.u32 s10, $0x4  }
0x20: {  	s10 =	simm.s32 $0x11000;
	s13 =	simm.s32 $0x200;
	s25 =	sadd.s32 s2, s24  }
0x21: {  	s15 =	simm.s32 $0x1;
	s17 =	sadd.s32 s5, s24;
	[dreg:$0x19] =	wrdreg s25  }
0x22: {  	s16 =	sadd.s32 s6, s24;
	s2 =	sadd.s32 s2, s26;
	[dreg:$0x1a] =	wrdreg s17  }
0x23: {  	s24 =	sshll.u32 s8, $0xC;
	s8 =	smax.u32 s9, $0x1;
	[dreg:$0x1b] =	wrdreg s16  }
0x24: {  	s9 =	simm.s32 $0x2;
	[dreg:$0x1c] =	wrdreg s2;
	s25 =	sadd.s32 s5, s26  }
0x25: {  	s26 =	sadd.s32 s6, s26;
	s16 =	sadd.s32 $0x3EE00, s1;
	s17 =	sshll.u32 s4, $0x10  }
0x26: {  	s6 =	sadd.s32 $0x200, s7;
	s7 =	sadd.s32 $0x400, s7;
	s29 =	sadd.s32 s16, s17  }
0x27: {  	s30 =	sadd.s32 s16, s0;
	s31 =	sadd.s32 s16, s18;
	s0 =	sadd.s32 s16, s19  }
0x28: {  	s1 =	sadd.s32 s16, s20;
	s2 =	sadd.s32 s16, s21;
	s4 =	sadd.s32 s16, s22  }
0x29: {  	v0 =	vmov s24;
	s5 =	sadd.s32 s16, s23;
	_ =	strace $0x80000047;
	s16 =	simm.s32 $0x0  }
.LBB2_1:
0x2a: {  	s17 =	rddreg [dreg:$0x5]  }
0x2b: {  	[tilespmem:s28], [sflag:$0x2] =	stream.linear.gather [hbm4b:s17+s28], $0x1000, $0x38;
	[tilespmem:$0x14600] =	vst v63  }
0x2c: {  	_ =	swait.ge [sflag:s9], $0x1000  }
0x2d: {  	[sflag:s9] =	ssyncset.done $0x0  }
0x2e: {  	s24 =	rddreg [dreg:$0x6];
	[sflag:s9] =	ssyncadd.s32 $0xFFFFF000  }
0x2f: {  	[tilespmem:s10], [sflag:$0x2] =	stream.linear.gather [hbm4b:s24+s28], $0x1000, $0x38;
	[tilespmem:$0x14600] =	vst v63  }
0x30: {  	_ =	swait.ge [sflag:s9], $0x1000  }
0x31: {  	[sflag:s9] =	ssyncset.done $0x0  }
0x32: {  	[sflag:s9] =	ssyncadd.s32 $0xFFFFF000  }
0x33: {  	[tilespmem:s11], [sflag:$0x2] =	stream.linear.gather [hbm4b:s6+s28], $0x1000, $0x38;
	[tilespmem:$0x14600] =	vst v63  }
0x34: {  	_ =	swait.ge [sflag:s9], $0x1000  }
0x35: {  	[sflag:s9] =	ssyncset.done $0x0  }
0x36: {  	[sflag:s9] =	ssyncadd.s32 $0xFFFFF000  }
0x37: {  	[tilespmem:s12], [sflag:$0x2] =	stream.linear.gather [hbm4b:s7+s28], $0x1000, $0x38;
	[tilespmem:$0x14600] =	vst v63  }
0x38: {  	_ =	swait.ge [sflag:s9], $0x1000  }
0x39: {  	[sflag:s9] =	ssyncset.done $0x0  }
0x3a: {  	s17 =	simm.s32 $0x0;
	[sflag:s9] =	ssyncadd.s32 $0xFFFFF000  }
0x3b: {  	[tilespmem:s14], [sflag:$0x1] =	stream.indirect.gather [hbm4b:s3+s13], $0x80, s28, s13, $0xb8;
	[tilespmem:$0x14600] =	vst v63  }
0x3c: {  	v1 =	vld [tilespmem:s17+$0x0];
	_ =	sdelay $0x4  }
0x3d: {  	v2 =	vsub.s32 v1, v0  }
0x3e: {  	v1 =	vand.u32 $0x7F, v1;
	v2 =	vand.u32 $0xFFFFFF80, v2  }
0x3f: {  	v1 =	vor.u32 v1, v2;
	_ =	sdelay $0x4  }
0x40: {  	v2 =	vld.idx.msk [tilespmem:v1+s10+$0x0], $0xffff;
	_ =	sdelay $0x4  }
0x41: {  	[tilespmem:s17+$0x14000] =	vst v2  }
0x42: {  	s18 =	simm.s32 $0x10;
	s19 =	simm.s32 $0x80;
	v2 =	vld.idx.msk [tilespmem:v1+s11+$0x0], $0xffff  }
.LBB2_2:
0x43: {  	p0 =	sne.s32 s19, $0x7C0;
	v3 =	vld [tilespmem:s18+$0x0];
	_ =	sdelay $0x3  }
0x44: {  	[tilespmem:s17+$0x14200] =	vst v2  }
0x45: {  	v2 =	vsub.s32 v3, v0;
	v4 =	vld.idx.msk [tilespmem:v1+s12+$0x0], $0xffff  }
0x46: {  	v1 =	vand.u32 $0xFFFFFF80, v2;
	v2 =	vand.u32 $0x7F, v3  }
0x47: {  	v1 =	vor.u32 v2, v1;
	_ =	sdelay $0x3  }
0x48: {  	[tilespmem:s17+$0x14400] =	vst v4;
	s17 =	smov.u32 s18  }
0x49: {  	v2 =	vld.idx.msk [tilespmem:v1+s10+$0x0], $0xffff;
	_ =	sdelay $0x3  }
.Ltmp0:
0x4a: {  	(pc) =	sbr.rel @p0 .LBB2_2-.Ltmp0, $4  }
0x4b: {  	_ = 	snop  }
0x4c: {  	[tilespmem:s17+$0x14000] =	vst v2  }
0x4d: {  	v2 =	vld.idx.msk [tilespmem:v1+s11+$0x0], $0xffff  }
0x4e: {  	s18 =	sshra.s32 s19, $0x2;
	s19 =	sadd.s32 $0x40, s19  }
0x4f: {  	v3 =	vld [tilespmem:s18+$0x0];
	_ =	sdelay $0x4  }
0x50: {  	[tilespmem:s17+$0x14200] =	vst v2;
	v2 =	vsub.s32 v3, v0  }
0x51: {  	v1 =	vld.idx.msk [tilespmem:v1+s12+$0x0], $0xffff;
	v3 =	vand.u32 $0x7F, v3;
	v2 =	vand.u32 $0xFFFFFF80, v2  }
0x52: {  	v2 =	vor.u32 v3, v2;
	_ =	sdelay $0x3  }
0x53: {  	[tilespmem:s17+$0x14400] =	vst v1  }
0x54: {  	v1 =	vld.idx.msk [tilespmem:v2+s10+$0x0], $0xffff;
	_ =	sdelay $0x4  }
0x55: {  	[tilespmem:s18+$0x14000] =	vst v1  }
0x56: {  	v1 =	vld.idx.msk [tilespmem:v2+s11+$0x0], $0xffff;
	_ =	sdelay $0x4  }
0x57: {  	[tilespmem:s18+$0x14200] =	vst v1  }
0x58: {  	v1 =	vld.idx.msk [tilespmem:v2+s12+$0x0], $0xffff;
	_ =	sdelay $0x4  }
0x59: {  	s19 =	simm.s32 $0x0;
	s23 =	rddreg [dreg:$0x7];
	s17 =	simm.s32 $0x14000;
	[tilespmem:s18+$0x14400] =	vst v1  }
0x5a: {  	[hbm4b:s23+s19] =	stream.linear.scatter [tilespmem:s17], [sflag:$0x2], $0x200, $0x38;
	[tilespmem:$0x14600] =	vst v63  }
0x5b: {  	_ =	swait.ge [sflag:s9], $0x200  }
0x5c: {  	[sflag:s9] =	ssyncset.done $0x0  }
0x5d: {  	s20 =	simm.s32 $0x14200;
	s24 =	rddreg [dreg:$0x8];
	[sflag:s9] =	ssyncadd.s32 $0xFFFFFE00  }
0x5e: {  	[hbm4b:s24+s19] =	stream.linear.scatter [tilespmem:s20], [sflag:$0x2], $0x200, $0x38;
	[tilespmem:$0x14600] =	vst v63  }
0x5f: {  	_ =	swait.ge [sflag:s9], $0x200  }
0x60: {  	[sflag:s9] =	ssyncset.done $0x0  }
0x61: {  	s18 =	simm.s32 $0x14400;
	s21 =	rddreg [dreg:$0x9];
	[sflag:s9] =	ssyncadd.s32 $0xFFFFFE00  }
0x62: {  	[hbm4b:s21+s19] =	stream.linear.scatter [tilespmem:s18], [sflag:$0x2], $0x200, $0x38;
	[tilespmem:$0x14600] =	vst v63  }
0x63: {  	_ =	swait.ge [sflag:s9], $0x200  }
0x64: {  	[sflag:s9] =	ssyncset.done $0x0  }
0x65: {  	[sflag:s9] =	ssyncadd.s32 $0xFFFFFE00  }
0x66: {  	_ =	swait.ge [sflag:s15], $0x10000  }
0x67: {  	[sflag:s15] =	ssyncset.done $0x0  }
0x68: {  	[sflag:s15] =	ssyncadd.s32 $0xFFFF0000  }
0x69: {  	[hbm4b:s29+s19] =	stream.linear.scatter [tilespmem:s14], [sflag:$0x2], $0x10000, $0x38;
	[tilespmem:$0x14600] =	vst v63  }
0x6a: {  	_ =	swait.ge [sflag:s9], $0x10000  }
0x6b: {  	[sflag:s9] =	ssyncset.done $0x0  }
0x6c: {  	s19 =	sand.u32 $0x1F0, s19;
	[sflag:s9] =	ssyncadd.s32 $0xFFFF0000  }
0x6d: {  	[tilespmem:s14], [sflag:$0x1] =	stream.indirect.gather [hbm4b:s3+s13], $0x80, s13, s13, $0xb8;
	[tilespmem:$0x14600] =	vst v63  }
0x6e: {  	v1 =	vld [tilespmem:s19+$0x200];
	_ =	sdelay $0x4  }
0x6f: {  	v2 =	vsub.s32 v1, v0  }
0x70: {  	v1 =	vand.u32 $0x7F, v1;
	v2 =	vand.u32 $0xFFFFFF80, v2  }
0x71: {  	v1 =	vor.u32 v1, v2;
	_ =	sdelay $0x4  }
0x72: {  	v2 =	vld.idx.msk [tilespmem:v1+s10+$0x0], $0xffff;
	_ =	sdelay $0x4  }
0x73: {  	[tilespmem:s17+$0x0] =	vst v2  }
0x74: {  	v2 =	vld.idx.msk [tilespmem:v1+s11+$0x0], $0xffff;
	_ =	sdelay $0x4  }
0x75: {  	[tilespmem:s20+$0x0] =	vst v2  }
0x76: {  	v1 =	vld.idx.msk [tilespmem:v1+s12+$0x0], $0xffff;
	_ =	sdelay $0x1  }
0x77: {  	s22 =	simm.s32 $0x20  }
0x78: {  	s21 =	simm.s32 $0x10;
	s19 =	simm.s32 $0x14410;
	s20 =	simm.s32 $0x14210  }
.LBB2_4:
0x79: {  	s23 =	sand.u32 $0x1F0, s21;
	s17 =	sadd.s32 $0x10, s17  }
0x7a: {  	[tilespmem:s18+$0x0] =	vst v1;
	s21 =	smov.u32 s22;
	s24 =	sadd.s32 $0x10, s22;
	s18 =	smov.u32 s19  }
0x7b: {  	p0 =	sne.s32 s22, $0x1F0;
	v1 =	vld [tilespmem:s23+$0x200];
	_ =	sdelay $0x4  }
0x7c: {  	v2 =	vsub.s32 v1, v0  }
0x7d: {  	v1 =	vand.u32 $0x7F, v1;
	v2 =	vand.u32 $0xFFFFFF80, v2  }
0x7e: {  	v1 =	vor.u32 v1, v2;
	_ =	sdelay $0x4  }
0x7f: {  	v2 =	vld.idx.msk [tilespmem:v1+s10+$0x0], $0xffff;
	_ =	sdelay $0x5  }
0x80: {  	[tilespmem:s17+$0x0] =	vst v2  }
0x81: {  	v2 =	vld.idx.msk [tilespmem:v1+s11+$0x0], $0xffff;
	_ =	sdelay $0x5  }
0x82: {  	[tilespmem:s20+$0x0] =	vst v2  }
0x83: {  	v1 =	vld.idx.msk [tilespmem:v1+s12+$0x0], $0xffff  }
.Ltmp1:
0x84: {  	(pc) =	sbr.rel @p0 .LBB2_4-.Ltmp1, $2  }
0x85: {  	_ =	sdelay $0x2  }
0x86: {  	s19 =	sadd.s32 $0x10, s19;
	s22 =	smov.u32 s24;
	s20 =	sadd.s32 $0x10, s20  }
0x87: {  	s21 =	sand.u32 $0x1F0, s21;
	[tilespmem:s18+$0x0] =	vst v1  }
0x88: {  	v1 =	vld [tilespmem:s21+$0x200];
	_ =	sdelay $0x4  }
0x89: {  	v2 =	vsub.s32 v1, v0  }
0x8a: {  	v1 =	vand.u32 $0x7F, v1;
	v2 =	vand.u32 $0xFFFFFF80, v2  }
0x8b: {  	v1 =	vor.u32 v1, v2;
	_ =	sdelay $0x4  }
0x8c: {  	v2 =	vld.idx.msk [tilespmem:v1+s10+$0x0], $0xffff;
	_ =	sdelay $0x3  }
0x8d: {  	s17 =	sadd.s32 $0x10, s17  }
0x8e: {  	[tilespmem:s17+$0x0] =	vst v2  }
0x8f: {  	v2 =	vld.idx.msk [tilespmem:v1+s11+$0x0], $0xffff;
	_ =	sdelay $0x4  }
0x90: {  	[tilespmem:s20+$0x0] =	vst v2  }
0x91: {  	v1 =	vld.idx.msk [tilespmem:v1+s12+$0x0], $0xffff;
	_ =	sdelay $0x4  }
0x92: {  	s21 =	rddreg [dreg:$0xa];
	s17 =	simm.s32 $0x14000;
	[tilespmem:s19+$0x0] =	vst v1;
	s19 =	simm.s32 $0x0  }
0x93: {  	[hbm4b:s21+s19] =	stream.linear.scatter [tilespmem:s17], [sflag:$0x2], $0x200, $0x38;
	[tilespmem:$0x14600] =	vst v63  }
0x94: {  	_ =	swait.ge [sflag:s9], $0x200  }
0x95: {  	[sflag:s9] =	ssyncset.done $0x0  }
0x96: {  	s20 =	simm.s32 $0x14200;
	s22 =	rddreg [dreg:$0xb];
	[sflag:s9] =	ssyncadd.s32 $0xFFFFFE00  }
0x97: {  	[hbm4b:s22+s19] =	stream.linear.scatter [tilespmem:s20], [sflag:$0x2], $0x200, $0x38;
	[tilespmem:$0x14600] =	vst v63  }
0x98: {  	_ =	swait.ge [sflag:s9], $0x200  }
0x99: {  	[sflag:s9] =	ssyncset.done $0x0  }
0x9a: {  	s18 =	simm.s32 $0x14400;
	s23 =	rddreg [dreg:$0xc];
	[sflag:s9] =	ssyncadd.s32 $0xFFFFFE00  }
0x9b: {  	[hbm4b:s23+s19] =	stream.linear.scatter [tilespmem:s18], [sflag:$0x2], $0x200, $0x38;
	[tilespmem:$0x14600] =	vst v63  }
0x9c: {  	_ =	swait.ge [sflag:s9], $0x200  }
0x9d: {  	[sflag:s9] =	ssyncset.done $0x0  }
0x9e: {  	[sflag:s9] =	ssyncadd.s32 $0xFFFFFE00  }
0x9f: {  	_ =	swait.ge [sflag:s15], $0x10000  }
0xa0: {  	[sflag:s15] =	ssyncset.done $0x0  }
0xa1: {  	[sflag:s15] =	ssyncadd.s32 $0xFFFF0000  }
0xa2: {  	[hbm4b:s30+s19] =	stream.linear.scatter [tilespmem:s14], [sflag:$0x2], $0x10000, $0x38;
	[tilespmem:$0x14600] =	vst v63  }
0xa3: {  	_ =	swait.ge [sflag:s9], $0x10000  }
0xa4: {  	[sflag:s9] =	ssyncset.done $0x0  }
0xa5: {  	s24 =	simm.s32 $0x400;
	s19 =	sand.u32 $0x1F0, s19;
	[sflag:s9] =	ssyncadd.s32 $0xFFFF0000  }
0xa6: {  	[tilespmem:s14], [sflag:$0x1] =	stream.indirect.gather [hbm4b:s3+s13], $0x80, s24, s13, $0xb8;
	[tilespmem:$0x14600] =	vst v63  }
0xa7: {  	v1 =	vld [tilespmem:s19+$0x400];
	_ =	sdelay $0x4  }
0xa8: {  	v2 =	vsub.s32 v1, v0  }
0xa9: {  	v1 =	vand.u32 $0x7F, v1;
	v2 =	vand.u32 $0xFFFFFF80, v2  }
0xaa: {  	v1 =	vor.u32 v1, v2;
	_ =	sdelay $0x4  }
0xab: {  	v2 =	vld.idx.msk [tilespmem:v1+s10+$0x0], $0xffff;
	_ =	sdelay $0x4  }
0xac: {  	[tilespmem:s17+$0x0] =	vst v2  }
0xad: {  	v2 =	vld.idx.msk [tilespmem:v1+s11+$0x0], $0xffff;
	_ =	sdelay $0x4  }
0xae: {  	[tilespmem:s20+$0x0] =	vst v2  }
0xaf: {  	v1 =	vld.idx.msk [tilespmem:v1+s12+$0x0], $0xffff;
	_ =	sdelay $0x1  }
0xb0: {  	s21 =	simm.s32 $0x10  }
0xb1: {  	s22 =	simm.s32 $0x20;
	s19 =	simm.s32 $0x14410;
	s20 =	simm.s32 $0x14210  }
.LBB2_6:
0xb2: {  	s23 =	sand.u32 $0x1F0, s21;
	s17 =	sadd.s32 $0x10, s17  }
0xb3: {  	[tilespmem:s18+$0x0] =	vst v1;
	s21 =	smov.u32 s22;
	s24 =	sadd.s32 $0x10, s22;
	s18 =	smov.u32 s19  }
0xb4: {  	p0 =	sne.s32 s22, $0x1F0;
	v1 =	vld [tilespmem:s23+$0x400];
	_ =	sdelay $0x4  }
0xb5: {  	v2 =	vsub.s32 v1, v0  }
0xb6: {  	v1 =	vand.u32 $0x7F, v1;
	v2 =	vand.u32 $0xFFFFFF80, v2  }
0xb7: {  	v1 =	vor.u32 v1, v2;
	_ =	sdelay $0x4  }
0xb8: {  	v2 =	vld.idx.msk [tilespmem:v1+s10+$0x0], $0xffff;
	_ =	sdelay $0x5  }
0xb9: {  	[tilespmem:s17+$0x0] =	vst v2  }
0xba: {  	v2 =	vld.idx.msk [tilespmem:v1+s11+$0x0], $0xffff;
	_ =	sdelay $0x5  }
0xbb: {  	[tilespmem:s20+$0x0] =	vst v2  }
0xbc: {  	v1 =	vld.idx.msk [tilespmem:v1+s12+$0x0], $0xffff  }
.Ltmp2:
0xbd: {  	(pc) =	sbr.rel @p0 .LBB2_6-.Ltmp2, $2  }
0xbe: {  	_ =	sdelay $0x2  }
0xbf: {  	s19 =	sadd.s32 $0x10, s19;
	s22 =	smov.u32 s24;
	s20 =	sadd.s32 $0x10, s20  }
0xc0: {  	s21 =	sand.u32 $0x1F0, s21;
	[tilespmem:s18+$0x0] =	vst v1  }
0xc1: {  	v1 =	vld [tilespmem:s21+$0x400];
	_ =	sdelay $0x4  }
0xc2: {  	v2 =	vsub.s32 v1, v0  }
0xc3: {  	v1 =	vand.u32 $0x7F, v1;
	v2 =	vand.u32 $0xFFFFFF80, v2  }
0xc4: {  	v1 =	vor.u32 v1, v2;
	_ =	sdelay $0x4  }
0xc5: {  	v2 =	vld.idx.msk [tilespmem:v1+s10+$0x0], $0xffff;
	_ =	sdelay $0x3  }
0xc6: {  	s17 =	sadd.s32 $0x10, s17  }
0xc7: {  	[tilespmem:s17+$0x0] =	vst v2  }
0xc8: {  	v2 =	vld.idx.msk [tilespmem:v1+s11+$0x0], $0xffff;
	_ =	sdelay $0x4  }
0xc9: {  	[tilespmem:s20+$0x0] =	vst v2  }
0xca: {  	v1 =	vld.idx.msk [tilespmem:v1+s12+$0x0], $0xffff;
	_ =	sdelay $0x4  }
0xcb: {  	s21 =	rddreg [dreg:$0xd];
	s17 =	simm.s32 $0x14000;
	[tilespmem:s19+$0x0] =	vst v1;
	s19 =	simm.s32 $0x0  }
0xcc: {  	[hbm4b:s21+s19] =	stream.linear.scatter [tilespmem:s17], [sflag:$0x2], $0x200, $0x38;
	[tilespmem:$0x14600] =	vst v63  }
0xcd: {  	_ =	swait.ge [sflag:s9], $0x200  }
0xce: {  	[sflag:s9] =	ssyncset.done $0x0  }
0xcf: {  	s20 =	simm.s32 $0x14200;
	s22 =	rddreg [dreg:$0xe];
	[sflag:s9] =	ssyncadd.s32 $0xFFFFFE00  }
0xd0: {  	[hbm4b:s22+s19] =	stream.linear.scatter [tilespmem:s20], [sflag:$0x2], $0x200, $0x38;
	[tilespmem:$0x14600] =	vst v63  }
0xd1: {  	_ =	swait.ge [sflag:s9], $0x200  }
0xd2: {  	[sflag:s9] =	ssyncset.done $0x0  }
0xd3: {  	s18 =	simm.s32 $0x14400;
	s23 =	rddreg [dreg:$0xf];
	[sflag:s9] =	ssyncadd.s32 $0xFFFFFE00  }
0xd4: {  	[hbm4b:s23+s19] =	stream.linear.scatter [tilespmem:s18], [sflag:$0x2], $0x200, $0x38;
	[tilespmem:$0x14600] =	vst v63  }
0xd5: {  	_ =	swait.ge [sflag:s9], $0x200  }
0xd6: {  	[sflag:s9] =	ssyncset.done $0x0  }
0xd7: {  	[sflag:s9] =	ssyncadd.s32 $0xFFFFFE00  }
0xd8: {  	_ =	swait.ge [sflag:s15], $0x10000  }
0xd9: {  	[sflag:s15] =	ssyncset.done $0x0  }
0xda: {  	[sflag:s15] =	ssyncadd.s32 $0xFFFF0000  }
0xdb: {  	[hbm4b:s31+s19] =	stream.linear.scatter [tilespmem:s14], [sflag:$0x2], $0x10000, $0x38;
	[tilespmem:$0x14600] =	vst v63  }
0xdc: {  	_ =	swait.ge [sflag:s9], $0x10000  }
0xdd: {  	[sflag:s9] =	ssyncset.done $0x0  }
0xde: {  	s24 =	simm.s32 $0x600;
	s19 =	sand.u32 $0x1F0, s19;
	[sflag:s9] =	ssyncadd.s32 $0xFFFF0000  }
0xdf: {  	[tilespmem:s14], [sflag:$0x1] =	stream.indirect.gather [hbm4b:s3+s13], $0x80, s24, s13, $0xb8;
	[tilespmem:$0x14600] =	vst v63  }
0xe0: {  	v1 =	vld [tilespmem:s19+$0x600];
	_ =	sdelay $0x4  }
0xe1: {  	v2 =	vsub.s32 v1, v0  }
0xe2: {  	v1 =	vand.u32 $0x7F, v1;
	v2 =	vand.u32 $0xFFFFFF80, v2  }
0xe3: {  	v1 =	vor.u32 v1, v2;
	_ =	sdelay $0x4  }
0xe4: {  	v2 =	vld.idx.msk [tilespmem:v1+s10+$0x0], $0xffff;
	_ =	sdelay $0x4  }
0xe5: {  	[tilespmem:s17+$0x0] =	vst v2  }
0xe6: {  	v2 =	vld.idx.msk [tilespmem:v1+s11+$0x0], $0xffff;
	_ =	sdelay $0x4  }
0xe7: {  	[tilespmem:s20+$0x0] =	vst v2  }
0xe8: {  	v1 =	vld.idx.msk [tilespmem:v1+s12+$0x0], $0xffff;
	_ =	sdelay $0x1  }
0xe9: {  	s21 =	simm.s32 $0x10  }
0xea: {  	s22 =	simm.s32 $0x20;
	s19 =	simm.s32 $0x14410;
	s20 =	simm.s32 $0x14210  }
.LBB2_8:
0xeb: {  	s23 =	sand.u32 $0x1F0, s21;
	s17 =	sadd.s32 $0x10, s17  }
0xec: {  	[tilespmem:s18+$0x0] =	vst v1;
	s21 =	smov.u32 s22;
	s24 =	sadd.s32 $0x10, s22;
	s18 =	smov.u32 s19  }
0xed: {  	p0 =	sne.s32 s22, $0x1F0;
	v1 =	vld [tilespmem:s23+$0x600];
	_ =	sdelay $0x4  }
0xee: {  	v2 =	vsub.s32 v1, v0  }
0xef: {  	v1 =	vand.u32 $0x7F, v1;
	v2 =	vand.u32 $0xFFFFFF80, v2  }
0xf0: {  	v1 =	vor.u32 v1, v2;
	_ =	sdelay $0x4  }
0xf1: {  	v2 =	vld.idx.msk [tilespmem:v1+s10+$0x0], $0xffff;
	_ =	sdelay $0x5  }
0xf2: {  	[tilespmem:s17+$0x0] =	vst v2  }
0xf3: {  	v2 =	vld.idx.msk [tilespmem:v1+s11+$0x0], $0xffff;
	_ =	sdelay $0x5  }
0xf4: {  	[tilespmem:s20+$0x0] =	vst v2  }
0xf5: {  	v1 =	vld.idx.msk [tilespmem:v1+s12+$0x0], $0xffff  }
.Ltmp3:
0xf6: {  	(pc) =	sbr.rel @p0 .LBB2_8-.Ltmp3, $2  }
0xf7: {  	_ =	sdelay $0x2  }
0xf8: {  	s19 =	sadd.s32 $0x10, s19;
	s22 =	smov.u32 s24;
	s20 =	sadd.s32 $0x10, s20  }
0xf9: {  	s21 =	sand.u32 $0x1F0, s21;
	[tilespmem:s18+$0x0] =	vst v1  }
0xfa: {  	v1 =	vld [tilespmem:s21+$0x600];
	_ =	sdelay $0x4  }
0xfb: {  	v2 =	vsub.s32 v1, v0  }
0xfc: {  	v1 =	vand.u32 $0x7F, v1;
	v2 =	vand.u32 $0xFFFFFF80, v2  }
0xfd: {  	v1 =	vor.u32 v1, v2;
	_ =	sdelay $0x4  }
0xfe: {  	v2 =	vld.idx.msk [tilespmem:v1+s10+$0x0], $0xffff;
	_ =	sdelay $0x3  }
0xff: {  	s17 =	sadd.s32 $0x10, s17  }
0x100: {  	[tilespmem:s17+$0x0] =	vst v2  }
0x101: {  	v2 =	vld.idx.msk [tilespmem:v1+s11+$0x0], $0xffff;
	_ =	sdelay $0x4  }
0x102: {  	[tilespmem:s20+$0x0] =	vst v2  }
0x103: {  	v1 =	vld.idx.msk [tilespmem:v1+s12+$0x0], $0xffff;
	_ =	sdelay $0x4  }
0x104: {  	s21 =	rddreg [dreg:$0x10];
	s17 =	simm.s32 $0x14000;
	[tilespmem:s19+$0x0] =	vst v1;
	s19 =	simm.s32 $0x0  }
0x105: {  	[hbm4b:s21+s19] =	stream.linear.scatter [tilespmem:s17], [sflag:$0x2], $0x200, $0x38;
	[tilespmem:$0x14600] =	vst v63  }
0x106: {  	_ =	swait.ge [sflag:s9], $0x200  }
0x107: {  	[sflag:s9] =	ssyncset.done $0x0  }
0x108: {  	s20 =	simm.s32 $0x14200;
	s22 =	rddreg [dreg:$0x11];
	[sflag:s9] =	ssyncadd.s32 $0xFFFFFE00  }
0x109: {  	[hbm4b:s22+s19] =	stream.linear.scatter [tilespmem:s20], [sflag:$0x2], $0x200, $0x38;
	[tilespmem:$0x14600] =	vst v63  }
0x10a: {  	_ =	swait.ge [sflag:s9], $0x200  }
0x10b: {  	[sflag:s9] =	ssyncset.done $0x0  }
0x10c: {  	s18 =	simm.s32 $0x14400;
	s23 =	rddreg [dreg:$0x12];
	[sflag:s9] =	ssyncadd.s32 $0xFFFFFE00  }
0x10d: {  	[hbm4b:s23+s19] =	stream.linear.scatter [tilespmem:s18], [sflag:$0x2], $0x200, $0x38;
	[tilespmem:$0x14600] =	vst v63  }
0x10e: {  	_ =	swait.ge [sflag:s9], $0x200  }
0x10f: {  	[sflag:s9] =	ssyncset.done $0x0  }
0x110: {  	[sflag:s9] =	ssyncadd.s32 $0xFFFFFE00  }
0x111: {  	_ =	swait.ge [sflag:s15], $0x10000  }
0x112: {  	[sflag:s15] =	ssyncset.done $0x0  }
0x113: {  	[sflag:s15] =	ssyncadd.s32 $0xFFFF0000  }
0x114: {  	[hbm4b:s0+s19] =	stream.linear.scatter [tilespmem:s14], [sflag:$0x2], $0x10000, $0x38;
	[tilespmem:$0x14600] =	vst v63  }
0x115: {  	_ =	swait.ge [sflag:s9], $0x10000  }
0x116: {  	[sflag:s9] =	ssyncset.done $0x0  }
0x117: {  	s24 =	simm.s32 $0x800;
	s19 =	sand.u32 $0x1F0, s19;
	[sflag:s9] =	ssyncadd.s32 $0xFFFF0000  }
0x118: {  	[tilespmem:s14], [sflag:$0x1] =	stream.indirect.gather [hbm4b:s3+s13], $0x80, s24, s13, $0xb8;
	[tilespmem:$0x14600] =	vst v63  }
0x119: {  	v1 =	vld [tilespmem:s19+$0x800];
	_ =	sdelay $0x4  }
0x11a: {  	v2 =	vsub.s32 v1, v0  }
0x11b: {  	v1 =	vand.u32 $0x7F, v1;
	v2 =	vand.u32 $0xFFFFFF80, v2  }
0x11c: {  	v1 =	vor.u32 v1, v2;
	_ =	sdelay $0x4  }
0x11d: {  	v2 =	vld.idx.msk [tilespmem:v1+s10+$0x0], $0xffff;
	_ =	sdelay $0x4  }
0x11e: {  	[tilespmem:s17+$0x0] =	vst v2  }
0x11f: {  	v2 =	vld.idx.msk [tilespmem:v1+s11+$0x0], $0xffff;
	_ =	sdelay $0x4  }
0x120: {  	[tilespmem:s20+$0x0] =	vst v2  }
0x121: {  	v1 =	vld.idx.msk [tilespmem:v1+s12+$0x0], $0xffff;
	_ =	sdelay $0x1  }
0x122: {  	s21 =	simm.s32 $0x10  }
0x123: {  	s22 =	simm.s32 $0x20;
	s19 =	simm.s32 $0x14410;
	s20 =	simm.s32 $0x14210  }
.LBB2_10:
0x124: {  	s23 =	sand.u32 $0x1F0, s21;
	s17 =	sadd.s32 $0x10, s17  }
0x125: {  	[tilespmem:s18+$0x0] =	vst v1;
	s21 =	smov.u32 s22;
	s24 =	sadd.s32 $0x10, s22;
	s18 =	smov.u32 s19  }
0x126: {  	p0 =	sne.s32 s22, $0x1F0;
	v1 =	vld [tilespmem:s23+$0x800];
	_ =	sdelay $0x4  }
0x127: {  	v2 =	vsub.s32 v1, v0  }
0x128: {  	v1 =	vand.u32 $0x7F, v1;
	v2 =	vand.u32 $0xFFFFFF80, v2  }
0x129: {  	v1 =	vor.u32 v1, v2;
	_ =	sdelay $0x4  }
0x12a: {  	v2 =	vld.idx.msk [tilespmem:v1+s10+$0x0], $0xffff;
	_ =	sdelay $0x5  }
0x12b: {  	[tilespmem:s17+$0x0] =	vst v2  }
0x12c: {  	v2 =	vld.idx.msk [tilespmem:v1+s11+$0x0], $0xffff;
	_ =	sdelay $0x5  }
0x12d: {  	[tilespmem:s20+$0x0] =	vst v2  }
0x12e: {  	v1 =	vld.idx.msk [tilespmem:v1+s12+$0x0], $0xffff  }
.Ltmp4:
0x12f: {  	(pc) =	sbr.rel @p0 .LBB2_10-.Ltmp4, $2  }
0x130: {  	_ =	sdelay $0x2  }
0x131: {  	s19 =	sadd.s32 $0x10, s19;
	s22 =	smov.u32 s24;
	s20 =	sadd.s32 $0x10, s20  }
0x132: {  	s21 =	sand.u32 $0x1F0, s21;
	[tilespmem:s18+$0x0] =	vst v1  }
0x133: {  	v1 =	vld [tilespmem:s21+$0x800];
	_ =	sdelay $0x4  }
0x134: {  	v2 =	vsub.s32 v1, v0  }
0x135: {  	v1 =	vand.u32 $0x7F, v1;
	v2 =	vand.u32 $0xFFFFFF80, v2  }
0x136: {  	v1 =	vor.u32 v1, v2;
	_ =	sdelay $0x4  }
0x137: {  	v2 =	vld.idx.msk [tilespmem:v1+s10+$0x0], $0xffff;
	_ =	sdelay $0x3  }
0x138: {  	s17 =	sadd.s32 $0x10, s17  }
0x139: {  	[tilespmem:s17+$0x0] =	vst v2  }
0x13a: {  	v2 =	vld.idx.msk [tilespmem:v1+s11+$0x0], $0xffff;
	_ =	sdelay $0x4  }
0x13b: {  	[tilespmem:s20+$0x0] =	vst v2  }
0x13c: {  	v1 =	vld.idx.msk [tilespmem:v1+s12+$0x0], $0xffff;
	_ =	sdelay $0x4  }
0x13d: {  	s21 =	rddreg [dreg:$0x13];
	s17 =	simm.s32 $0x14000;
	[tilespmem:s19+$0x0] =	vst v1;
	s19 =	simm.s32 $0x0  }
0x13e: {  	[hbm4b:s21+s19] =	stream.linear.scatter [tilespmem:s17], [sflag:$0x2], $0x200, $0x38;
	[tilespmem:$0x14600] =	vst v63  }
0x13f: {  	_ =	swait.ge [sflag:s9], $0x200  }
0x140: {  	[sflag:s9] =	ssyncset.done $0x0  }
0x141: {  	s20 =	simm.s32 $0x14200;
	s22 =	rddreg [dreg:$0x14];
	[sflag:s9] =	ssyncadd.s32 $0xFFFFFE00  }
0x142: {  	[hbm4b:s22+s19] =	stream.linear.scatter [tilespmem:s20], [sflag:$0x2], $0x200, $0x38;
	[tilespmem:$0x14600] =	vst v63  }
0x143: {  	_ =	swait.ge [sflag:s9], $0x200  }
0x144: {  	[sflag:s9] =	ssyncset.done $0x0  }
0x145: {  	s18 =	simm.s32 $0x14400;
	s23 =	rddreg [dreg:$0x15];
	[sflag:s9] =	ssyncadd.s32 $0xFFFFFE00  }
0x146: {  	[hbm4b:s23+s19] =	stream.linear.scatter [tilespmem:s18], [sflag:$0x2], $0x200, $0x38;
	[tilespmem:$0x14600] =	vst v63  }
0x147: {  	_ =	swait.ge [sflag:s9], $0x200  }
0x148: {  	[sflag:s9] =	ssyncset.done $0x0  }
0x149: {  	[sflag:s9] =	ssyncadd.s32 $0xFFFFFE00  }
0x14a: {  	_ =	swait.ge [sflag:s15], $0x10000  }
0x14b: {  	[sflag:s15] =	ssyncset.done $0x0  }
0x14c: {  	[sflag:s15] =	ssyncadd.s32 $0xFFFF0000  }
0x14d: {  	[hbm4b:s1+s19] =	stream.linear.scatter [tilespmem:s14], [sflag:$0x2], $0x10000, $0x38;
	[tilespmem:$0x14600] =	vst v63  }
0x14e: {  	_ =	swait.ge [sflag:s9], $0x10000  }
0x14f: {  	[sflag:s9] =	ssyncset.done $0x0  }
0x150: {  	s24 =	simm.s32 $0xA00;
	s19 =	sand.u32 $0x1F0, s19;
	[sflag:s9] =	ssyncadd.s32 $0xFFFF0000  }
0x151: {  	[tilespmem:s14], [sflag:$0x1] =	stream.indirect.gather [hbm4b:s3+s13], $0x80, s24, s13, $0xb8;
	[tilespmem:$0x14600] =	vst v63  }
0x152: {  	v1 =	vld [tilespmem:s19+$0xA00];
	_ =	sdelay $0x4  }
0x153: {  	v2 =	vsub.s32 v1, v0  }
0x154: {  	v1 =	vand.u32 $0x7F, v1;
	v2 =	vand.u32 $0xFFFFFF80, v2  }
0x155: {  	v1 =	vor.u32 v1, v2;
	_ =	sdelay $0x4  }
0x156: {  	v2 =	vld.idx.msk [tilespmem:v1+s10+$0x0], $0xffff;
	_ =	sdelay $0x4  }
0x157: {  	[tilespmem:s17+$0x0] =	vst v2  }
0x158: {  	v2 =	vld.idx.msk [tilespmem:v1+s11+$0x0], $0xffff;
	_ =	sdelay $0x4  }
0x159: {  	[tilespmem:s20+$0x0] =	vst v2  }
0x15a: {  	v1 =	vld.idx.msk [tilespmem:v1+s12+$0x0], $0xffff;
	_ =	sdelay $0x1  }
0x15b: {  	s21 =	simm.s32 $0x10  }
0x15c: {  	s22 =	simm.s32 $0x20;
	s19 =	simm.s32 $0x14410;
	s20 =	simm.s32 $0x14210  }
.LBB2_12:
0x15d: {  	s23 =	sand.u32 $0x1F0, s21;
	s17 =	sadd.s32 $0x10, s17  }
0x15e: {  	[tilespmem:s18+$0x0] =	vst v1;
	s21 =	smov.u32 s22;
	s24 =	sadd.s32 $0x10, s22;
	s18 =	smov.u32 s19  }
0x15f: {  	p0 =	sne.s32 s22, $0x1F0;
	v1 =	vld [tilespmem:s23+$0xA00];
	_ =	sdelay $0x4  }
0x160: {  	v2 =	vsub.s32 v1, v0  }
0x161: {  	v1 =	vand.u32 $0x7F, v1;
	v2 =	vand.u32 $0xFFFFFF80, v2  }
0x162: {  	v1 =	vor.u32 v1, v2;
	_ =	sdelay $0x4  }
0x163: {  	v2 =	vld.idx.msk [tilespmem:v1+s10+$0x0], $0xffff;
	_ =	sdelay $0x5  }
0x164: {  	[tilespmem:s17+$0x0] =	vst v2  }
0x165: {  	v2 =	vld.idx.msk [tilespmem:v1+s11+$0x0], $0xffff;
	_ =	sdelay $0x5  }
0x166: {  	[tilespmem:s20+$0x0] =	vst v2  }
0x167: {  	v1 =	vld.idx.msk [tilespmem:v1+s12+$0x0], $0xffff  }
.Ltmp5:
0x168: {  	(pc) =	sbr.rel @p0 .LBB2_12-.Ltmp5, $2  }
0x169: {  	_ =	sdelay $0x2  }
0x16a: {  	s19 =	sadd.s32 $0x10, s19;
	s22 =	smov.u32 s24;
	s20 =	sadd.s32 $0x10, s20  }
0x16b: {  	s21 =	sand.u32 $0x1F0, s21;
	[tilespmem:s18+$0x0] =	vst v1  }
0x16c: {  	v1 =	vld [tilespmem:s21+$0xA00];
	_ =	sdelay $0x4  }
0x16d: {  	v2 =	vsub.s32 v1, v0  }
0x16e: {  	v1 =	vand.u32 $0x7F, v1;
	v2 =	vand.u32 $0xFFFFFF80, v2  }
0x16f: {  	v1 =	vor.u32 v1, v2;
	_ =	sdelay $0x4  }
0x170: {  	v2 =	vld.idx.msk [tilespmem:v1+s10+$0x0], $0xffff;
	_ =	sdelay $0x3  }
0x171: {  	s17 =	sadd.s32 $0x10, s17  }
0x172: {  	[tilespmem:s17+$0x0] =	vst v2  }
0x173: {  	v2 =	vld.idx.msk [tilespmem:v1+s11+$0x0], $0xffff;
	_ =	sdelay $0x4  }
0x174: {  	[tilespmem:s20+$0x0] =	vst v2  }
0x175: {  	v1 =	vld.idx.msk [tilespmem:v1+s12+$0x0], $0xffff;
	_ =	sdelay $0x4  }
0x176: {  	s21 =	rddreg [dreg:$0x16];
	s17 =	simm.s32 $0x14000;
	[tilespmem:s19+$0x0] =	vst v1;
	s19 =	simm.s32 $0x0  }
0x177: {  	[hbm4b:s21+s19] =	stream.linear.scatter [tilespmem:s17], [sflag:$0x2], $0x200, $0x38;
	[tilespmem:$0x14600] =	vst v63  }
0x178: {  	_ =	swait.ge [sflag:s9], $0x200  }
0x179: {  	[sflag:s9] =	ssyncset.done $0x0  }
0x17a: {  	s20 =	simm.s32 $0x14200;
	s22 =	rddreg [dreg:$0x17];
	[sflag:s9] =	ssyncadd.s32 $0xFFFFFE00  }
0x17b: {  	[hbm4b:s22+s19] =	stream.linear.scatter [tilespmem:s20], [sflag:$0x2], $0x200, $0x38;
	[tilespmem:$0x14600] =	vst v63  }
0x17c: {  	_ =	swait.ge [sflag:s9], $0x200  }
0x17d: {  	[sflag:s9] =	ssyncset.done $0x0  }
0x17e: {  	s18 =	simm.s32 $0x14400;
	s23 =	rddreg [dreg:$0x18];
	[sflag:s9] =	ssyncadd.s32 $0xFFFFFE00  }
0x17f: {  	[hbm4b:s23+s19] =	stream.linear.scatter [tilespmem:s18], [sflag:$0x2], $0x200, $0x38;
	[tilespmem:$0x14600] =	vst v63  }
0x180: {  	_ =	swait.ge [sflag:s9], $0x200  }
0x181: {  	[sflag:s9] =	ssyncset.done $0x0  }
0x182: {  	[sflag:s9] =	ssyncadd.s32 $0xFFFFFE00  }
0x183: {  	_ =	swait.ge [sflag:s15], $0x10000  }
0x184: {  	[sflag:s15] =	ssyncset.done $0x0  }
0x185: {  	[sflag:s15] =	ssyncadd.s32 $0xFFFF0000  }
0x186: {  	[hbm4b:s2+s19] =	stream.linear.scatter [tilespmem:s14], [sflag:$0x2], $0x10000, $0x38;
	[tilespmem:$0x14600] =	vst v63  }
0x187: {  	_ =	swait.ge [sflag:s9], $0x10000  }
0x188: {  	[sflag:s9] =	ssyncset.done $0x0  }
0x189: {  	s24 =	simm.s32 $0xC00;
	s19 =	sand.u32 $0x1F0, s19;
	[sflag:s9] =	ssyncadd.s32 $0xFFFF0000  }
0x18a: {  	[tilespmem:s14], [sflag:$0x1] =	stream.indirect.gather [hbm4b:s3+s13], $0x80, s24, s13, $0xb8;
	[tilespmem:$0x14600] =	vst v63  }
0x18b: {  	v1 =	vld [tilespmem:s19+$0xC00];
	_ =	sdelay $0x4  }
0x18c: {  	v2 =	vsub.s32 v1, v0  }
0x18d: {  	v1 =	vand.u32 $0x7F, v1;
	v2 =	vand.u32 $0xFFFFFF80, v2  }
0x18e: {  	v1 =	vor.u32 v1, v2;
	_ =	sdelay $0x4  }
0x18f: {  	v2 =	vld.idx.msk [tilespmem:v1+s10+$0x0], $0xffff;
	_ =	sdelay $0x4  }
0x190: {  	[tilespmem:s17+$0x0] =	vst v2  }
0x191: {  	v2 =	vld.idx.msk [tilespmem:v1+s11+$0x0], $0xffff;
	_ =	sdelay $0x4  }
0x192: {  	[tilespmem:s20+$0x0] =	vst v2  }
0x193: {  	v1 =	vld.idx.msk [tilespmem:v1+s12+$0x0], $0xffff;
	_ =	sdelay $0x1  }
0x194: {  	s21 =	simm.s32 $0x10  }
0x195: {  	s22 =	simm.s32 $0x20;
	s19 =	simm.s32 $0x14410;
	s20 =	simm.s32 $0x14210  }
.LBB2_14:
0x196: {  	s23 =	sand.u32 $0x1F0, s21;
	s17 =	sadd.s32 $0x10, s17  }
0x197: {  	[tilespmem:s18+$0x0] =	vst v1;
	s21 =	smov.u32 s22;
	s24 =	sadd.s32 $0x10, s22;
	s18 =	smov.u32 s19  }
0x198: {  	p0 =	sne.s32 s22, $0x1F0;
	v1 =	vld [tilespmem:s23+$0xC00];
	_ =	sdelay $0x4  }
0x199: {  	v2 =	vsub.s32 v1, v0  }
0x19a: {  	v1 =	vand.u32 $0x7F, v1;
	v2 =	vand.u32 $0xFFFFFF80, v2  }
0x19b: {  	v1 =	vor.u32 v1, v2;
	_ =	sdelay $0x4  }
0x19c: {  	v2 =	vld.idx.msk [tilespmem:v1+s10+$0x0], $0xffff;
	_ =	sdelay $0x5  }
0x19d: {  	[tilespmem:s17+$0x0] =	vst v2  }
0x19e: {  	v2 =	vld.idx.msk [tilespmem:v1+s11+$0x0], $0xffff;
	_ =	sdelay $0x5  }
0x19f: {  	[tilespmem:s20+$0x0] =	vst v2  }
0x1a0: {  	v1 =	vld.idx.msk [tilespmem:v1+s12+$0x0], $0xffff  }
.Ltmp6:
0x1a1: {  	(pc) =	sbr.rel @p0 .LBB2_14-.Ltmp6, $2  }
0x1a2: {  	_ =	sdelay $0x2  }
0x1a3: {  	s19 =	sadd.s32 $0x10, s19;
	s22 =	smov.u32 s24;
	s20 =	sadd.s32 $0x10, s20  }
0x1a4: {  	s21 =	sand.u32 $0x1F0, s21;
	[tilespmem:s18+$0x0] =	vst v1  }
0x1a5: {  	v1 =	vld [tilespmem:s21+$0xC00];
	_ =	sdelay $0x4  }
0x1a6: {  	v2 =	vsub.s32 v1, v0  }
0x1a7: {  	v1 =	vand.u32 $0x7F, v1;
	v2 =	vand.u32 $0xFFFFFF80, v2  }
0x1a8: {  	v1 =	vor.u32 v1, v2;
	_ =	sdelay $0x4  }
0x1a9: {  	v2 =	vld.idx.msk [tilespmem:v1+s10+$0x0], $0xffff;
	_ =	sdelay $0x3  }
0x1aa: {  	s17 =	sadd.s32 $0x10, s17  }
0x1ab: {  	[tilespmem:s17+$0x0] =	vst v2  }
0x1ac: {  	v2 =	vld.idx.msk [tilespmem:v1+s11+$0x0], $0xffff;
	_ =	sdelay $0x4  }
0x1ad: {  	[tilespmem:s20+$0x0] =	vst v2  }
0x1ae: {  	v1 =	vld.idx.msk [tilespmem:v1+s12+$0x0], $0xffff;
	_ =	sdelay $0x4  }
0x1af: {  	s21 =	rddreg [dreg:$0x19];
	s17 =	simm.s32 $0x14000;
	[tilespmem:s19+$0x0] =	vst v1;
	s19 =	simm.s32 $0x0  }
0x1b0: {  	[hbm4b:s21+s19] =	stream.linear.scatter [tilespmem:s17], [sflag:$0x2], $0x200, $0x38;
	[tilespmem:$0x14600] =	vst v63  }
0x1b1: {  	_ =	swait.ge [sflag:s9], $0x200  }
0x1b2: {  	[sflag:s9] =	ssyncset.done $0x0  }
0x1b3: {  	s20 =	simm.s32 $0x14200;
	s22 =	rddreg [dreg:$0x1a];
	[sflag:s9] =	ssyncadd.s32 $0xFFFFFE00  }
0x1b4: {  	[hbm4b:s22+s19] =	stream.linear.scatter [tilespmem:s20], [sflag:$0x2], $0x200, $0x38;
	[tilespmem:$0x14600] =	vst v63  }
0x1b5: {  	_ =	swait.ge [sflag:s9], $0x200  }
0x1b6: {  	[sflag:s9] =	ssyncset.done $0x0  }
0x1b7: {  	s18 =	simm.s32 $0x14400;
	s23 =	rddreg [dreg:$0x1b];
	[sflag:s9] =	ssyncadd.s32 $0xFFFFFE00  }
0x1b8: {  	[hbm4b:s23+s19] =	stream.linear.scatter [tilespmem:s18], [sflag:$0x2], $0x200, $0x38;
	[tilespmem:$0x14600] =	vst v63  }
0x1b9: {  	_ =	swait.ge [sflag:s9], $0x200  }
0x1ba: {  	[sflag:s9] =	ssyncset.done $0x0  }
0x1bb: {  	[sflag:s9] =	ssyncadd.s32 $0xFFFFFE00  }
0x1bc: {  	_ =	swait.ge [sflag:s15], $0x10000  }
0x1bd: {  	[sflag:s15] =	ssyncset.done $0x0  }
0x1be: {  	[sflag:s15] =	ssyncadd.s32 $0xFFFF0000  }
0x1bf: {  	[hbm4b:s4+s19] =	stream.linear.scatter [tilespmem:s14], [sflag:$0x2], $0x10000, $0x38;
	[tilespmem:$0x14600] =	vst v63  }
0x1c0: {  	_ =	swait.ge [sflag:s9], $0x10000  }
0x1c1: {  	[sflag:s9] =	ssyncset.done $0x0  }
0x1c2: {  	s24 =	simm.s32 $0xE00;
	s19 =	sand.u32 $0x1F0, s19;
	[sflag:s9] =	ssyncadd.s32 $0xFFFF0000  }
0x1c3: {  	[tilespmem:s14], [sflag:$0x1] =	stream.indirect.gather [hbm4b:s3+s13], $0x80, s24, s13, $0xb8;
	[tilespmem:$0x14600] =	vst v63  }
0x1c4: {  	v1 =	vld [tilespmem:s19+$0xE00];
	_ =	sdelay $0x4  }
0x1c5: {  	v2 =	vsub.s32 v1, v0  }
0x1c6: {  	v1 =	vand.u32 $0x7F, v1;
	v2 =	vand.u32 $0xFFFFFF80, v2  }
0x1c7: {  	v1 =	vor.u32 v1, v2;
	_ =	sdelay $0x4  }
0x1c8: {  	v2 =	vld.idx.msk [tilespmem:v1+s10+$0x0], $0xffff;
	_ =	sdelay $0x4  }
0x1c9: {  	[tilespmem:s17+$0x0] =	vst v2  }
0x1ca: {  	v2 =	vld.idx.msk [tilespmem:v1+s11+$0x0], $0xffff;
	_ =	sdelay $0x4  }
0x1cb: {  	[tilespmem:s20+$0x0] =	vst v2  }
0x1cc: {  	v1 =	vld.idx.msk [tilespmem:v1+s12+$0x0], $0xffff;
	_ =	sdelay $0x1  }
0x1cd: {  	s21 =	simm.s32 $0x10  }
0x1ce: {  	s22 =	simm.s32 $0x20;
	s19 =	simm.s32 $0x14410;
	s20 =	simm.s32 $0x14210  }
.LBB2_16:
0x1cf: {  	s23 =	sand.u32 $0x1F0, s21;
	s17 =	sadd.s32 $0x10, s17  }
0x1d0: {  	[tilespmem:s18+$0x0] =	vst v1;
	s21 =	smov.u32 s22;
	s24 =	sadd.s32 $0x10, s22;
	s18 =	smov.u32 s19  }
0x1d1: {  	p0 =	sne.s32 s22, $0x1F0;
	v1 =	vld [tilespmem:s23+$0xE00];
	_ =	sdelay $0x4  }
0x1d2: {  	v2 =	vsub.s32 v1, v0  }
0x1d3: {  	v1 =	vand.u32 $0x7F, v1;
	v2 =	vand.u32 $0xFFFFFF80, v2  }
0x1d4: {  	v1 =	vor.u32 v1, v2;
	_ =	sdelay $0x4  }
0x1d5: {  	v2 =	vld.idx.msk [tilespmem:v1+s10+$0x0], $0xffff;
	_ =	sdelay $0x5  }
0x1d6: {  	[tilespmem:s17+$0x0] =	vst v2  }
0x1d7: {  	v2 =	vld.idx.msk [tilespmem:v1+s11+$0x0], $0xffff;
	_ =	sdelay $0x5  }
0x1d8: {  	[tilespmem:s20+$0x0] =	vst v2  }
0x1d9: {  	v1 =	vld.idx.msk [tilespmem:v1+s12+$0x0], $0xffff  }
.Ltmp7:
0x1da: {  	(pc) =	sbr.rel @p0 .LBB2_16-.Ltmp7, $2  }
0x1db: {  	_ =	sdelay $0x2  }
0x1dc: {  	s19 =	sadd.s32 $0x10, s19;
	s22 =	smov.u32 s24;
	s20 =	sadd.s32 $0x10, s20  }
0x1dd: {  	s21 =	sand.u32 $0x1F0, s21;
	[tilespmem:s18+$0x0] =	vst v1  }
0x1de: {  	v1 =	vld [tilespmem:s21+$0xE00];
	_ =	sdelay $0x4  }
0x1df: {  	v2 =	vsub.s32 v1, v0  }
0x1e0: {  	v1 =	vand.u32 $0x7F, v1;
	v2 =	vand.u32 $0xFFFFFF80, v2  }
0x1e1: {  	v1 =	vor.u32 v1, v2;
	_ =	sdelay $0x4  }
0x1e2: {  	v2 =	vld.idx.msk [tilespmem:v1+s10+$0x0], $0xffff;
	_ =	sdelay $0x3  }
0x1e3: {  	s17 =	sadd.s32 $0x10, s17  }
0x1e4: {  	[tilespmem:s17+$0x0] =	vst v2  }
0x1e5: {  	v2 =	vld.idx.msk [tilespmem:v1+s11+$0x0], $0xffff;
	_ =	sdelay $0x4  }
0x1e6: {  	[tilespmem:s20+$0x0] =	vst v2  }
0x1e7: {  	v1 =	vld.idx.msk [tilespmem:v1+s12+$0x0], $0xffff;
	_ =	sdelay $0x4  }
0x1e8: {  	s22 =	simm.s32 $0x14000;
	s21 =	rddreg [dreg:$0x1c];
	[tilespmem:s19+$0x0] =	vst v1  }
0x1e9: {  	[hbm4b:s21+s28] =	stream.linear.scatter [tilespmem:s22], [sflag:$0x2], $0x200, $0x38;
	[tilespmem:$0x14600] =	vst v63  }
0x1ea: {  	_ =	swait.ge [sflag:s9], $0x200  }
0x1eb: {  	[sflag:s9] =	ssyncset.done $0x0  }
0x1ec: {  	s23 =	simm.s32 $0x14200;
	[sflag:s9] =	ssyncadd.s32 $0xFFFFFE00  }
0x1ed: {  	[hbm4b:s25+s28] =	stream.linear.scatter [tilespmem:s23], [sflag:$0x2], $0x200, $0x38;
	[tilespmem:$0x14600] =	vst v63  }
0x1ee: {  	_ =	swait.ge [sflag:s9], $0x200  }
0x1ef: {  	[sflag:s9] =	ssyncset.done $0x0  }
0x1f0: {  	s24 =	simm.s32 $0x14400;
	[sflag:s9] =	ssyncadd.s32 $0xFFFFFE00  }
0x1f1: {  	[hbm4b:s26+s28] =	stream.linear.scatter [tilespmem:s24], [sflag:$0x2], $0x200, $0x38;
	[tilespmem:$0x14600] =	vst v63  }
0x1f2: {  	_ =	swait.ge [sflag:s9], $0x200  }
0x1f3: {  	[sflag:s9] =	ssyncset.done $0x0  }
0x1f4: {  	[sflag:s9] =	ssyncadd.s32 $0xFFFFFE00  }
0x1f5: {  	s16 =	sadd.s32 $0x1, s16;
	_ =	swait.ge [sflag:s15], $0x10000  }
0x1f6: {  	p0 =	sne.s32 s16, s8;
	[sflag:s15] =	ssyncset.done $0x0  }
.Ltmp8:
0x1f7: {  	[sflag:s15] =	ssyncadd.s32 $0xFFFF0000;
	(pc) =	sbr.rel @p0 .LBB2_1-.Ltmp8, $4  }
0x1f8: {  	[hbm4b:s5+s28] =	stream.linear.scatter [tilespmem:s14], [sflag:$0x2], $0x10000, $0x38;
	[tilespmem:$0x14600] =	vst v63  }
0x1f9: {  	_ =	swait.ge [sflag:s9], $0x10000  }
0x1fa: {  	[sflag:s9] =	ssyncset.done $0x0  }
0x1fb: {  	[sflag:s9] =	ssyncadd.s32 $0xFFFF0000  }
0x1fc: {  	_ =	sfence.sel $0x180000  }
0x1fd: {  	[bflag:$0x0] =	sbarrier.arrive $0xFFFF  }
0x1fe: {  	_ =	strace $0x90000047  }
0x1ff: {  	s0 =	stileid.u32;
	[bflag:$0x2] =	sbarrier.arrive $0xFFFF  }
0x200: {  	p0 =	sne.s32 s0, $0x0;
	s0 =	rddreg [dreg:$0x4]  }
0x201: {  	s0 =	sadd.s32 @!p0 $0x100000, s0  }
0x202: {  	[sflag:s0] =	ssyncadd.tile.s32 @!p0 $0x1;
	_ =	shalt  }
.Lfunc_end2:
_tile_overlayer_lowered:
.L_overlay_start_2:
0x203: {  	(tag) =	ssettag $0x2  }
0x204: {  	s0 =	rddreg [dreg:$0x0];
	s2 =	stileid.u32  }
0x205: {  	s1 =	rddreg [dreg:$0x1];
	p0 =	sne.s32 s2, $0x0  }
0x206: {  	s3 =	rddreg [dreg:$0x2];
	[bflag:$0x3] =	sbarrier.arrive $0xFFFF;
	s2 =	simm.s32 @!p0 $0x1C02  }
0x207: {  	[timem:s3], [sflag:s2] =	dma.local @!p0 [hbm:s0], s1  }
0x208: {  	s0 =	simm.s32 @!p0 $0x2  }
0x209: {  	_ =	swait.ge @!p0 [sflag:s0], s1  }
0x20a: {  	s1 =	ssub.s32 @!p0 $0x0, s1;
	[sflag:s0] =	ssyncset.done @!p0 $0x0  }
0x20b: {  	[sflag:s0] =	ssyncadd.s32 @!p0 s1  }
0x20c: {  	[bflag:$0x3] =	sbarrier.arrive $0xFFFF  }
0x20d: {  	_ =	shalt  }

// kernel: sparse-core-data-format-call.cloned.1.call-start
scs
called_computation_lowered:
.L_overlay_start_0:
0x0: {  	s2 =	sld [smem:$0x3FD9]  }
0x1: {  	s3 =	sld [smem:$0x3FFE];
	_ =	sdelay $0x1  }
0x2: {  	s1 =	srdreg.scid  }
0x3: {  	s0 =	sand.u32 $0x1, s1  }
0x4: {  	s15 =	sshll.u32 s0, $0xA;
	s2 =	sadd.s32 s3, s2  }
0x5: {  	s2 =	sadd.s32 s2, s15  }
0x6: {  	[smem:$0x3FBE] =	sst s2  }
0x7: {  	_ = 	snop  }
0x8: {  	s2 =	sld [smem:$0x3FD0];
	_ =	sdelay $0x2  }
0x9: {  	s16 =	simm.s32 $0xA;
	s4 =	simm.s32 $0x10  }
0xa: {  	[smem:s4], [sflag:s16] =	dma.local [hbm:s2], $0x1  }
0xb: {  	_ =	swait.eq [sflag:s16], $0x1  }
0xc: {  	[sflag:s16] =	ssyncset.done $0x0  }
0xd: {  	[sflag:s16] =	ssyncadd.s32 $0xFFFFFFFF  }
0xe: {  	s17 =	sld [smem:$0x13];
	(tm) =	ssettm $0x1  }
0xf: {  	s18 =	sld [smem:$0x3FFB];
	_ =	sdelay $0x3  }
0x10: {  	_ =	strace s18  }
0x11: {  	s3 =	sld [smem:$0x3FFC];
	_ =	sdelay $0x3  }
0x12: {  	_ =	strace s3  }
0x13: {  	s3 =	sld [smem:$0x3FFD];
	_ =	sdelay $0x3  }
0x14: {  	_ =	strace s3  }
0x15: {  	_ =	strace $0x8FFFFFFF  }
0x16: {  	s19 =	sld [smem:$0x3FDB];
	_ =	sdelay $0x1  }
0x17: {  	s20 =	simm.s32 $_scs_section_size  }
0x18: {  	s5 =	simm.s32 $_size__tile_overlayer_lowered;
	s6 =	simm.s32 $_tile_overlayer_lowered  }
0x19: {  	s23 =	simm.s32 $0x1BFF;
	s22 =	sshll.u32 s6, $0x1;
	s3 =	sadd.s32 s20, s19  }
0x1a: {  	s7 =	simm.s32 $0x0;
	s21 =	sshll.u32 s5, $0x1;
	s5 =	sadd.s32 s22, s3  }
0x1b: {  	[timem:s7], [sflag:s23] =	dma.local [hbm:s5], s21  }
0x1c: {  	_ =	swait.ge [sflag:s23], s21  }
0x1d: {  	s4 =	ssub.s32 $0x0, s21;
	[sflag:s23] =	ssyncset.done $0x0  }
0x1e: {  	[sflag:s23] =	ssyncadd.s32 s4;
	_ =	sdelay $0x1  }
0x1f: {  	s24 =	simm.s32 $0x1B8B  }
0x20: {  	_ =	swait.ge [sflag:s24], $0x1  }
0x21: {  	[sflag:s24] =	ssyncset.done $0x0  }
0x22: {  	s26 =	simm.s32 $0x1B8E;
	s25 =	sld [smem:$0x3FFE];
	[sflag:s24] =	ssyncadd.s32 $0xFFFFFFFF  }
0x23: {  	s27 =	simm.s32 $execute0_lowered;
	[smem:$0x3FD2] =	sst s26  }
0x24: {  	s5 =	sshll.u32 s27, $0x1;
	_ =	strace $0x80000049;
	[dreg:$0x1] =	wrdreg $0xFFFFFFFF  }
0x25: {  	s28 =	simm.s32 $_size_execute0_lowered;
	s3 =	sadd.s32 s3, s5;
	[dreg:$0x0] =	wrdreg $0x0  }
0x26: {  	s5 =	sshll.u32 s28, $0x1;
	[dreg:$0x2] =	wrdreg s3  }
0x27: {  	[dreg:$0x3] =	wrdreg s5  }
0x28: {  	[dreg:$0x4] =	wrdreg $0xC0  }
0x29: {  	_ =	task [dreg:s7], $0x5FFFF  }
0x2a: {  	[dreg:$0x1] =	wrdreg $0xFFFFFFFF  }
0x2b: {  	[dreg:$0x0] =	wrdreg $0x60  }
0x2c: {  	[dreg:$0x2] =	wrdreg s25  }
0x2d: {  	[dreg:$0x3] =	wrdreg s17  }
0x2e: {  	[dreg:$0x4] =	wrdreg $0x9  }
0x2f: {  	_ =	task.clear_ibuf [dreg:s7], $0x5FFFF;
	_ =	strace $0x90000049  }
0x30: {  	s29 =	simm.s32 $0x9;
	_ =	strace $0x8000004B  }
0x31: {  	_ =	swait.ge [sflag:s29], $0x1  }
0x32: {  	[sflag:s29] =	ssyncadd.s32 $0xFFFFFFFF  }
0x33: {  	_ =	strace $0x9000004B  }
0x34: {  	_ =	sfence  }
0x35: {  	s30 =	sld [smem:$0x0];
	_ =	sdelay $0x2  }
0x36: {  	s31 =	sshll.u32 s1, $0xD;
	s1 =	sshrl.u32 s1, $0x2  }
0x37: {  	s3 =	sand.u32 $0x4000, s31;
	s1 =	sadd.s32 s1, s30  }
0x38: {  	s0 =	sor.u32 s3, s0;
	s1 =	sshll.u32 s1, $0x11  }
0x39: {  	s0 =	sor.u32 s1, s0  }
0x3a: {  	s0 =	sadd.s32 $0x8F2B, s0  }
0x3b: {  	[sflag:s0] =	ssyncadd.remote.s32 $0x1  }
0x3c: {  	_ =	sfence.sel $0xFFFF  }
0x3d: {  	[dreg:$0x0] =	wrdreg $0xFFFFFFFF;
	(pc) =	sbr.abs _section_cstart, $3  }
0x3e: {  	[dreg:$0x1] =	wrdreg $0xFFFFFFFF  }
0x3f: {  	_ =	task.clear_ibuf [dreg:s7], $0x2FFFF;
	_ =	strace $0x9FFFFFFF  }
0x40: {  	(tm) =	ssettm $0x7FFFFFFF  }
0x41: {  	_ =	shalt  }
tec
execute0_lowered:
.L_overlay_start_1:
0x0: {  	(tag) =	ssettag $0x1  }
0x1: {  	s0 =	stileid.u32;
	s4 =	rddreg [dreg:$0x0]  }
0x2: {  	s1 =	srdreg.scid;
	s3 =	rddreg [dreg:$0x1]  }
0x3: {  	s8 =	simm.s32 $0x2;
	s15 =	simm.s32 $0x0;
	s9 =	simm.s32 $0x4000  }
0x4: {  	s18 =	simm.s32 $0x0;
	s2 =	sshll.u32 s0, $0x4;
	s1 =	sshll.u32 s1, $0x8  }
0x5: {  	s16 =	simm.s32 $0x0;
	s17 =	simm.s32 $0x0;
	s1 =	sor.u32 s2, s1  }
0x6: {  	s10 =	simm.s32 $0x0;
	s11 =	simm.s32 $0x0;
	s2 =	sand.u32 $0x180, s1  }
0x7: {  	s14 =	simm.s32 $0x0;
	s4 =	sadd.s32 $0x76E00, s4;
	s5 =	ssub.s32 $0x400, s2  }
0x8: {  	s1 =	rddreg [dreg:$0x2];
	_ =	strace $0x8000004A;
	s6 =	sand.u32 $0x180, s5  }
.Ltmp0:
0x9: {  	p0 =	sne.s32 s6, $0x0;
	s6 =	simm.s32 $0x1;
	(pc) =	sbr.rel .LBB1_1-.Ltmp0, $4  }
0xa: {  	s7 =	sshrl.u32 s5, $0x9;
	s5 =	simm.s32 $0x1;
	s6 =	simm.s32 @!p0 $0x0  }
0xb: {  	s12 =	smov.u32 s2;
	[sflag:s5] =	ssyncpa.u1 $0x0;
	s6 =	sadd.s32 s6, s7  }
0xc: {  	[sflag:s8] =	ssyncpa.u1 $0x0;
	s7 =	sand.u32 $0x7, s0;
	s6 =	sshll.u32 s6, $0x5  }
0xd: {  	p0 =	por $0x0, $0x0;
	s13 =	smov.u32 s7;
	s8 =	sor.u32 $0x1, s6  }
.LBB1_4:
0xe: {  	v5 =	vld [tilespmem:s21+$0xFFFFFFD0];
	[tilespmem:s22+$0x2040 ss:$0x81] =	vst.msk $0xffff, v1  }
0xf: {  	v58 =	vld [tilespmem:s21+$0xFFFFFFE0];
	[tilespmem:s22+$0x2850 ss:$0x81] =	vst.msk $0xffff, v2  }
0x10: {  	s23 =	sshra.s32 s23, $0x2;
	v59 =	vld [tilespmem:s21+$0xFFFFFFF0];
	[tilespmem:s22+$0x3060 ss:$0x81] =	vst.msk $0xffff, v3  }
0x11: {  	v60 =	vld [tilespmem:s21+$0x0];
	[tilespmem:s22+$0x0 ss:$0x81] =	vst.msk $0xffff, v0;
	s20 =	sadd.s32 s23, s20  }
0x12: {  	v61 =	vld [tilespmem:s21+$0x10];
	s25 =	sand.u32 $0x78, s16;
	[tilespmem:s20+$0x3870 ss:$0x81] =	vst.msk $0xffff, v4  }
0x13: {  	v62 =	vld [tilespmem:s21+$0x20];
	s26 =	sshll.u32 s18, $0xA;
	s24 =	sshll.u32 s16, $0x3;
	s27 =	sshll.u32 s18, $0x7;
	[tilespmem:s20+$0x810 ss:$0x81] =	vst.msk $0xffff, v5  }
0x14: {  	v63 =	vld [tilespmem:s21+$0xFFFFFFC0];
	s17 =	sshll.u32 s17, $0x13;
	s15 =	sshll.u32 s15, $0xB;
	s30 =	sand.u32 $0x7, s16;
	[tilespmem:s20+$0x1020 ss:$0x81] =	vst.msk $0xffff, v58  }
0x15: {  	s28 =	sand.u32 $0x2000, s26;
	s29 =	sand.u32 $0x3C00, s24;
	s18 =	sand.u32 $0x380, s27;
	[tilespmem:s20+$0x1830 ss:$0x81] =	vst.msk $0xffff, v59  }
0x16: {  	s17 =	sadd.s32 s3, s17;
	s21 =	sadd.s32 s29, s28;
	s18 =	sor.u32 s25, s18;
	[tilespmem:s20+$0x2040 ss:$0x81] =	vst.msk $0xffff, v60  }
0x17: {  	s15 =	sadd.s32 s15, s17;
	s21 =	sshrl.u32 s21, $0x3;
	s18 =	sshrl.u32 s18, $0x3;
	[tilespmem:s20+$0x2850 ss:$0x81] =	vst.msk $0xffff, v61  }
0x18: {  	s16 =	sshll.u32 s30, $0x12;
	s31 =	sand.u32 $0x780, s21;
	s15 =	sadd.s32 s18, s15;
	[tilespmem:s20+$0x3060 ss:$0x81] =	vst.msk $0xffff, v62  }
0x19: {  	s16 =	sor.u32 $0x80, s16;
	[tilespmem:s20+$0x0 ss:$0x81] =	vst.msk $0xffff, v63;
	s15 =	sadd.s32 s31, s15  }
0x1a: {  	[hbm4b:s15+s16] =	stream.strided.scatter [tilespmem:s19], [sflag:$0x2], $0x4000, s9, s16, $0x20;
	[tilespmem:$0x10100] =	vst v63  }
.LBB1_5:
0x1b: {  	s19 =	sadd.s32 $0x80, s10  }
0x1c: {  	s15 =	simm.s32 $0x1;
	p2 =	sgt.s32 s19, $0xFF  }
0x1d: {  	s15 =	simm.s32 @!p2 $0x0  }
0x1e: {  	s20 =	sadd.s32 s15, s11  }
0x1f: {  	s21 =	smov.u32 s12;
	s15 =	sadd.s32 $0x200, s12;
	p3 =	sgt.s32 s20, $0xF  }
0x20: {  	s21 =	smov.u32 @p3 s15  }
0x21: {  	s22 =	smov.u32 s13;
	s15 =	sadd.s32 $0x8, s13;
	p4 =	sgt.s32 s21, $0x3FF  }
0x22: {  	p1 =	slt.u32 s14, $0x2;
	s22 =	smov.u32 @p4 s15  }
0x23: {  	s18 =	smov.u32 s11;
	s19 =	simm.s32 @p2 $0x0;
	p2 =	sgt.s32 s22, $0x7  }
0x24: {  	s23 =	simm.s32 @!p1 $0x2;
	s22 =	smov.u32 @p2 s7;
	p2 =	sne.s32 s14, s8  }
.Ltmp1:
0x25: {  	s16 =	smov.u32 s12;
	_ =	swait.ge @!p1 [sflag:s23], $0x4000;
	(pc) =	sbr.rel @!p2 .LBB1_6-.Ltmp1, $4  }
0x26: {  	s17 =	smov.u32 s13;
	[sflag:s23] =	ssyncset.done @!p1 $0x0;
	s20 =	simm.s32 @p3 $0x0  }
0x27: {  	p0 =	por !p0, !p0;
	[sflag:s23] =	ssyncadd.s32 @!p1 $0xFFFFC000;
	s11 =	smov.u32 s20  }
0x28: {  	s21 =	smov.u32 @p4 s2;
	s15 =	smov.u32 s10;
	s10 =	smov.u32 s19  }
0x29: {  	s12 =	smov.u32 s21;
	s14 =	sadd.s32 $0x1, s14;
	s13 =	smov.u32 s22  }
.LBB1_1:
0x2a: {  	p1 =	sge.u32 s14, s6;
	s31 =	sadd.s32 $0xFFFFFFFF, s14  }
0x2b: {  	s19 =	sxor.u32 @!p1 $0xFFFFFFFF, s14;
	s20 =	sand.u32 @!p1 $0x78, s10;
	s21 =	sshll.u32 @!p1 s11, $0x8  }
0x2c: {  	s22 =	sshll.u32 @!p1 s10, $0x3;
	s23 =	sshll.u32 @!p1 s11, $0x7;
	s19 =	sshll.u32 @!p1 s19, $0xE  }
0x2d: {  	s21 =	sand.u32 @!p1 $0x800, s21;
	s22 =	sand.u32 @!p1 $0xC00, s22;
	s19 =	sand.u32 @!p1 $0x4000, s19  }
0x2e: {  	s21 =	sadd.s32 @!p1 s21, s22;
	s22 =	sand.u32 @!p1 $0x300, s23;
	s23 =	sand.u32 @!p1 $0x80, s23  }
0x2f: {  	s21 =	sor.u32 @!p1 s22, s21;
	s20 =	sor.u32 @!p1 s20, s23;
	s22 =	sshll.u32 @!p1 s13, $0x13  }
0x30: {  	s23 =	sshll.u32 @!p1 s12, $0x9;
	s21 =	sshrl.u32 @!p1 s21, $0x3;
	s22 =	sadd.s32 @!p1 s4, s22  }
0x31: {  	s20 =	sshrl.u32 @!p1 s20, $0x3;
	s22 =	sadd.s32 @!p1 s23, s22;
	s23 =	sand.u32 @!p1 $0x7, s10  }
0x32: {  	s21 =	sand.u32 @!p1 $0x1E0, s21;
	s20 =	sadd.s32 @!p1 s20, s22;
	s22 =	sshll.u32 @!p1 s23, $0x12  }
0x33: {  	s20 =	sadd.s32 @!p1 s21, s20;
	s21 =	sor.u32 @!p1 $0x80, s22;
	s22 =	simm.s32 @!p1 $0x1000  }
0x34: {  	[tilespmem:s19], [sflag:$0x1] =	stream.strided.gather @!p1 [hbm4b:s20+s21], $0x4000, s22, s21, $0x38;
	[tilespmem:$0x10100] =	vst v63  }
0x35: {  	p1 =	sge.u32 s31, s6  }
.Ltmp2:
0x36: {  	_ = 	snop;
	(pc) =	sbr.rel @p1 .LBB1_5-.Ltmp2, $1  }
0x37: {  	_ =	sdelay $0x3  }
0x38: {  	s19 =	simm.s32 $0x1  }
0x39: {  	_ =	swait.ge [sflag:s5], $0x4000;
	s19 =	simm.s32 @!p0 $0x0  }
0x3a: {  	[sflag:s5] =	ssyncset.done $0x0;
	s20 =	sshll.u32 s19, $0xE  }
0x3b: {  	[sflag:s5] =	ssyncadd.s32 $0xFFFFC000;
	s21 =	sor.u32 $0x40, s20  }
0x3c: {  	s19 =	smul.u32 $0x10200, s19;
	v0 =	vld [tilespmem:s21+$0x30]  }
0x3d: {  	v3 =	vld [tilespmem:s21+$0xFFFFFFD0]  }
0x3e: {  	s19 =	sshrl.u32 s19, $0x2;
	v4 =	vld [tilespmem:s21+$0xFFFFFFE0]  }
0x3f: {  	v5 =	vld [tilespmem:s21+$0xFFFFFFF0];
	s20 =	sor.u32 $0x8000, s19  }
0x40: {  	s31 =	sand.u32 $0x1, s14;
	v1 =	vld [tilespmem:s21+$0x0];
	s22 =	sadd.s32 $0x0, s20  }
0x41: {  	v2 =	vld [tilespmem:s21+$0x10];
	s19 =	smul.u32 $0x10200, s31;
	[tilespmem:s22+$0x3870 ss:$0x81] =	vst.msk $0xffff, v0  }
0x42: {  	[tilespmem:s22+$0x810 ss:$0x81] =	vst.msk $0xffff, v3;
	v3 =	vld [tilespmem:s21+$0x20]  }
0x43: {  	s19 =	sshrl.u32 s19, $0x2;
	v0 =	vld [tilespmem:s21+$0xFFFFFFC0];
	[tilespmem:s22+$0x1020 ss:$0x81] =	vst.msk $0xffff, v4;
	s21 =	sadd.s32 $0x80, s21  }
0x44: {  	s23 =	simm.s32 $0x4;
	s24 =	simm.s32 $0x8;
	s19 =	sor.u32 $0x8000, s19;
	[tilespmem:s22+$0x1830 ss:$0x81] =	vst.msk $0xffff, v5;
	v4 =	vld [tilespmem:s21+$0x30]  }
.LBB1_3:
0x45: {  	p1 =	sne.s32 s24, $0x1FC;
	v5 =	vld [tilespmem:s21+$0xFFFFFFD0];
	[tilespmem:s22+$0x2040 ss:$0x81] =	vst.msk $0xffff, v1  }
0x46: {  	v6 =	vld [tilespmem:s21+$0xFFFFFFE0];
	[tilespmem:s22+$0x2850 ss:$0x81] =	vst.msk $0xffff, v2  }
0x47: {  	s25 =	sshra.s32 s23, $0x2;
	s23 =	smov.u32 s24;
	v7 =	vld [tilespmem:s21+$0xFFFFFFF0];
	[tilespmem:s22+$0x3060 ss:$0x81] =	vst.msk $0xffff, v3  }
.Ltmp3:
0x48: {  	v1 =	vld [tilespmem:s21+$0x0];
	[tilespmem:s22+$0x0 ss:$0x81] =	vst.msk $0xffff, v0;
	s22 =	sadd.s32 s25, s20;
	(pc) =	sbr.rel @p1 .LBB1_3-.Ltmp3, $4  }
0x49: {  	v2 =	vld [tilespmem:s21+$0x10];
	[tilespmem:s22+$0x3870 ss:$0x81] =	vst.msk $0xffff, v4  }
0x4a: {  	[tilespmem:s22+$0x810 ss:$0x81] =	vst.msk $0xffff, v5;
	v3 =	vld [tilespmem:s21+$0x20]  }
0x4b: {  	v0 =	vld [tilespmem:s21+$0xFFFFFFC0];
	[tilespmem:s22+$0x1020 ss:$0x81] =	vst.msk $0xffff, v6;
	s21 =	sadd.s32 $0x80, s21  }
0x4c: {  	s24 =	sadd.s32 $0x4, s24;
	v4 =	vld [tilespmem:s21+$0x30];
	[tilespmem:s22+$0x1830 ss:$0x81] =	vst.msk $0xffff, v7  }
.Ltmp4:
0x4d: {  	_ = 	snop;
	(pc) =	sbr.rel .LBB1_4-.Ltmp4, $1  }
0x4e: {  	_ =	sdelay $0x3  }
.LBB1_6:
0x4f: {  	_ =	sfence.sel $0x180000  }
0x50: {  	s2 =	simm.s32 $0x1;
	[bflag:$0x0] =	sbarrier.arrive $0xFFFF  }
0x51: {  	s31 =	simm.s32 $0x2;
	[sflag:s2] =	ssyncpa.u1 $0x1  }
0x52: {  	[sflag:s31] =	ssyncpa.u1 $0x1  }
0x53: {  	p0 =	sne.s32 s0, $0x0;
	_ =	strace $0x9000004A  }
0x54: {  	s0 =	sadd.s32 @!p0 $0x100000, s1;
	[bflag:$0x2] =	sbarrier.arrive $0xFFFF  }
0x55: {  	[sflag:s0] =	ssyncadd.tile.s32 @!p0 $0x1;
	_ =	shalt  }
.Lfunc_end1:
_tile_overlayer_lowered:
.L_overlay_start_2:
0x56: {  	(tag) =	ssettag $0x2  }
0x57: {  	s0 =	rddreg [dreg:$0x0];
	s2 =	stileid.u32  }
0x58: {  	s1 =	rddreg [dreg:$0x1];
	p0 =	sne.s32 s2, $0x0  }
0x59: {  	s3 =	rddreg [dreg:$0x2];
	[bflag:$0x3] =	sbarrier.arrive $0xFFFF;
	s2 =	simm.s32 @!p0 $0x1C01  }
0x5a: {  	[timem:s3], [sflag:s2] =	dma.local @!p0 [hbm:s0], s1  }
0x5b: {  	s0 =	simm.s32 @!p0 $0x1  }
0x5c: {  	_ =	swait.ge @!p0 [sflag:s0], s1  }
0x5d: {  	s1 =	ssub.s32 @!p0 $0x0, s1;
	[sflag:s0] =	ssyncset.done @!p0 $0x0  }
0x5e: {  	[sflag:s0] =	ssyncadd.s32 @!p0 s1  }
0x5f: {  	[bflag:$0x3] =	sbarrier.arrive $0xFFFF  }
0x60: {  	_ =	shalt  }

</sc_bundles>
